<compile_context>
chip_gen: v7x
topology: tpu7x:2x2x1
jax: 0.10.2.dev20260603
libtpu: 0.0.44.dev20260713+nightly
codegen_flags: <defaults>
</compile_context>

<pallas_src>
import functools

import jax
import jax.numpy as jnp
from jax import lax
from jax.experimental import pallas as pl
from jax.experimental.pallas import tpu as pltpu
from jax.experimental.pallas import tpu_sc as plsc

N = 10000
E = 160000
D = 256
H = 256
O = 64
NP = 10240
NC = 2
NS = 16
HH = H // 2
NH = NP // 2
GR = NH
AR = NH + 8
SENT = NP - 1

KB = 128
EP = 163840
NB1 = EP // (NC * NS) // KB
NB2 = EP // NS // KB
NSLOT = 3
RPT = NP // NS
ZR = NH // NS

_mesh = plsc.VectorSubcoreMesh(
    core_axis_name="c", subcore_axis_name="s", num_cores=NC, num_subcores=NS
)


def _zero_1d(ref, n):
    def body(i, _):
        ref[pl.ds(i * 16, 16)] = jnp.zeros((16,), jnp.float32)
        return 0
    lax.fori_loop(0, n // 16, body, 0)


def _zero_2d(ref, rows, cols):
    def body(i, _):
        r = i // (cols // 16)
        j = i % (cols // 16)
        ref[r, pl.ds(j * 16, 16)] = jnp.zeros((16,), jnp.float32)
        return 0
    lax.fori_loop(0, rows * (cols // 16), body, 0)


@functools.partial(
    pl.kernel,
    out_type=[
        jax.ShapeDtypeStruct((NP,), jnp.float32),
        jax.ShapeDtypeStruct((NP,), jnp.float32),
    ],
    mesh=_mesh,
    scratch_types=[
        pltpu.VMEM((NB1, KB), jnp.int32),
        pltpu.VMEM((KB,), jnp.float32),
        pltpu.VMEM((RPT,), jnp.float32),
        pltpu.VMEM_SHARED((NP,), jnp.float32),
    ],
)
def _deg_kernel(dst2d, cnt0, cnt1, dstb, ones, zbuf, acc):
    c = lax.axis_index("c")
    s = lax.axis_index("s")
    _zero_1d(zbuf, RPT)
    for j in range(8):
        ones[pl.ds(j * 16, 16)] = jnp.ones((16,), jnp.float32)
    pltpu.sync_copy(zbuf, acc.at[pl.ds(s * RPT, RPT)])
    row0 = (c * NS + s) * NB1
    pltpu.sync_copy(dst2d.at[pl.ds(row0, NB1)], dstb)
    plsc.subcore_barrier()

    def body(i, _):
        pltpu.sync_copy(ones, acc.at[dstb.at[i]], add=True)
        return 0

    lax.fori_loop(0, NB1, body, 0)
    plsc.subcore_barrier()

    @pl.when(c == 0)
    def _():
        pltpu.sync_copy(acc.at[pl.ds(s * RPT, RPT)], cnt0.at[pl.ds(s * RPT, RPT)])

    @pl.when(c == 1)
    def _():
        pltpu.sync_copy(acc.at[pl.ds(s * RPT, RPT)], cnt1.at[pl.ds(s * RPT, RPT)])


@functools.partial(
    pl.kernel,
    out_type=[
        jax.ShapeDtypeStruct((NP,), jnp.float32),
        jax.ShapeDtypeStruct((NP,), jnp.float32),
    ],
    mesh=_mesh,
    scratch_types=[
        pltpu.VMEM((NB1, KB), jnp.int32),
        pltpu.VMEM((NB1, KB), jnp.int32),
        pltpu.VMEM((2, KB), jnp.float32),
        pltpu.VMEM((RPT,), jnp.float32),
        pltpu.VMEM_SHARED((NP,), jnp.float32),
        pltpu.SemaphoreType.DMA((2,)),
    ],
)
def _cprime_kernel(src2d, dst2d, dinvp, outC0, outC1,
                   srcb, dstb, dbuf, zbuf, accc, gsem):
    c = lax.axis_index("c")
    s = lax.axis_index("s")
    _zero_1d(zbuf, RPT)
    pltpu.sync_copy(zbuf, accc.at[pl.ds(s * RPT, RPT)])
    row0 = (c * NS + s) * NB1
    pltpu.sync_copy(src2d.at[pl.ds(row0, NB1)], srcb)
    pltpu.sync_copy(dst2d.at[pl.ds(row0, NB1)], dstb)
    plsc.subcore_barrier()

    def gissue(i, slot):
        pltpu.async_copy(dinvp.at[dstb.at[i]], dbuf.at[slot], gsem.at[slot])

    def gwait(i, slot):
        pltpu.make_async_copy(
            dinvp.at[dstb.at[i]], dbuf.at[slot], gsem.at[slot]).wait()

    gissue(0, 0)

    def body(i, _):
        slot = lax.rem(i, 2)
        other = 1 - slot
        gwait(i, slot)

        @pl.when(i + 1 < NB1)
        def _():
            gissue(i + 1, other)

        pltpu.sync_copy(dbuf.at[slot], accc.at[srcb.at[i]], add=True)
        return 0

    lax.fori_loop(0, NB1, body, 0)
    plsc.subcore_barrier()

    @pl.when(c == 0)
    def _():
        pltpu.sync_copy(accc.at[pl.ds(s * RPT, RPT)], outC0.at[pl.ds(s * RPT, RPT)])

    @pl.when(c == 1)
    def _():
        pltpu.sync_copy(accc.at[pl.ds(s * RPT, RPT)], outC1.at[pl.ds(s * RPT, RPT)])


EPT = EP // NS


@functools.partial(
    pl.kernel,
    out_type=[
        jax.ShapeDtypeStruct((NP, HH), jnp.float32),
        jax.ShapeDtypeStruct((NP, HH), jnp.float32),
    ],
    mesh=_mesh,
    scratch_types=[
        pltpu.VMEM((NB2, KB), jnp.int32),
        pltpu.VMEM((NB2, KB), jnp.int32),
        pltpu.VMEM((NB2, KB), jnp.int32),
        pltpu.VMEM((NB2, KB), jnp.int32),
        pltpu.VMEM((2, KB, HH), jnp.float32),
        pltpu.VMEM((32, HH), jnp.float32),
        pltpu.VMEM((RPT,), jnp.float32),
        pltpu.VMEM((32,), jnp.int32),
        pltpu.VMEM_SHARED((AR, HH), jnp.float32),
        pltpu.SemaphoreType.DMA((2,)),
        pltpu.SemaphoreType.DMA((2,)),
    ],
    compiler_params=pltpu.CompilerParams(needs_layout_passes=False),
)
def _edge_kernel(src2d, dst2d, glo, ghi,
                 out_lo, out_hi,
                 srcA2, dstA2, srcB2, dstB2,
                 rows, zbuf2, zbuf1, cntbuf, acc, gsem, ssem):
    del cntbuf
    c = lax.axis_index("c")
    s = lax.axis_index("s")
    _zero_2d(zbuf2, 32, HH)
    _zero_1d(zbuf1, RPT)

    def zero_acc():
        for k in range(ZR // 32):
            pltpu.sync_copy(zbuf2, acc.at[pl.ds(s * ZR + k * 32, 32)])

        @pl.when(s == 0)
        def _():
            pltpu.sync_copy(zbuf2.at[pl.ds(0, 8)], acc.at[pl.ds(NH, 8)])

    def scatter_loop(gtab, srcl, dstl, nb):
        def gissue(i, slot):
            pltpu.async_copy(gtab.at[srcl.at[i]], rows.at[slot], gsem.at[slot])

        def gwait(i, slot):
            pltpu.make_async_copy(
                gtab.at[srcl.at[i]], rows.at[slot], gsem.at[slot]).wait()

        def sissue(i, slot):
            pltpu.async_copy(rows.at[slot], acc.at[dstl.at[i]],
                             ssem.at[slot], add=True)

        def swait(i, slot):
            pltpu.make_async_copy(
                rows.at[slot], acc.at[dstl.at[i]], ssem.at[slot]).wait()

        @pl.when(nb >= 1)
        def _():
            gissue(0, 0)

        def body(i, _):
            @pl.when(i < nb)
            def _():
                slot = lax.rem(i, 2)
                other = 1 - slot

                @pl.when(i >= 1)
                def _():
                    swait(i - 1, other)

                @pl.when(i + 1 < nb)
                def _():
                    gissue(i + 1, other)

                gwait(i, slot)
                sissue(i, slot)
            return 0

        lax.fori_loop(0, NB2, body, 0)

        @pl.when(nb >= 1)
        def _():
            swait(nb - 1, lax.rem(nb - 1, 2))

    def copy_out(dest, half):
        pltpu.sync_copy(acc.at[pl.ds(s * ZR, ZR)],
                        dest.at[pl.ds(half * NH + s * ZR, ZR)])

    zero_acc()
    pltpu.sync_copy(src2d.at[pl.ds(s * NB2, NB2)], srcA2)
    pltpu.sync_copy(dst2d.at[pl.ds(s * NB2, NB2)], dstA2)

    def part(v, carry):
        cntAv, cntBv = carry
        r0 = v // (KB // 16)
        c0 = (v % (KB // 16)) * 16
        sv = srcA2[r0, pl.ds(c0, 16)]
        dv = dstA2[r0, pl.ds(c0, 16)]
        mA = dv < NH
        iA = mA.astype(jnp.int32)
        iB = 1 - iA
        csA = plsc.cumsum(iA)
        csB = plsc.cumsum(iB)
        posA = cntAv + csA - 1
        posB = cntBv + csB - 1
        rowA = lax.shift_right_logical(posA, 7)
        colA = lax.bitwise_and(posA, 127)
        rowB = lax.shift_right_logical(posB, 7)
        colB = lax.bitwise_and(posB, 127)
        mB = jnp.logical_not(mA)
        plsc.store_scatter(srcA2, [rowA, colA], sv, mask=mA)
        plsc.store_scatter(dstA2, [rowA, colA], dv, mask=mA)
        plsc.store_scatter(srcB2, [rowB, colB], sv, mask=mB)
        plsc.store_scatter(dstB2, [rowB, colB], dv - NH, mask=mB)
        totA = plsc.cummax(lax.rev(csA, (0,)))
        totB = plsc.cummax(lax.rev(csB, (0,)))
        return (cntAv + totA, cntBv + totB)

    zvec = jnp.zeros((16,), jnp.int32)
    cntAv, cntBv = lax.fori_loop(0, EPT // 16, part, (zvec, zvec))

    iota16 = lax.iota(jnp.int32, 16)
    grv = jnp.full((16,), GR, jnp.int32)
    zv16 = jnp.zeros((16,), jnp.int32)

    def tail_fill(dstl, srcl, cntv):
        base = lax.shift_left(lax.shift_right_logical(cntv, 4), 4)
        endv = lax.shift_left(
            lax.shift_right_logical(cntv + 127, 7), 7)
        for k in range(9):
            pos = base + k * 16 + iota16
            m = jnp.logical_and(pos >= cntv, pos < endv)
            idx = [lax.shift_right_logical(pos, 7), lax.bitwise_and(pos, 127)]
            plsc.store_scatter(dstl, idx, grv, mask=m)
            if srcl is not None:
                plsc.store_scatter(srcl, idx, zv16, mask=m)

    tail_fill(dstA2, None, cntAv)
    tail_fill(dstB2, srcB2, cntBv)

    nbA = lax.shift_right_logical(cntAv[0] + 127, 7)
    nbB = lax.shift_right_logical(cntBv[0] + 127, 7)
    plsc.subcore_barrier()

    @pl.when(c == 0)
    def _():
        scatter_loop(glo, srcA2, dstA2, nbA)

    @pl.when(c == 1)
    def _():
        scatter_loop(ghi, srcA2, dstA2, nbA)

    plsc.subcore_barrier()

    @pl.when(c == 0)
    def _():
        copy_out(out_lo, 0)

    @pl.when(c == 1)
    def _():
        copy_out(out_hi, 0)

    plsc.subcore_barrier()
    zero_acc()
    plsc.subcore_barrier()

    @pl.when(c == 0)
    def _():
        scatter_loop(glo, srcB2, dstB2, nbB)

    @pl.when(c == 1)
    def _():
        scatter_loop(ghi, srcB2, dstB2, nbB)

    plsc.subcore_barrier()

    @pl.when(c == 0)
    def _():
        copy_out(out_lo, 1)

    @pl.when(c == 1)
    def _():
        copy_out(out_hi, 1)


BN = 1000
NBLK = N // BN
EB = 128


def _mm_body(x_ref, w_ref, c0_ref, c1_ref,
             glo_ref, ghi_ref, dv_ref, dq_ref):
    deg = c0_ref[...] + c1_ref[...] + 1.0
    dv = lax.rsqrt(deg)
    h = jnp.dot(x_ref[...], w_ref[...], preferred_element_type=jnp.float32,
                precision=lax.Precision.HIGHEST)
    g = h * dv
    glo_ref[...] = g[:, :HH]
    ghi_ref[...] = g[:, HH:]
    dv_ref[...] = dv
    dq_ref[...] = 1.0 / deg


def _mm_call(x, W1, cnt0, cnt1):
    vspec = pl.BlockSpec((BN, 1), lambda i: (i, 0))
    return pl.pallas_call(
        _mm_body,
        grid=(NBLK,),
        in_specs=[
            pl.BlockSpec((BN, D), lambda i: (i, 0)),
            pl.BlockSpec((D, H), lambda i: (0, 0)),
            vspec,
            vspec,
        ],
        out_specs=[
            pl.BlockSpec((BN, HH), lambda i: (i, 0)),
            pl.BlockSpec((BN, HH), lambda i: (i, 0)),
            vspec,
            vspec,
        ],
        out_shape=[
            jax.ShapeDtypeStruct((NP, HH), jnp.float32),
            jax.ShapeDtypeStruct((NP, HH), jnp.float32),
            jax.ShapeDtypeStruct((N, 1), jnp.float32),
            jax.ShapeDtypeStruct((N, 1), jnp.float32),
        ],
    )(x, W1, cnt0, cnt1)


def _fin_body(a0_ref, a1_ref, g0_ref, g1_ref, dv_ref, dq_ref, cp0_ref, cp1_ref,
              b1_ref, w2_ref, b2_ref, wl_ref, bl_ref,
              out_ref, vacc):
    i = pl.program_id(0)

    @pl.when(i == 0)
    def _():
        vacc[...] = jnp.zeros((2, HH), jnp.float32)

    dv = dv_ref[...]
    cv = dv * (cp0_ref[...] + cp1_ref[...]) + dq_ref[...]
    aq = (a0_ref, a1_ref)
    gq = (g0_ref, g1_ref)
    for q in range(2):
        r = jnp.maximum(dv * (aq[q][...] + gq[q][...]) + b1_ref[q:q + 1, :], 0.0)
        vacc[q:q + 1, :] += jnp.sum(r * cv, axis=0, keepdims=True)

    @pl.when(i == NBLK - 1)
    def _():
        mean = b2_ref[...] * 0.0
        for q in range(2):
            mean += jnp.dot(vacc[q:q + 1, :], w2_ref[q],
                            preferred_element_type=jnp.float32,
                            precision=lax.Precision.HIGHEST)
        mean = mean * (1.0 / N) + b2_ref[...]
        out_ref[...] = jnp.dot(mean, wl_ref[...], preferred_element_type=jnp.float32,
                               precision=lax.Precision.HIGHEST) + bl_ref[...]


def _fin_call(a0, a1, g0, g1, dinv, dinvsq, cp0, cp1, b1r, W2r, b2, Wl, bl):
    hspec = pl.BlockSpec((BN, HH), lambda i: (i, 0))
    vspec = pl.BlockSpec((BN, 1), lambda i: (i, 0))
    return pl.pallas_call(
        _fin_body,
        grid=(NBLK,),
        in_specs=[
            hspec, hspec, hspec, hspec,
            vspec, vspec, vspec, vspec,
            pl.BlockSpec((2, HH), lambda i: (0, 0)),
            pl.BlockSpec((2, HH, H), lambda i: (0, 0, 0)),
            pl.BlockSpec((1, H), lambda i: (0, 0)),
            pl.BlockSpec((H, O), lambda i: (0, 0)),
            pl.BlockSpec((1, O), lambda i: (0, 0)),
        ],
        out_specs=pl.BlockSpec((1, O), lambda i: (0, 0)),
        out_shape=jax.ShapeDtypeStruct((1, O), jnp.float32),
        scratch_shapes=[pltpu.VMEM((2, HH), jnp.float32)],
    )(a0, a1, g0, g1, dinv, dinvsq, cp0, cp1, b1r, W2r, b2, Wl, bl)


@jax.jit
def kernel(x, edge_index, W1, b1, W2, b2, W_lin, b_lin):
    ei = edge_index.astype(jnp.int32)
    src = ei[0]
    dst = ei[1]
    pad = EP - E
    src_p = jnp.concatenate([src, jnp.zeros((pad,), jnp.int32)])
    dst_p = jnp.concatenate([dst, jnp.full((pad,), SENT, jnp.int32)])
    dst2d_p = dst_p.reshape(EP // KB, KB)
    cnt0, cnt1 = _deg_kernel(dst2d_p)
    glo, ghi, dinv, dinvsq = _mm_call(
        x, W1, cnt0.reshape(NP, 1), cnt1.reshape(NP, 1),
    )
    dinvp = jnp.pad(dinv.reshape(N), (0, NP - N))
    cp0, cp1 = _cprime_kernel(src_p.reshape(EP // KB, KB), dst2d_p, dinvp)
    a_lo, a_hi = _edge_kernel(src_p.reshape(EP // KB, KB), dst2d_p, glo, ghi)
    return _fin_call(
        a_lo, a_hi, glo, ghi, dinv, dinvsq,
        cp0.reshape(NP, 1), cp1.reshape(NP, 1),
        b1.reshape(2, HH), W2.reshape(2, HH, H),
        b2.reshape(1, H), W_lin, b_lin.reshape(1, O),
    )

# --- scband reference (transcript-rebuilt; emitter-appended) ---
"""Pipeline reference for scband-gcn-1906965479691 (READ-ONLY COPY).

The authoritative reference and input builder live on the scoring server;
editing this copy changes nothing except your own understanding.
"""

import jax, jax.numpy as jnp
import numpy as np

N = 10000
E = 160000
D = 256
H = 256
O = 64


def gcn_conv(x, edge_index, W, b):
    # PyG GCNConv: out = D^{-1/2} (A + I) D^{-1/2} X W + b
    n = x.shape[0]
    src = edge_index[0]
    dst = edge_index[1]
    loop = jnp.arange(n, dtype=src.dtype)
    src = jnp.concatenate([src, loop])
    dst = jnp.concatenate([dst, loop])
    deg = jnp.zeros((n,), dtype=x.dtype).at[dst].add(1.0)
    dinv = jnp.where(deg > 0, jax.lax.rsqrt(deg), 0.0)
    norm = dinv[src] * dinv[dst]
    h = x @ W
    msg = h[src] * norm[:, None]
    out = jnp.zeros((n, W.shape[1]), dtype=x.dtype).at[dst].add(msg)
    return out + b


def setup_inputs(seed: int = 0) -> dict:
    key = jax.random.key(seed)
    ks = jax.random.split(key, 8)
    x = jax.random.normal(ks[0], (N, D), dtype=jnp.float32)
    edge_index = jax.random.randint(ks[1], (2, E), 0, N, dtype=jnp.int64)
    W1 = jax.random.normal(ks[2], (D, H), dtype=jnp.float32) * (1.0 / np.sqrt(D))
    b1 = jnp.zeros((H,), dtype=jnp.float32)
    W2 = jax.random.normal(ks[3], (H, H), dtype=jnp.float32) * (1.0 / np.sqrt(H))
    b2 = jnp.zeros((H,), dtype=jnp.float32)
    W_lin = jax.random.normal(ks[4], (H, O), dtype=jnp.float32) * (1.0 / np.sqrt(H))
    b_lin = jnp.zeros((O,), dtype=jnp.float32)
    return {"x": x, "edge_index": edge_index, "W1": W1, "b1": b1, "W2": W2, "b2": b2, "W_lin": W_lin, "b_lin": b_lin}


def reference(x, edge_index, W1, b1, W2, b2, W_lin, b_lin):
    # x.squeeze(1) is a no-op for [N, D] input
    h = gcn_conv(x, edge_index, W1, b1)
    h = jax.nn.relu(h)
    # dropout is identity in eval/deterministic reference
    h = gcn_conv(h, edge_index, W2, b2)
    h = jnp.mean(h, axis=0, keepdims=True)
    out = h @ W_lin + b_lin
    return out

if __name__ == "__main__":
    import jax
    _d = setup_inputs()
    print(jax.jit(kernel)(*tuple(_d.values())))

</pallas_src>

<mosaic_0001>
#map = affine_map<(d0, d1) -> (0, 0)>
#map1 = affine_map<(d0, d1) -> (0)>
module attributes {stable_mosaic.version = 14 : i64} {
  func.func @_cprime_kernel(%arg0: i32, %arg1: i32, %arg2: memref<1280x128xi32, #tpu.memory_space<hbm>>, %arg3: memref<1280x128xi32, #tpu.memory_space<hbm>>, %arg4: memref<10240xf32, #tpu.memory_space<hbm>>, %arg5: memref<10240xf32, #tpu.memory_space<hbm>>, %arg6: memref<10240xf32, #tpu.memory_space<hbm>>, %arg7: memref<40x128xi32, #tpu.memory_space<vmem>>, %arg8: memref<40x128xi32, #tpu.memory_space<vmem>>, %arg9: memref<2x128xf32, #tpu.memory_space<vmem>>, %arg10: memref<640xf32, #tpu.memory_space<vmem>>, %arg11: memref<10240xf32, #tpu.memory_space<vmem_shared>>, %arg12: memref<2x!tpu.dma_semaphore, #tpu.memory_space<semaphore_mem>>) attributes {dimension_semantics = [#tpu.dimension_semantics<core_parallel>, #tpu.dimension_semantics<subcore_parallel>], iteration_bounds = array<i64: 2, 16>, scalar_prefetch = 0 : i64, scratch_operands = 6 : i64, tpu.core_type = #tpu.core_type<sc_vector_subcore>, window_params = [{transform_indices = #map}, {transform_indices = #map}, {transform_indices = #map1}, {transform_indices = #map1}, {transform_indices = #map1}]} {
    %scan3A = arith.constant 0 : i32
    %scan3A_0 = arith.constant 0 : i32
    %scan3A_1 = arith.constant 40 : i32
    %scan3A_2 = arith.addi %scan3A_0, %scan3A_1 : i32
    %scan3A_3 = arith.constant 1 : i32
    %scan3A_4 = scf.for %scan3A_38 = %scan3A_0 to %scan3A_2 step %scan3A_3 iter_args(%scan3A_39 = %scan3A) -> (i32)  : i32 {
      %broadcast_in_dim3A = arith.constant 0.000000e+00 : f32
      %broadcast_in_dim3A_40 = vector.broadcast %broadcast_in_dim3A : f32 to vector<16xf32>
      %mul3A_41 = arith.constant 16 : i32
      %mul3A_42 = arith.muli %scan3A_38, %mul3A_41 : i32
      %swap3A = arith.index_cast %mul3A_42 : i32 to index
      %swap3A_43 = tpu.vector_load %arg10[%swap3A] {strides = array<i32>} : memref<640xf32, #tpu.memory_space<vmem>>, vector<16xf32>,
      %swap3A_44 = vector.shape_cast %swap3A_43 : vector<16xf32> to vector<16xf32>
      %swap3A_45 = vector.shape_cast %broadcast_in_dim3A_40 : vector<16xf32> to vector<16xf32>
      tpu.vector_store %arg10[%swap3A], %swap3A_45 {strides = array<i32>} : memref<640xf32, #tpu.memory_space<vmem>>, vector<16xf32>,
      %scan3A_46 = arith.constant 0 : i32
      scf.yield %scan3A_46 : i32
    }
    %scan3A_5 = arith.constant 40 : i32
    %mul3A = arith.constant 640 : i32
    %mul3A_6 = arith.muli %arg1, %mul3A : i32
    "tpu.region"() ({
      %run_scoped3A = tpu.sem_alloc : memref<!tpu.dma_semaphore, #tpu.memory_space<semaphore_mem>>
      %dma_start3A_38 = tpu.memref_slice %arg11[%mul3A_6] : memref<10240xf32, #tpu.memory_space<vmem_shared>> -> memref<640xf32, #tpu.memory_space<vmem_shared>>
      %dma_start3A_39 = tpu.memref_slice %arg11[%mul3A_6] : memref<10240xf32, #tpu.memory_space<vmem_shared>> -> memref<640xf32, #tpu.memory_space<vmem_shared>>
      tpu.enqueue_dma source(%arg10 : memref<640xf32, #tpu.memory_space<vmem>>) target(%dma_start3A_39 : memref<640xf32, #tpu.memory_space<vmem_shared>>) target_semaphore(%run_scoped3A : memref<!tpu.dma_semaphore, #tpu.memory_space<semaphore_mem>>)
      %dma_wait3A = tpu.memref_slice %arg11[%mul3A_6] : memref<10240xf32, #tpu.memory_space<vmem_shared>> -> memref<640xf32, #tpu.memory_space<vmem_shared>>
      %dma_wait3A_40 = tpu.memref_slice %arg11[%mul3A_6] : memref<10240xf32, #tpu.memory_space<vmem_shared>> -> memref<640xf32, #tpu.memory_space<vmem_shared>>
      tpu.wait_dma2 semaphore(%run_scoped3A : memref<!tpu.dma_semaphore, #tpu.memory_space<semaphore_mem>>) src(%arg10 : memref<640xf32, #tpu.memory_space<vmem>>) dst(%dma_wait3A_40 : memref<640xf32, #tpu.memory_space<vmem_shared>>)
      tpu.yield
    }) : () -> ()
    %mul3A_7 = arith.constant 16 : i32
    %mul3A_8 = arith.muli %arg0, %mul3A_7 : i32
    %add3A = arith.addi %mul3A_8, %arg1 : i32
    %mul3A_9 = arith.constant 40 : i32
    %mul3A_10 = arith.muli %add3A, %mul3A_9 : i32
    "tpu.region"() ({
      %run_scoped3A = tpu.sem_alloc : memref<!tpu.dma_semaphore, #tpu.memory_space<semaphore_mem>>
      %dma_start3A_38 = arith.constant 0 : i32
      %dma_start3A_39 = tpu.memref_slice %arg2[%mul3A_10, %dma_start3A_38] : memref<1280x128xi32, #tpu.memory_space<hbm>> -> memref<40x128xi32, #tpu.memory_space<hbm>>
      %dma_start3A_40 = arith.constant 0 : i32
      %dma_start3A_41 = tpu.memref_slice %arg2[%mul3A_10, %dma_start3A_40] : memref<1280x128xi32, #tpu.memory_space<hbm>> -> memref<40x128xi32, #tpu.memory_space<hbm>>
      tpu.enqueue_dma source(%dma_start3A_41 : memref<40x128xi32, #tpu.memory_space<hbm>>) target(%arg7 : memref<40x128xi32, #tpu.memory_space<vmem>>) target_semaphore(%run_scoped3A : memref<!tpu.dma_semaphore, #tpu.memory_space<semaphore_mem>>)
      %dma_wait3A = arith.constant 0 : i32
      %dma_wait3A_42 = tpu.memref_slice %arg2[%mul3A_10, %dma_wait3A] : memref<1280x128xi32, #tpu.memory_space<hbm>> -> memref<40x128xi32, #tpu.memory_space<hbm>>
      %dma_wait3A_43 = arith.constant 0 : i32
      %dma_wait3A_44 = tpu.memref_slice %arg2[%mul3A_10, %dma_wait3A_43] : memref<1280x128xi32, #tpu.memory_space<hbm>> -> memref<40x128xi32, #tpu.memory_space<hbm>>
      tpu.wait_dma2 semaphore(%run_scoped3A : memref<!tpu.dma_semaphore, #tpu.memory_space<semaphore_mem>>) src(%dma_wait3A_44 : memref<40x128xi32, #tpu.memory_space<hbm>>) dst(%arg7 : memref<40x128xi32, #tpu.memory_space<vmem>>)
      tpu.yield
    }) : () -> ()
    "tpu.region"() ({
      %run_scoped3A = tpu.sem_alloc : memref<!tpu.dma_semaphore, #tpu.memory_space<semaphore_mem>>
      %dma_start3A_38 = arith.constant 0 : i32
      %dma_start3A_39 = tpu.memref_slice %arg3[%mul3A_10, %dma_start3A_38] : memref<1280x128xi32, #tpu.memory_space<hbm>> -> memref<40x128xi32, #tpu.memory_space<hbm>>
      %dma_start3A_40 = arith.constant 0 : i32
      %dma_start3A_41 = tpu.memref_slice %arg3[%mul3A_10, %dma_start3A_40] : memref<1280x128xi32, #tpu.memory_space<hbm>> -> memref<40x128xi32, #tpu.memory_space<hbm>>
      tpu.enqueue_dma source(%dma_start3A_41 : memref<40x128xi32, #tpu.memory_space<hbm>>) target(%arg8 : memref<40x128xi32, #tpu.memory_space<vmem>>) target_semaphore(%run_scoped3A : memref<!tpu.dma_semaphore, #tpu.memory_space<semaphore_mem>>)
      %dma_wait3A = arith.constant 0 : i32
      %dma_wait3A_42 = tpu.memref_slice %arg3[%mul3A_10, %dma_wait3A] : memref<1280x128xi32, #tpu.memory_space<hbm>> -> memref<40x128xi32, #tpu.memory_space<hbm>>
      %dma_wait3A_43 = arith.constant 0 : i32
      %dma_wait3A_44 = tpu.memref_slice %arg3[%mul3A_10, %dma_wait3A_43] : memref<1280x128xi32, #tpu.memory_space<hbm>> -> memref<40x128xi32, #tpu.memory_space<hbm>>
      tpu.wait_dma2 semaphore(%run_scoped3A : memref<!tpu.dma_semaphore, #tpu.memory_space<semaphore_mem>>) src(%dma_wait3A_44 : memref<40x128xi32, #tpu.memory_space<hbm>>) dst(%arg8 : memref<40x128xi32, #tpu.memory_space<vmem>>)
      tpu.yield
    }) : () -> ()
    %barrier3A = arith.constant 0 : index
    tpu.barrier barrier_id(%barrier3A)
    %dma_start3A = arith.constant 0 : i32
    %dma_start3A_11 = arith.constant 0 : i32
    %dma_start3A_12 = arith.constant 0 : i32
    %dma_start3A_13 = arith.constant 0 : i32
    %dma_start3A_14 = tpu.memref_slice %arg9[%dma_start3A_11, %dma_start3A_13] : memref<2x128xf32, #tpu.memory_space<vmem>> -> memref<1x128xf32, #tpu.memory_space<vmem>>
    %dma_start3A_15 = tpu.memref_squeeze %dma_start3A_14 : memref<1x128xf32, #tpu.memory_space<vmem>> -> memref<128xf32, #tpu.memory_space<vmem>>
    %dma_start3A_16 = arith.constant 0 : i32
    %dma_start3A_17 = tpu.memref_slice %arg8[%dma_start3A, %dma_start3A_16] : memref<40x128xi32, #tpu.memory_space<vmem>> -> memref<1x128xi32, #tpu.memory_space<vmem>>
    %dma_start3A_18 = tpu.memref_squeeze %dma_start3A_17 : memref<1x128xi32, #tpu.memory_space<vmem>> -> memref<128xi32, #tpu.memory_space<vmem>>
    %dma_start3A_19 = arith.constant 0 : i32
    %dma_start3A_20 = tpu.memref_slice %arg4[%dma_start3A_19] : memref<10240xf32, #tpu.memory_space<hbm>> -> memref<10240xf32, #tpu.memory_space<hbm>>
    %dma_start3A_21 = tpu.memref_slice %arg12[%dma_start3A_12] : memref<2x!tpu.dma_semaphore, #tpu.memory_space<semaphore_mem>> -> memref<1x!tpu.dma_semaphore, #tpu.memory_space<semaphore_mem>>
    %dma_start3A_22 = tpu.memref_squeeze %dma_start3A_21 : memref<1x!tpu.dma_semaphore, #tpu.memory_space<semaphore_mem>> -> memref<!tpu.dma_semaphore, #tpu.memory_space<semaphore_mem>>
    tpu.enqueue_indirect_dma source(%dma_start3A_20 : memref<10240xf32, #tpu.memory_space<hbm>>) target(%dma_start3A_15 : memref<128xf32, #tpu.memory_space<vmem>>) offsets(%dma_start3A_18 : memref<128xi32, #tpu.memory_space<vmem>>) semaphore(%dma_start3A_22 : memref<!tpu.dma_semaphore, #tpu.memory_space<semaphore_mem>>)
    %scan3A_23 = arith.constant 0 : i32
    %scan3A_24 = arith.constant 0 : i32
    %scan3A_25 = arith.constant 40 : i32
    %scan3A_26 = arith.addi %scan3A_24, %scan3A_25 : i32
    %scan3A_27 = arith.constant 1 : i32
    %scan3A_28 = scf.for %scan3A_38 = %scan3A_24 to %scan3A_26 step %scan3A_27 iter_args(%scan3A_39 = %scan3A_23) -> (i32)  : i32 {
      %rem3A = arith.constant 2 : i32
      %rem3A_40 = arith.remsi %scan3A_38, %rem3A : i32
      %sub3A = arith.constant 1 : i32
      %sub3A_41 = arith.subi %sub3A, %rem3A_40 : i32
      %dma_wait3A = arith.constant 0 : i32
      %dma_wait3A_42 = tpu.memref_slice %arg9[%rem3A_40, %dma_wait3A] : memref<2x128xf32, #tpu.memory_space<vmem>> -> memref<1x128xf32, #tpu.memory_space<vmem>>
      %dma_wait3A_43 = tpu.memref_squeeze %dma_wait3A_42 : memref<1x128xf32, #tpu.memory_space<vmem>> -> memref<128xf32, #tpu.memory_space<vmem>>
      %dma_wait3A_44 = arith.constant 0 : i32
      %dma_wait3A_45 = tpu.memref_slice %arg8[%scan3A_38, %dma_wait3A_44] : memref<40x128xi32, #tpu.memory_space<vmem>> -> memref<1x128xi32, #tpu.memory_space<vmem>>
      %dma_wait3A_46 = tpu.memref_squeeze %dma_wait3A_45 : memref<1x128xi32, #tpu.memory_space<vmem>> -> memref<128xi32, #tpu.memory_space<vmem>>
      %dma_wait3A_47 = arith.constant 0 : i32
      %dma_wait3A_48 = tpu.memref_slice %arg4[%dma_wait3A_47] : memref<10240xf32, #tpu.memory_space<hbm>> -> memref<10240xf32, #tpu.memory_space<hbm>>
      %dma_wait3A_49 = tpu.memref_slice %arg12[%rem3A_40] : memref<2x!tpu.dma_semaphore, #tpu.memory_space<semaphore_mem>> -> memref<1x!tpu.dma_semaphore, #tpu.memory_space<semaphore_mem>>
      %dma_wait3A_50 = tpu.memref_squeeze %dma_wait3A_49 : memref<1x!tpu.dma_semaphore, #tpu.memory_space<semaphore_mem>> -> memref<!tpu.dma_semaphore, #tpu.memory_space<semaphore_mem>>
      tpu.wait_indirect_dma semaphore(%dma_wait3A_50 : memref<!tpu.dma_semaphore, #tpu.memory_space<semaphore_mem>>) src(%dma_wait3A_48 : memref<10240xf32, #tpu.memory_space<hbm>>) dst(%dma_wait3A_43 : memref<128xf32, #tpu.memory_space<vmem>>)
      %add3A_51 = arith.constant 1 : i32
      %add3A_52 = arith.addi %scan3A_38, %add3A_51 : i32
      %lt3A = arith.constant 40 : i32
      %lt3A_53 = arith.cmpi slt, %add3A_52, %lt3A : i32
      %convert_element_type3A_54 = arith.extui %lt3A_53 : i1 to i32
      %cond3A_55 = arith.constant 0 : i32
      %cond3A_56 = arith.cmpi ne, %convert_element_type3A_54, %cond3A_55 : i32
      scf.if %cond3A_56 {
        %add3A_58 = arith.constant 1 : i32
        %add3A_59 = arith.addi %scan3A_38, %add3A_58 : i32
        %dma_start3A_60 = arith.constant 0 : i32
        %dma_start3A_61 = tpu.memref_slice %arg9[%sub3A_41, %dma_start3A_60] : memref<2x128xf32, #tpu.memory_space<vmem>> -> memref<1x128xf32, #tpu.memory_space<vmem>>
        %dma_start3A_62 = tpu.memref_squeeze %dma_start3A_61 : memref<1x128xf32, #tpu.memory_space<vmem>> -> memref<128xf32, #tpu.memory_space<vmem>>
        %dma_start3A_63 = arith.constant 0 : i32
        %dma_start3A_64 = tpu.memref_slice %arg8[%add3A_59, %dma_start3A_63] : memref<40x128xi32, #tpu.memory_space<vmem>> -> memref<1x128xi32, #tpu.memory_space<vmem>>
        %dma_start3A_65 = tpu.memref_squeeze %dma_start3A_64 : memref<1x128xi32, #tpu.memory_space<vmem>> -> memref<128xi32, #tpu.memory_space<vmem>>
        %dma_start3A_66 = arith.constant 0 : i32
        %dma_start3A_67 = tpu.memref_slice %arg4[%dma_start3A_66] : memref<10240xf32, #tpu.memory_space<hbm>> -> memref<10240xf32, #tpu.memory_space<hbm>>
        %dma_start3A_68 = tpu.memref_slice %arg12[%sub3A_41] : memref<2x!tpu.dma_semaphore, #tpu.memory_space<semaphore_mem>> -> memref<1x!tpu.dma_semaphore, #tpu.memory_space<semaphore_mem>>
        %dma_start3A_69 = tpu.memref_squeeze %dma_start3A_68 : memref<1x!tpu.dma_semaphore, #tpu.memory_space<semaphore_mem>> -> memref<!tpu.dma_semaphore, #tpu.memory_space<semaphore_mem>>
        tpu.enqueue_indirect_dma source(%dma_start3A_67 : memref<10240xf32, #tpu.memory_space<hbm>>) target(%dma_start3A_62 : memref<128xf32, #tpu.memory_space<vmem>>) offsets(%dma_start3A_65 : memref<128xi32, #tpu.memory_space<vmem>>) semaphore(%dma_start3A_69 : memref<!tpu.dma_semaphore, #tpu.memory_space<semaphore_mem>>)
      } else {
      }
      "tpu.region"() ({
        %run_scoped3A = tpu.sem_alloc : memref<!tpu.dma_semaphore, #tpu.memory_space<semaphore_mem>>
        %dma_start3A_58 = arith.constant 0 : i32
        %dma_start3A_59 = tpu.memref_slice %arg9[%rem3A_40, %dma_start3A_58] : memref<2x128xf32, #tpu.memory_space<vmem>> -> memref<1x128xf32, #tpu.memory_space<vmem>>
        %dma_start3A_60 = tpu.memref_squeeze %dma_start3A_59 : memref<1x128xf32, #tpu.memory_space<vmem>> -> memref<128xf32, #tpu.memory_space<vmem>>
        %dma_start3A_61 = arith.constant 0 : i32
        %dma_start3A_62 = tpu.memref_slice %arg7[%scan3A_38, %dma_start3A_61] : memref<40x128xi32, #tpu.memory_space<vmem>> -> memref<1x128xi32, #tpu.memory_space<vmem>>
        %dma_start3A_63 = tpu.memref_squeeze %dma_start3A_62 : memref<1x128xi32, #tpu.memory_space<vmem>> -> memref<128xi32, #tpu.memory_space<vmem>>
        %dma_start3A_64 = arith.constant 0 : i32
        %dma_start3A_65 = tpu.memref_slice %arg11[%dma_start3A_64] : memref<10240xf32, #tpu.memory_space<vmem_shared>> -> memref<10240xf32, #tpu.memory_space<vmem_shared>>
        tpu.enqueue_indirect_dma source(%dma_start3A_60 : memref<128xf32, #tpu.memory_space<vmem>>) target(%dma_start3A_65 : memref<10240xf32, #tpu.memory_space<vmem_shared>>) offsets(%dma_start3A_63 : memref<128xi32, #tpu.memory_space<vmem>>) semaphore(%run_scoped3A : memref<!tpu.dma_semaphore, #tpu.memory_space<semaphore_mem>>) {add = true}
        %dma_wait3A_66 = arith.constant 0 : i32
        %dma_wait3A_67 = tpu.memref_slice %arg9[%rem3A_40, %dma_wait3A_66] : memref<2x128xf32, #tpu.memory_space<vmem>> -> memref<1x128xf32, #tpu.memory_space<vmem>>
        %dma_wait3A_68 = tpu.memref_squeeze %dma_wait3A_67 : memref<1x128xf32, #tpu.memory_space<vmem>> -> memref<128xf32, #tpu.memory_space<vmem>>
        %dma_wait3A_69 = arith.constant 0 : i32
        %dma_wait3A_70 = tpu.memref_slice %arg7[%scan3A_38, %dma_wait3A_69] : memref<40x128xi32, #tpu.memory_space<vmem>> -> memref<1x128xi32, #tpu.memory_space<vmem>>
        %dma_wait3A_71 = tpu.memref_squeeze %dma_wait3A_70 : memref<1x128xi32, #tpu.memory_space<vmem>> -> memref<128xi32, #tpu.memory_space<vmem>>
        %dma_wait3A_72 = arith.constant 0 : i32
        %dma_wait3A_73 = tpu.memref_slice %arg11[%dma_wait3A_72] : memref<10240xf32, #tpu.memory_space<vmem_shared>> -> memref<10240xf32, #tpu.memory_space<vmem_shared>>
        tpu.wait_indirect_dma semaphore(%run_scoped3A : memref<!tpu.dma_semaphore, #tpu.memory_space<semaphore_mem>>) src(%dma_wait3A_68 : memref<128xf32, #tpu.memory_space<vmem>>) dst(%dma_wait3A_73 : memref<10240xf32, #tpu.memory_space<vmem_shared>>)
        tpu.yield
      }) : () -> ()
      %scan3A_57 = arith.constant 0 : i32
      scf.yield %scan3A_57 : i32
    }
    %scan3A_29 = arith.constant 40 : i32
    %barrier3A_30 = arith.constant 0 : index
    tpu.barrier barrier_id(%barrier3A_30)
    %eq3A = arith.constant 0 : i32
    %eq3A_31 = arith.cmpi eq, %arg0, %eq3A : i32
    %convert_element_type3A = arith.extui %eq3A_31 : i1 to i32
    %cond3A = arith.constant 0 : i32
    %cond3A_32 = arith.cmpi ne, %convert_element_type3A, %cond3A : i32
    scf.if %cond3A_32 {
      %mul3A_38 = arith.constant 640 : i32
      %mul3A_39 = arith.muli %arg1, %mul3A_38 : i32
      %mul3A_40 = arith.constant 640 : i32
      %mul3A_41 = arith.muli %arg1, %mul3A_40 : i32
      "tpu.region"() ({
        %run_scoped3A = tpu.sem_alloc : memref<!tpu.dma_semaphore, #tpu.memory_space<semaphore_mem>>
        %dma_start3A_42 = tpu.memref_slice %arg5[%mul3A_41] : memref<10240xf32, #tpu.memory_space<hbm>> -> memref<640xf32, #tpu.memory_space<hbm>>
        %dma_start3A_43 = tpu.memref_slice %arg11[%mul3A_39] : memref<10240xf32, #tpu.memory_space<vmem_shared>> -> memref<640xf32, #tpu.memory_space<vmem_shared>>
        tpu.enqueue_dma source(%dma_start3A_43 : memref<640xf32, #tpu.memory_space<vmem_shared>>) target(%dma_start3A_42 : memref<640xf32, #tpu.memory_space<hbm>>) target_semaphore(%run_scoped3A : memref<!tpu.dma_semaphore, #tpu.memory_space<semaphore_mem>>)
        %dma_wait3A = tpu.memref_slice %arg5[%mul3A_41] : memref<10240xf32, #tpu.memory_space<hbm>> -> memref<640xf32, #tpu.memory_space<hbm>>
        %dma_wait3A_44 = tpu.memref_slice %arg11[%mul3A_39] : memref<10240xf32, #tpu.memory_space<vmem_shared>> -> memref<640xf32, #tpu.memory_space<vmem_shared>>
        tpu.wait_dma2 semaphore(%run_scoped3A : memref<!tpu.dma_semaphore, #tpu.memory_space<semaphore_mem>>) src(%dma_wait3A_44 : memref<640xf32, #tpu.memory_space<vmem_shared>>) dst(%dma_wait3A : memref<640xf32, #tpu.memory_space<hbm>>)
        tpu.yield
      }) : () -> ()
    } else {
    }
    %eq3A_33 = arith.constant 1 : i32
    %eq3A_34 = arith.cmpi eq, %arg0, %eq3A_33 : i32
    %convert_element_type3A_35 = arith.extui %eq3A_34 : i1 to i32
    %cond3A_36 = arith.constant 0 : i32
    %cond3A_37 = arith.cmpi ne, %convert_element_type3A_35, %cond3A_36 : i32
    scf.if %cond3A_37 {
      %mul3A_38 = arith.constant 640 : i32
      %mul3A_39 = arith.muli %arg1, %mul3A_38 : i32
      %mul3A_40 = arith.constant 640 : i32
      %mul3A_41 = arith.muli %arg1, %mul3A_40 : i32
      "tpu.region"() ({
        %run_scoped3A = tpu.sem_alloc : memref<!tpu.dma_semaphore, #tpu.memory_space<semaphore_mem>>
        %dma_start3A_42 = tpu.memref_slice %arg6[%mul3A_41] : memref<10240xf32, #tpu.memory_space<hbm>> -> memref<640xf32, #tpu.memory_space<hbm>>
        %dma_start3A_43 = tpu.memref_slice %arg11[%mul3A_39] : memref<10240xf32, #tpu.memory_space<vmem_shared>> -> memref<640xf32, #tpu.memory_space<vmem_shared>>
        tpu.enqueue_dma source(%dma_start3A_43 : memref<640xf32, #tpu.memory_space<vmem_shared>>) target(%dma_start3A_42 : memref<640xf32, #tpu.memory_space<hbm>>) target_semaphore(%run_scoped3A : memref<!tpu.dma_semaphore, #tpu.memory_space<semaphore_mem>>)
        %dma_wait3A = tpu.memref_slice %arg6[%mul3A_41] : memref<10240xf32, #tpu.memory_space<hbm>> -> memref<640xf32, #tpu.memory_space<hbm>>
        %dma_wait3A_44 = tpu.memref_slice %arg11[%mul3A_39] : memref<10240xf32, #tpu.memory_space<vmem_shared>> -> memref<640xf32, #tpu.memory_space<vmem_shared>>
        tpu.wait_dma2 semaphore(%run_scoped3A : memref<!tpu.dma_semaphore, #tpu.memory_space<semaphore_mem>>) src(%dma_wait3A_44 : memref<640xf32, #tpu.memory_space<vmem_shared>>) dst(%dma_wait3A : memref<640xf32, #tpu.memory_space<hbm>>)
        tpu.yield
      }) : () -> ()
    } else {
    }
    return
  }
}

#map = affine_map<(d0, d1) -> (0, 0)>
module attributes {stable_mosaic.version = 14 : i64} {
  func.func @_edge_kernel(%arg0: i32, %arg1: i32, %arg2: memref<1280x128xi32, #tpu.memory_space<hbm>>, %arg3: memref<1280x128xi32, #tpu.memory_space<hbm>>, %arg4: memref<10240x128xf32, #tpu.memory_space<hbm>>, %arg5: memref<10240x128xf32, #tpu.memory_space<hbm>>, %arg6: memref<10240x128xf32, #tpu.memory_space<hbm>>, %arg7: memref<10240x128xf32, #tpu.memory_space<hbm>>, %arg8: memref<80x128xi32, #tpu.memory_space<vmem>>, %arg9: memref<80x128xi32, #tpu.memory_space<vmem>>, %arg10: memref<80x128xi32, #tpu.memory_space<vmem>>, %arg11: memref<80x128xi32, #tpu.memory_space<vmem>>, %arg12: memref<2x128x128xf32, #tpu.memory_space<vmem>>, %arg13: memref<32x128xf32, #tpu.memory_space<vmem>>, %arg14: memref<640xf32, #tpu.memory_space<vmem>>, %arg15: memref<32xi32, #tpu.memory_space<vmem>>, %arg16: memref<5128x128xf32, #tpu.memory_space<vmem_shared>>, %arg17: memref<2x!tpu.dma_semaphore, #tpu.memory_space<semaphore_mem>>, %arg18: memref<2x!tpu.dma_semaphore, #tpu.memory_space<semaphore_mem>>) attributes {dimension_semantics = [#tpu.dimension_semantics<core_parallel>, #tpu.dimension_semantics<subcore_parallel>], iteration_bounds = array<i64: 2, 16>, scalar_prefetch = 0 : i64, scratch_operands = 11 : i64, tpu.core_type = #tpu.core_type<sc_vector_subcore>, window_params = [{transform_indices = #map}, {transform_indices = #map}, {transform_indices = #map}, {transform_indices = #map}, {transform_indices = #map}, {transform_indices = #map}]} {
    %scan3A = arith.constant 0 : i32
    %scan3A_0 = arith.constant 0 : i32
    %scan3A_1 = arith.constant 256 : i32
    %scan3A_2 = arith.addi %scan3A_0, %scan3A_1 : i32
    %scan3A_3 = arith.constant 1 : i32
    %scan3A_4 = scf.for %scan3A_426 = %scan3A_0 to %scan3A_2 step %scan3A_3 iter_args(%scan3A_427 = %scan3A) -> (i32)  : i32 {
      %jit3A = arith.constant 8 : i32
      %div3A = arith.divsi %scan3A_426, %jit3A : i32
      %sign3A = arith.constant 0 : i32
      %sign3A_428 = arith.cmpi sgt, %scan3A_426, %sign3A : i32
      %sign3A_429 = arith.extui %sign3A_428 : i1 to i32
      %sign3A_430 = arith.constant 0 : i32
      %sign3A_431 = arith.cmpi slt, %scan3A_426, %sign3A_430 : i32
      %sign3A_432 = arith.extui %sign3A_431 : i1 to i32
      %sign3A_433 = arith.subi %sign3A_429, %sign3A_432 : i32
      %sign3A_434 = arith.constant 0 : i32
      %sign3A_435 = arith.cmpi sgt, %jit3A, %sign3A_434 : i32
      %sign3A_436 = arith.extui %sign3A_435 : i1 to i32
      %sign3A_437 = arith.constant 0 : i32
      %sign3A_438 = arith.cmpi slt, %jit3A, %sign3A_437 : i32
      %sign3A_439 = arith.extui %sign3A_438 : i1 to i32
      %sign3A_440 = arith.subi %sign3A_436, %sign3A_439 : i32
      %ne3A = arith.cmpi ne, %sign3A_433, %sign3A_440 : i32
      %rem3A = arith.remsi %scan3A_426, %jit3A : i32
      %ne3A_441 = arith.constant 0 : i32
      %ne3A_442 = arith.cmpi ne, %rem3A, %ne3A_441 : i32
      %and3A_443 = arith.andi %ne3A, %ne3A_442 : i1
      %sub3A = arith.constant 1 : i32
      %sub3A_444 = arith.subi %div3A, %sub3A : i32
      %select_n3A = arith.select %and3A_443, %sub3A_444, %div3A : i32
      %jit3A_445 = arith.constant 8 : i32
      %eq3A_446 = arith.constant 0 : i32
      %eq3A_447 = arith.cmpi eq, %jit3A_445, %eq3A_446 : i32
      %jit3A_448 = arith.constant 1 : i32
      %select_n3A_449 = arith.select %eq3A_447, %jit3A_448, %jit3A_445 : i32
      %rem3A_450 = arith.remsi %scan3A_426, %select_n3A_449 : i32
      %ne3A_451 = arith.constant 0 : i32
      %ne3A_452 = arith.cmpi ne, %rem3A_450, %ne3A_451 : i32
      %lt3A_453 = arith.constant 0 : i32
      %lt3A_454 = arith.cmpi slt, %rem3A_450, %lt3A_453 : i32
      %lt3A_455 = arith.constant 0 : i32
      %lt3A_456 = arith.cmpi slt, %select_n3A_449, %lt3A_455 : i32
      %ne3A_457 = arith.xori %lt3A_454, %lt3A_456 : i1
      %and3A_458 = arith.andi %ne3A_457, %ne3A_452 : i1
      %add3A_459 = arith.addi %rem3A_450, %select_n3A_449 : i32
      %select_n3A_460 = arith.select %and3A_458, %add3A_459, %rem3A_450 : i32
      %broadcast_in_dim3A_461 = arith.constant 0.000000e+00 : f32
      %broadcast_in_dim3A_462 = vector.broadcast %broadcast_in_dim3A_461 : f32 to vector<16xf32>
      %mul3A_463 = arith.constant 16 : i32
      %mul3A_464 = arith.muli %select_n3A_460, %mul3A_463 : i32
      %swap3A = arith.index_cast %select_n3A : i32 to index
      %swap3A_465 = arith.index_cast %mul3A_464 : i32 to index
      %swap3A_466 = tpu.vector_load %arg13[%swap3A, %swap3A_465] {strides = array<i32>} : memref<32x128xf32, #tpu.memory_space<vmem>>, vector<16xf32>,
      tpu.vector_store %arg13[%swap3A, %swap3A_465], %broadcast_in_dim3A_462 {strides = array<i32>} : memref<32x128xf32, #tpu.memory_space<vmem>>, vector<16xf32>,
      %scan3A_467 = arith.constant 0 : i32
      scf.yield %scan3A_467 : i32
    }
    %scan3A_5 = arith.constant 256 : i32
    %scan3A_6 = arith.constant 0 : i32
    %scan3A_7 = arith.constant 0 : i32
    %scan3A_8 = arith.constant 40 : i32
    %scan3A_9 = arith.addi %scan3A_7, %scan3A_8 : i32
    %scan3A_10 = arith.constant 1 : i32
    %scan3A_11 = scf.for %scan3A_426 = %scan3A_7 to %scan3A_9 step %scan3A_10 iter_args(%scan3A_427 = %scan3A_6) -> (i32)  : i32 {
      %broadcast_in_dim3A_428 = arith.constant 0.000000e+00 : f32
      %broadcast_in_dim3A_429 = vector.broadcast %broadcast_in_dim3A_428 : f32 to vector<16xf32>
      %mul3A_430 = arith.constant 16 : i32
      %mul3A_431 = arith.muli %scan3A_426, %mul3A_430 : i32
      %swap3A = arith.index_cast %mul3A_431 : i32 to index
      %swap3A_432 = tpu.vector_load %arg14[%swap3A] {strides = array<i32>} : memref<640xf32, #tpu.memory_space<vmem>>, vector<16xf32>,
      %swap3A_433 = vector.shape_cast %swap3A_432 : vector<16xf32> to vector<16xf32>
      %swap3A_434 = vector.shape_cast %broadcast_in_dim3A_429 : vector<16xf32> to vector<16xf32>
      tpu.vector_store %arg14[%swap3A], %swap3A_434 {strides = array<i32>} : memref<640xf32, #tpu.memory_space<vmem>>, vector<16xf32>,
      %scan3A_435 = arith.constant 0 : i32
      scf.yield %scan3A_435 : i32
    }
    %scan3A_12 = arith.constant 40 : i32
    %mul3A = arith.constant 320 : i32
    %mul3A_13 = arith.muli %arg1, %mul3A : i32
    %add3A = arith.constant 0 : i32
    %add3A_14 = arith.addi %mul3A_13, %add3A : i32
    "tpu.region"() ({
      %run_scoped3A = tpu.sem_alloc : memref<!tpu.dma_semaphore, #tpu.memory_space<semaphore_mem>>
      %dma_start3A = arith.constant 0 : i32
      %dma_start3A_426 = tpu.memref_slice %arg16[%add3A_14, %dma_start3A] : memref<5128x128xf32, #tpu.memory_space<vmem_shared>> -> memref<32x128xf32, #tpu.memory_space<vmem_shared>>
      %dma_start3A_427 = arith.constant 0 : i32
      %dma_start3A_428 = tpu.memref_slice %arg16[%add3A_14, %dma_start3A_427] : memref<5128x128xf32, #tpu.memory_space<vmem_shared>> -> memref<32x128xf32, #tpu.memory_space<vmem_shared>>
      tpu.enqueue_dma source(%arg13 : memref<32x128xf32, #tpu.memory_space<vmem>>) target(%dma_start3A_428 : memref<32x128xf32, #tpu.memory_space<vmem_shared>>) target_semaphore(%run_scoped3A : memref<!tpu.dma_semaphore, #tpu.memory_space<semaphore_mem>>)
      %dma_wait3A = arith.constant 0 : i32
      %dma_wait3A_429 = tpu.memref_slice %arg16[%add3A_14, %dma_wait3A] : memref<5128x128xf32, #tpu.memory_space<vmem_shared>> -> memref<32x128xf32, #tpu.memory_space<vmem_shared>>
      %dma_wait3A_430 = arith.constant 0 : i32
      %dma_wait3A_431 = tpu.memref_slice %arg16[%add3A_14, %dma_wait3A_430] : memref<5128x128xf32, #tpu.memory_space<vmem_shared>> -> memref<32x128xf32, #tpu.memory_space<vmem_shared>>
      tpu.wait_dma2 semaphore(%run_scoped3A : memref<!tpu.dma_semaphore, #tpu.memory_space<semaphore_mem>>) src(%arg13 : memref<32x128xf32, #tpu.memory_space<vmem>>) dst(%dma_wait3A_431 : memref<32x128xf32, #tpu.memory_space<vmem_shared>>)
      tpu.yield
    }) : () -> ()
    %mul3A_15 = arith.constant 320 : i32
    %mul3A_16 = arith.muli %arg1, %mul3A_15 : i32
    %add3A_17 = arith.constant 32 : i32
    %add3A_18 = arith.addi %mul3A_16, %add3A_17 : i32
    "tpu.region"() ({
      %run_scoped3A = tpu.sem_alloc : memref<!tpu.dma_semaphore, #tpu.memory_space<semaphore_mem>>
      %dma_start3A = arith.constant 0 : i32
      %dma_start3A_426 = tpu.memref_slice %arg16[%add3A_18, %dma_start3A] : memref<5128x128xf32, #tpu.memory_space<vmem_shared>> -> memref<32x128xf32, #tpu.memory_space<vmem_shared>>
      %dma_start3A_427 = arith.constant 0 : i32
      %dma_start3A_428 = tpu.memref_slice %arg16[%add3A_18, %dma_start3A_427] : memref<5128x128xf32, #tpu.memory_space<vmem_shared>> -> memref<32x128xf32, #tpu.memory_space<vmem_shared>>
      tpu.enqueue_dma source(%arg13 : memref<32x128xf32, #tpu.memory_space<vmem>>) target(%dma_start3A_428 : memref<32x128xf32, #tpu.memory_space<vmem_shared>>) target_semaphore(%run_scoped3A : memref<!tpu.dma_semaphore, #tpu.memory_space<semaphore_mem>>)
      %dma_wait3A = arith.constant 0 : i32
      %dma_wait3A_429 = tpu.memref_slice %arg16[%add3A_18, %dma_wait3A] : memref<5128x128xf32, #tpu.memory_space<vmem_shared>> -> memref<32x128xf32, #tpu.memory_space<vmem_shared>>
      %dma_wait3A_430 = arith.constant 0 : i32
      %dma_wait3A_431 = tpu.memref_slice %arg16[%add3A_18, %dma_wait3A_430] : memref<5128x128xf32, #tpu.memory_space<vmem_shared>> -> memref<32x128xf32, #tpu.memory_space<vmem_shared>>
      tpu.wait_dma2 semaphore(%run_scoped3A : memref<!tpu.dma_semaphore, #tpu.memory_space<semaphore_mem>>) src(%arg13 : memref<32x128xf32, #tpu.memory_space<vmem>>) dst(%dma_wait3A_431 : memref<32x128xf32, #tpu.memory_space<vmem_shared>>)
      tpu.yield
    }) : () -> ()
    %mul3A_19 = arith.constant 320 : i32
    %mul3A_20 = arith.muli %arg1, %mul3A_19 : i32
    %add3A_21 = arith.constant 64 : i32
    %add3A_22 = arith.addi %mul3A_20, %add3A_21 : i32
    "tpu.region"() ({
      %run_scoped3A = tpu.sem_alloc : memref<!tpu.dma_semaphore, #tpu.memory_space<semaphore_mem>>
      %dma_start3A = arith.constant 0 : i32
      %dma_start3A_426 = tpu.memref_slice %arg16[%add3A_22, %dma_start3A] : memref<5128x128xf32, #tpu.memory_space<vmem_shared>> -> memref<32x128xf32, #tpu.memory_space<vmem_shared>>
      %dma_start3A_427 = arith.constant 0 : i32
      %dma_start3A_428 = tpu.memref_slice %arg16[%add3A_22, %dma_start3A_427] : memref<5128x128xf32, #tpu.memory_space<vmem_shared>> -> memref<32x128xf32, #tpu.memory_space<vmem_shared>>
      tpu.enqueue_dma source(%arg13 : memref<32x128xf32, #tpu.memory_space<vmem>>) target(%dma_start3A_428 : memref<32x128xf32, #tpu.memory_space<vmem_shared>>) target_semaphore(%run_scoped3A : memref<!tpu.dma_semaphore, #tpu.memory_space<semaphore_mem>>)
      %dma_wait3A = arith.constant 0 : i32
      %dma_wait3A_429 = tpu.memref_slice %arg16[%add3A_22, %dma_wait3A] : memref<5128x128xf32, #tpu.memory_space<vmem_shared>> -> memref<32x128xf32, #tpu.memory_space<vmem_shared>>
      %dma_wait3A_430 = arith.constant 0 : i32
      %dma_wait3A_431 = tpu.memref_slice %arg16[%add3A_22, %dma_wait3A_430] : memref<5128x128xf32, #tpu.memory_space<vmem_shared>> -> memref<32x128xf32, #tpu.memory_space<vmem_shared>>
      tpu.wait_dma2 semaphore(%run_scoped3A : memref<!tpu.dma_semaphore, #tpu.memory_space<semaphore_mem>>) src(%arg13 : memref<32x128xf32, #tpu.memory_space<vmem>>) dst(%dma_wait3A_431 : memref<32x128xf32, #tpu.memory_space<vmem_shared>>)
      tpu.yield
    }) : () -> ()
    %mul3A_23 = arith.constant 320 : i32
    %mul3A_24 = arith.muli %arg1, %mul3A_23 : i32
    %add3A_25 = arith.constant 96 : i32
    %add3A_26 = arith.addi %mul3A_24, %add3A_25 : i32
    "tpu.region"() ({
      %run_scoped3A = tpu.sem_alloc : memref<!tpu.dma_semaphore, #tpu.memory_space<semaphore_mem>>
      %dma_start3A = arith.constant 0 : i32
      %dma_start3A_426 = tpu.memref_slice %arg16[%add3A_26, %dma_start3A] : memref<5128x128xf32, #tpu.memory_space<vmem_shared>> -> memref<32x128xf32, #tpu.memory_space<vmem_shared>>
      %dma_start3A_427 = arith.constant 0 : i32
      %dma_start3A_428 = tpu.memref_slice %arg16[%add3A_26, %dma_start3A_427] : memref<5128x128xf32, #tpu.memory_space<vmem_shared>> -> memref<32x128xf32, #tpu.memory_space<vmem_shared>>
      tpu.enqueue_dma source(%arg13 : memref<32x128xf32, #tpu.memory_space<vmem>>) target(%dma_start3A_428 : memref<32x128xf32, #tpu.memory_space<vmem_shared>>) target_semaphore(%run_scoped3A : memref<!tpu.dma_semaphore, #tpu.memory_space<semaphore_mem>>)
      %dma_wait3A = arith.constant 0 : i32
      %dma_wait3A_429 = tpu.memref_slice %arg16[%add3A_26, %dma_wait3A] : memref<5128x128xf32, #tpu.memory_space<vmem_shared>> -> memref<32x128xf32, #tpu.memory_space<vmem_shared>>
      %dma_wait3A_430 = arith.constant 0 : i32
      %dma_wait3A_431 = tpu.memref_slice %arg16[%add3A_26, %dma_wait3A_430] : memref<5128x128xf32, #tpu.memory_space<vmem_shared>> -> memref<32x128xf32, #tpu.memory_space<vmem_shared>>
      tpu.wait_dma2 semaphore(%run_scoped3A : memref<!tpu.dma_semaphore, #tpu.memory_space<semaphore_mem>>) src(%arg13 : memref<32x128xf32, #tpu.memory_space<vmem>>) dst(%dma_wait3A_431 : memref<32x128xf32, #tpu.memory_space<vmem_shared>>)
      tpu.yield
    }) : () -> ()
    %mul3A_27 = arith.constant 320 : i32
    %mul3A_28 = arith.muli %arg1, %mul3A_27 : i32
    %add3A_29 = arith.constant 128 : i32
    %add3A_30 = arith.addi %mul3A_28, %add3A_29 : i32
    "tpu.region"() ({
      %run_scoped3A = tpu.sem_alloc : memref<!tpu.dma_semaphore, #tpu.memory_space<semaphore_mem>>
      %dma_start3A = arith.constant 0 : i32
      %dma_start3A_426 = tpu.memref_slice %arg16[%add3A_30, %dma_start3A] : memref<5128x128xf32, #tpu.memory_space<vmem_shared>> -> memref<32x128xf32, #tpu.memory_space<vmem_shared>>
      %dma_start3A_427 = arith.constant 0 : i32
      %dma_start3A_428 = tpu.memref_slice %arg16[%add3A_30, %dma_start3A_427] : memref<5128x128xf32, #tpu.memory_space<vmem_shared>> -> memref<32x128xf32, #tpu.memory_space<vmem_shared>>
      tpu.enqueue_dma source(%arg13 : memref<32x128xf32, #tpu.memory_space<vmem>>) target(%dma_start3A_428 : memref<32x128xf32, #tpu.memory_space<vmem_shared>>) target_semaphore(%run_scoped3A : memref<!tpu.dma_semaphore, #tpu.memory_space<semaphore_mem>>)
      %dma_wait3A = arith.constant 0 : i32
      %dma_wait3A_429 = tpu.memref_slice %arg16[%add3A_30, %dma_wait3A] : memref<5128x128xf32, #tpu.memory_space<vmem_shared>> -> memref<32x128xf32, #tpu.memory_space<vmem_shared>>
      %dma_wait3A_430 = arith.constant 0 : i32
      %dma_wait3A_431 = tpu.memref_slice %arg16[%add3A_30, %dma_wait3A_430] : memref<5128x128xf32, #tpu.memory_space<vmem_shared>> -> memref<32x128xf32, #tpu.memory_space<vmem_shared>>
      tpu.wait_dma2 semaphore(%run_scoped3A : memref<!tpu.dma_semaphore, #tpu.memory_space<semaphore_mem>>) src(%arg13 : memref<32x128xf32, #tpu.memory_space<vmem>>) dst(%dma_wait3A_431 : memref<32x128xf32, #tpu.memory_space<vmem_shared>>)
      tpu.yield
    }) : () -> ()
    %mul3A_31 = arith.constant 320 : i32
    %mul3A_32 = arith.muli %arg1, %mul3A_31 : i32
    %add3A_33 = arith.constant 160 : i32
    %add3A_34 = arith.addi %mul3A_32, %add3A_33 : i32
    "tpu.region"() ({
      %run_scoped3A = tpu.sem_alloc : memref<!tpu.dma_semaphore, #tpu.memory_space<semaphore_mem>>
      %dma_start3A = arith.constant 0 : i32
      %dma_start3A_426 = tpu.memref_slice %arg16[%add3A_34, %dma_start3A] : memref<5128x128xf32, #tpu.memory_space<vmem_shared>> -> memref<32x128xf32, #tpu.memory_space<vmem_shared>>
      %dma_start3A_427 = arith.constant 0 : i32
      %dma_start3A_428 = tpu.memref_slice %arg16[%add3A_34, %dma_start3A_427] : memref<5128x128xf32, #tpu.memory_space<vmem_shared>> -> memref<32x128xf32, #tpu.memory_space<vmem_shared>>
      tpu.enqueue_dma source(%arg13 : memref<32x128xf32, #tpu.memory_space<vmem>>) target(%dma_start3A_428 : memref<32x128xf32, #tpu.memory_space<vmem_shared>>) target_semaphore(%run_scoped3A : memref<!tpu.dma_semaphore, #tpu.memory_space<semaphore_mem>>)
      %dma_wait3A = arith.constant 0 : i32
      %dma_wait3A_429 = tpu.memref_slice %arg16[%add3A_34, %dma_wait3A] : memref<5128x128xf32, #tpu.memory_space<vmem_shared>> -> memref<32x128xf32, #tpu.memory_space<vmem_shared>>
      %dma_wait3A_430 = arith.constant 0 : i32
      %dma_wait3A_431 = tpu.memref_slice %arg16[%add3A_34, %dma_wait3A_430] : memref<5128x128xf32, #tpu.memory_space<vmem_shared>> -> memref<32x128xf32, #tpu.memory_space<vmem_shared>>
      tpu.wait_dma2 semaphore(%run_scoped3A : memref<!tpu.dma_semaphore, #tpu.memory_space<semaphore_mem>>) src(%arg13 : memref<32x128xf32, #tpu.memory_space<vmem>>) dst(%dma_wait3A_431 : memref<32x128xf32, #tpu.memory_space<vmem_shared>>)
      tpu.yield
    }) : () -> ()
    %mul3A_35 = arith.constant 320 : i32
    %mul3A_36 = arith.muli %arg1, %mul3A_35 : i32
    %add3A_37 = arith.constant 192 : i32
    %add3A_38 = arith.addi %mul3A_36, %add3A_37 : i32
    "tpu.region"() ({
      %run_scoped3A = tpu.sem_alloc : memref<!tpu.dma_semaphore, #tpu.memory_space<semaphore_mem>>
      %dma_start3A = arith.constant 0 : i32
      %dma_start3A_426 = tpu.memref_slice %arg16[%add3A_38, %dma_start3A] : memref<5128x128xf32, #tpu.memory_space<vmem_shared>> -> memref<32x128xf32, #tpu.memory_space<vmem_shared>>
      %dma_start3A_427 = arith.constant 0 : i32
      %dma_start3A_428 = tpu.memref_slice %arg16[%add3A_38, %dma_start3A_427] : memref<5128x128xf32, #tpu.memory_space<vmem_shared>> -> memref<32x128xf32, #tpu.memory_space<vmem_shared>>
      tpu.enqueue_dma source(%arg13 : memref<32x128xf32, #tpu.memory_space<vmem>>) target(%dma_start3A_428 : memref<32x128xf32, #tpu.memory_space<vmem_shared>>) target_semaphore(%run_scoped3A : memref<!tpu.dma_semaphore, #tpu.memory_space<semaphore_mem>>)
      %dma_wait3A = arith.constant 0 : i32
      %dma_wait3A_429 = tpu.memref_slice %arg16[%add3A_38, %dma_wait3A] : memref<5128x128xf32, #tpu.memory_space<vmem_shared>> -> memref<32x128xf32, #tpu.memory_space<vmem_shared>>
      %dma_wait3A_430 = arith.constant 0 : i32
      %dma_wait3A_431 = tpu.memref_slice %arg16[%add3A_38, %dma_wait3A_430] : memref<5128x128xf32, #tpu.memory_space<vmem_shared>> -> memref<32x128xf32, #tpu.memory_space<vmem_shared>>
      tpu.wait_dma2 semaphore(%run_scoped3A : memref<!tpu.dma_semaphore, #tpu.memory_space<semaphore_mem>>) src(%arg13 : memref<32x128xf32, #tpu.memory_space<vmem>>) dst(%dma_wait3A_431 : memref<32x128xf32, #tpu.memory_space<vmem_shared>>)
      tpu.yield
    }) : () -> ()
    %mul3A_39 = arith.constant 320 : i32
    %mul3A_40 = arith.muli %arg1, %mul3A_39 : i32
    %add3A_41 = arith.constant 224 : i32
    %add3A_42 = arith.addi %mul3A_40, %add3A_41 : i32
    "tpu.region"() ({
      %run_scoped3A = tpu.sem_alloc : memref<!tpu.dma_semaphore, #tpu.memory_space<semaphore_mem>>
      %dma_start3A = arith.constant 0 : i32
      %dma_start3A_426 = tpu.memref_slice %arg16[%add3A_42, %dma_start3A] : memref<5128x128xf32, #tpu.memory_space<vmem_shared>> -> memref<32x128xf32, #tpu.memory_space<vmem_shared>>
      %dma_start3A_427 = arith.constant 0 : i32
      %dma_start3A_428 = tpu.memref_slice %arg16[%add3A_42, %dma_start3A_427] : memref<5128x128xf32, #tpu.memory_space<vmem_shared>> -> memref<32x128xf32, #tpu.memory_space<vmem_shared>>
      tpu.enqueue_dma source(%arg13 : memref<32x128xf32, #tpu.memory_space<vmem>>) target(%dma_start3A_428 : memref<32x128xf32, #tpu.memory_space<vmem_shared>>) target_semaphore(%run_scoped3A : memref<!tpu.dma_semaphore, #tpu.memory_space<semaphore_mem>>)
      %dma_wait3A = arith.constant 0 : i32
      %dma_wait3A_429 = tpu.memref_slice %arg16[%add3A_42, %dma_wait3A] : memref<5128x128xf32, #tpu.memory_space<vmem_shared>> -> memref<32x128xf32, #tpu.memory_space<vmem_shared>>
      %dma_wait3A_430 = arith.constant 0 : i32
      %dma_wait3A_431 = tpu.memref_slice %arg16[%add3A_42, %dma_wait3A_430] : memref<5128x128xf32, #tpu.memory_space<vmem_shared>> -> memref<32x128xf32, #tpu.memory_space<vmem_shared>>
      tpu.wait_dma2 semaphore(%run_scoped3A : memref<!tpu.dma_semaphore, #tpu.memory_space<semaphore_mem>>) src(%arg13 : memref<32x128xf32, #tpu.memory_space<vmem>>) dst(%dma_wait3A_431 : memref<32x128xf32, #tpu.memory_space<vmem_shared>>)
      tpu.yield
    }) : () -> ()
    %mul3A_43 = arith.constant 320 : i32
    %mul3A_44 = arith.muli %arg1, %mul3A_43 : i32
    %add3A_45 = arith.constant 256 : i32
    %add3A_46 = arith.addi %mul3A_44, %add3A_45 : i32
    "tpu.region"() ({
      %run_scoped3A = tpu.sem_alloc : memref<!tpu.dma_semaphore, #tpu.memory_space<semaphore_mem>>
      %dma_start3A = arith.constant 0 : i32
      %dma_start3A_426 = tpu.memref_slice %arg16[%add3A_46, %dma_start3A] : memref<5128x128xf32, #tpu.memory_space<vmem_shared>> -> memref<32x128xf32, #tpu.memory_space<vmem_shared>>
      %dma_start3A_427 = arith.constant 0 : i32
      %dma_start3A_428 = tpu.memref_slice %arg16[%add3A_46, %dma_start3A_427] : memref<5128x128xf32, #tpu.memory_space<vmem_shared>> -> memref<32x128xf32, #tpu.memory_space<vmem_shared>>
      tpu.enqueue_dma source(%arg13 : memref<32x128xf32, #tpu.memory_space<vmem>>) target(%dma_start3A_428 : memref<32x128xf32, #tpu.memory_space<vmem_shared>>) target_semaphore(%run_scoped3A : memref<!tpu.dma_semaphore, #tpu.memory_space<semaphore_mem>>)
      %dma_wait3A = arith.constant 0 : i32
      %dma_wait3A_429 = tpu.memref_slice %arg16[%add3A_46, %dma_wait3A] : memref<5128x128xf32, #tpu.memory_space<vmem_shared>> -> memref<32x128xf32, #tpu.memory_space<vmem_shared>>
      %dma_wait3A_430 = arith.constant 0 : i32
      %dma_wait3A_431 = tpu.memref_slice %arg16[%add3A_46, %dma_wait3A_430] : memref<5128x128xf32, #tpu.memory_space<vmem_shared>> -> memref<32x128xf32, #tpu.memory_space<vmem_shared>>
      tpu.wait_dma2 semaphore(%run_scoped3A : memref<!tpu.dma_semaphore, #tpu.memory_space<semaphore_mem>>) src(%arg13 : memref<32x128xf32, #tpu.memory_space<vmem>>) dst(%dma_wait3A_431 : memref<32x128xf32, #tpu.memory_space<vmem_shared>>)
      tpu.yield
    }) : () -> ()
    %mul3A_47 = arith.constant 320 : i32
    %mul3A_48 = arith.muli %arg1, %mul3A_47 : i32
    %add3A_49 = arith.constant 288 : i32
    %add3A_50 = arith.addi %mul3A_48, %add3A_49 : i32
    "tpu.region"() ({
      %run_scoped3A = tpu.sem_alloc : memref<!tpu.dma_semaphore, #tpu.memory_space<semaphore_mem>>
      %dma_start3A = arith.constant 0 : i32
      %dma_start3A_426 = tpu.memref_slice %arg16[%add3A_50, %dma_start3A] : memref<5128x128xf32, #tpu.memory_space<vmem_shared>> -> memref<32x128xf32, #tpu.memory_space<vmem_shared>>
      %dma_start3A_427 = arith.constant 0 : i32
      %dma_start3A_428 = tpu.memref_slice %arg16[%add3A_50, %dma_start3A_427] : memref<5128x128xf32, #tpu.memory_space<vmem_shared>> -> memref<32x128xf32, #tpu.memory_space<vmem_shared>>
      tpu.enqueue_dma source(%arg13 : memref<32x128xf32, #tpu.memory_space<vmem>>) target(%dma_start3A_428 : memref<32x128xf32, #tpu.memory_space<vmem_shared>>) target_semaphore(%run_scoped3A : memref<!tpu.dma_semaphore, #tpu.memory_space<semaphore_mem>>)
      %dma_wait3A = arith.constant 0 : i32
      %dma_wait3A_429 = tpu.memref_slice %arg16[%add3A_50, %dma_wait3A] : memref<5128x128xf32, #tpu.memory_space<vmem_shared>> -> memref<32x128xf32, #tpu.memory_space<vmem_shared>>
      %dma_wait3A_430 = arith.constant 0 : i32
      %dma_wait3A_431 = tpu.memref_slice %arg16[%add3A_50, %dma_wait3A_430] : memref<5128x128xf32, #tpu.memory_space<vmem_shared>> -> memref<32x128xf32, #tpu.memory_space<vmem_shared>>
      tpu.wait_dma2 semaphore(%run_scoped3A : memref<!tpu.dma_semaphore, #tpu.memory_space<semaphore_mem>>) src(%arg13 : memref<32x128xf32, #tpu.memory_space<vmem>>) dst(%dma_wait3A_431 : memref<32x128xf32, #tpu.memory_space<vmem_shared>>)
      tpu.yield
    }) : () -> ()
    %eq3A = arith.constant 0 : i32
    %eq3A_51 = arith.cmpi eq, %arg1, %eq3A : i32
    %convert_element_type3A = arith.extui %eq3A_51 : i1 to i32
    %cond3A = arith.constant 0 : i32
    %cond3A_52 = arith.cmpi ne, %convert_element_type3A, %cond3A : i32
    scf.if %cond3A_52 {
      "tpu.region"() ({
        %run_scoped3A = tpu.sem_alloc : memref<!tpu.dma_semaphore, #tpu.memory_space<semaphore_mem>>
        %dma_start3A = arith.constant 0 : i32
        %dma_start3A_426 = arith.constant 0 : i32
        %dma_start3A_427 = tpu.memref_slice %arg13[%dma_start3A, %dma_start3A_426] : memref<32x128xf32, #tpu.memory_space<vmem>> -> memref<8x128xf32, #tpu.memory_space<vmem>>
        %dma_start3A_428 = arith.constant 5120 : i32
        %dma_start3A_429 = arith.constant 0 : i32
        %dma_start3A_430 = tpu.memref_slice %arg16[%dma_start3A_428, %dma_start3A_429] : memref<5128x128xf32, #tpu.memory_space<vmem_shared>> -> memref<8x128xf32, #tpu.memory_space<vmem_shared>>
        %dma_start3A_431 = arith.constant 5120 : i32
        %dma_start3A_432 = arith.constant 0 : i32
        %dma_start3A_433 = tpu.memref_slice %arg16[%dma_start3A_431, %dma_start3A_432] : memref<5128x128xf32, #tpu.memory_space<vmem_shared>> -> memref<8x128xf32, #tpu.memory_space<vmem_shared>>
        %dma_start3A_434 = arith.constant 0 : i32
        %dma_start3A_435 = arith.constant 0 : i32
        %dma_start3A_436 = tpu.memref_slice %arg13[%dma_start3A_434, %dma_start3A_435] : memref<32x128xf32, #tpu.memory_space<vmem>> -> memref<8x128xf32, #tpu.memory_space<vmem>>
        tpu.enqueue_dma source(%dma_start3A_436 : memref<8x128xf32, #tpu.memory_space<vmem>>) target(%dma_start3A_433 : memref<8x128xf32, #tpu.memory_space<vmem_shared>>) target_semaphore(%run_scoped3A : memref<!tpu.dma_semaphore, #tpu.memory_space<semaphore_mem>>)
        %dma_wait3A = arith.constant 0 : i32
        %dma_wait3A_437 = arith.constant 0 : i32
        %dma_wait3A_438 = tpu.memref_slice %arg13[%dma_wait3A, %dma_wait3A_437] : memref<32x128xf32, #tpu.memory_space<vmem>> -> memref<8x128xf32, #tpu.memory_space<vmem>>
        %dma_wait3A_439 = arith.constant 5120 : i32
        %dma_wait3A_440 = arith.constant 0 : i32
        %dma_wait3A_441 = tpu.memref_slice %arg16[%dma_wait3A_439, %dma_wait3A_440] : memref<5128x128xf32, #tpu.memory_space<vmem_shared>> -> memref<8x128xf32, #tpu.memory_space<vmem_shared>>
        %dma_wait3A_442 = arith.constant 5120 : i32
        %dma_wait3A_443 = arith.constant 0 : i32
        %dma_wait3A_444 = tpu.memref_slice %arg16[%dma_wait3A_442, %dma_wait3A_443] : memref<5128x128xf32, #tpu.memory_space<vmem_shared>> -> memref<8x128xf32, #tpu.memory_space<vmem_shared>>
        %dma_wait3A_445 = arith.constant 0 : i32
        %dma_wait3A_446 = arith.constant 0 : i32
        %dma_wait3A_447 = tpu.memref_slice %arg13[%dma_wait3A_445, %dma_wait3A_446] : memref<32x128xf32, #tpu.memory_space<vmem>> -> memref<8x128xf32, #tpu.memory_space<vmem>>
        tpu.wait_dma2 semaphore(%run_scoped3A : memref<!tpu.dma_semaphore, #tpu.memory_space<semaphore_mem>>) src(%dma_wait3A_447 : memref<8x128xf32, #tpu.memory_space<vmem>>) dst(%dma_wait3A_444 : memref<8x128xf32, #tpu.memory_space<vmem_shared>>)
        tpu.yield
      }) : () -> ()
    } else {
    }
    %mul3A_53 = arith.constant 80 : i32
    %mul3A_54 = arith.muli %arg1, %mul3A_53 : i32
    "tpu.region"() ({
      %run_scoped3A = tpu.sem_alloc : memref<!tpu.dma_semaphore, #tpu.memory_space<semaphore_mem>>
      %dma_start3A = arith.constant 0 : i32
      %dma_start3A_426 = tpu.memref_slice %arg2[%mul3A_54, %dma_start3A] : memref<1280x128xi32, #tpu.memory_space<hbm>> -> memref<80x128xi32, #tpu.memory_space<hbm>>
      %dma_start3A_427 = arith.constant 0 : i32
      %dma_start3A_428 = tpu.memref_slice %arg2[%mul3A_54, %dma_start3A_427] : memref<1280x128xi32, #tpu.memory_space<hbm>> -> memref<80x128xi32, #tpu.memory_space<hbm>>
      tpu.enqueue_dma source(%dma_start3A_428 : memref<80x128xi32, #tpu.memory_space<hbm>>) target(%arg8 : memref<80x128xi32, #tpu.memory_space<vmem>>) target_semaphore(%run_scoped3A : memref<!tpu.dma_semaphore, #tpu.memory_space<semaphore_mem>>)
      %dma_wait3A = arith.constant 0 : i32
      %dma_wait3A_429 = tpu.memref_slice %arg2[%mul3A_54, %dma_wait3A] : memref<1280x128xi32, #tpu.memory_space<hbm>> -> memref<80x128xi32, #tpu.memory_space<hbm>>
      %dma_wait3A_430 = arith.constant 0 : i32
      %dma_wait3A_431 = tpu.memref_slice %arg2[%mul3A_54, %dma_wait3A_430] : memref<1280x128xi32, #tpu.memory_space<hbm>> -> memref<80x128xi32, #tpu.memory_space<hbm>>
      tpu.wait_dma2 semaphore(%run_scoped3A : memref<!tpu.dma_semaphore, #tpu.memory_space<semaphore_mem>>) src(%dma_wait3A_431 : memref<80x128xi32, #tpu.memory_space<hbm>>) dst(%arg8 : memref<80x128xi32, #tpu.memory_space<vmem>>)
      tpu.yield
    }) : () -> ()
    %mul3A_55 = arith.constant 80 : i32
    %mul3A_56 = arith.muli %arg1, %mul3A_55 : i32
    "tpu.region"() ({
      %run_scoped3A = tpu.sem_alloc : memref<!tpu.dma_semaphore, #tpu.memory_space<semaphore_mem>>
      %dma_start3A = arith.constant 0 : i32
      %dma_start3A_426 = tpu.memref_slice %arg3[%mul3A_56, %dma_start3A] : memref<1280x128xi32, #tpu.memory_space<hbm>> -> memref<80x128xi32, #tpu.memory_space<hbm>>
      %dma_start3A_427 = arith.constant 0 : i32
      %dma_start3A_428 = tpu.memref_slice %arg3[%mul3A_56, %dma_start3A_427] : memref<1280x128xi32, #tpu.memory_space<hbm>> -> memref<80x128xi32, #tpu.memory_space<hbm>>
      tpu.enqueue_dma source(%dma_start3A_428 : memref<80x128xi32, #tpu.memory_space<hbm>>) target(%arg9 : memref<80x128xi32, #tpu.memory_space<vmem>>) target_semaphore(%run_scoped3A : memref<!tpu.dma_semaphore, #tpu.memory_space<semaphore_mem>>)
      %dma_wait3A = arith.constant 0 : i32
      %dma_wait3A_429 = tpu.memref_slice %arg3[%mul3A_56, %dma_wait3A] : memref<1280x128xi32, #tpu.memory_space<hbm>> -> memref<80x128xi32, #tpu.memory_space<hbm>>
      %dma_wait3A_430 = arith.constant 0 : i32
      %dma_wait3A_431 = tpu.memref_slice %arg3[%mul3A_56, %dma_wait3A_430] : memref<1280x128xi32, #tpu.memory_space<hbm>> -> memref<80x128xi32, #tpu.memory_space<hbm>>
      tpu.wait_dma2 semaphore(%run_scoped3A : memref<!tpu.dma_semaphore, #tpu.memory_space<semaphore_mem>>) src(%dma_wait3A_431 : memref<80x128xi32, #tpu.memory_space<hbm>>) dst(%arg9 : memref<80x128xi32, #tpu.memory_space<vmem>>)
      tpu.yield
    }) : () -> ()
    %broadcast_in_dim3A = arith.constant 0 : i32
    %broadcast_in_dim3A_57 = vector.broadcast %broadcast_in_dim3A : i32 to vector<16xi32>
    %scan3A_58 = arith.constant 0 : i32
    %scan3A_59 = arith.constant 640 : i32
    %scan3A_60 = arith.addi %scan3A_58, %scan3A_59 : i32
    %scan3A_61 = arith.constant 1 : i32
    %scan3A_62:2 = scf.for %scan3A_426 = %scan3A_58 to %scan3A_60 step %scan3A_61 iter_args(%scan3A_427 = %broadcast_in_dim3A_57, %scan3A_428 = %broadcast_in_dim3A_57) -> (vector<16xi32>, vector<16xi32>)  : i32 {
      %jit3A = arith.constant 8 : i32
      %div3A = arith.divsi %scan3A_426, %jit3A : i32
      %sign3A = arith.constant 0 : i32
      %sign3A_429 = arith.cmpi sgt, %scan3A_426, %sign3A : i32
      %sign3A_430 = arith.extui %sign3A_429 : i1 to i32
      %sign3A_431 = arith.constant 0 : i32
      %sign3A_432 = arith.cmpi slt, %scan3A_426, %sign3A_431 : i32
      %sign3A_433 = arith.extui %sign3A_432 : i1 to i32
      %sign3A_434 = arith.subi %sign3A_430, %sign3A_433 : i32
      %sign3A_435 = arith.constant 0 : i32
      %sign3A_436 = arith.cmpi sgt, %jit3A, %sign3A_435 : i32
      %sign3A_437 = arith.extui %sign3A_436 : i1 to i32
      %sign3A_438 = arith.constant 0 : i32
      %sign3A_439 = arith.cmpi slt, %jit3A, %sign3A_438 : i32
      %sign3A_440 = arith.extui %sign3A_439 : i1 to i32
      %sign3A_441 = arith.subi %sign3A_437, %sign3A_440 : i32
      %ne3A = arith.cmpi ne, %sign3A_434, %sign3A_441 : i32
      %rem3A = arith.remsi %scan3A_426, %jit3A : i32
      %ne3A_442 = arith.constant 0 : i32
      %ne3A_443 = arith.cmpi ne, %rem3A, %ne3A_442 : i32
      %and3A_444 = arith.andi %ne3A, %ne3A_443 : i1
      %sub3A = arith.constant 1 : i32
      %sub3A_445 = arith.subi %div3A, %sub3A : i32
      %select_n3A = arith.select %and3A_444, %sub3A_445, %div3A : i32
      %jit3A_446 = arith.constant 8 : i32
      %eq3A_447 = arith.constant 0 : i32
      %eq3A_448 = arith.cmpi eq, %jit3A_446, %eq3A_447 : i32
      %jit3A_449 = arith.constant 1 : i32
      %select_n3A_450 = arith.select %eq3A_448, %jit3A_449, %jit3A_446 : i32
      %rem3A_451 = arith.remsi %scan3A_426, %select_n3A_450 : i32
      %ne3A_452 = arith.constant 0 : i32
      %ne3A_453 = arith.cmpi ne, %rem3A_451, %ne3A_452 : i32
      %lt3A_454 = arith.constant 0 : i32
      %lt3A_455 = arith.cmpi slt, %rem3A_451, %lt3A_454 : i32
      %lt3A_456 = arith.constant 0 : i32
      %lt3A_457 = arith.cmpi slt, %select_n3A_450, %lt3A_456 : i32
      %ne3A_458 = arith.xori %lt3A_455, %lt3A_457 : i1
      %and3A_459 = arith.andi %ne3A_458, %ne3A_453 : i1
      %add3A_460 = arith.addi %rem3A_451, %select_n3A_450 : i32
      %select_n3A_461 = arith.select %and3A_459, %add3A_460, %rem3A_451 : i32
      %mul3A_462 = arith.constant 16 : i32
      %mul3A_463 = arith.muli %select_n3A_461, %mul3A_462 : i32
      %get3A = arith.index_cast %select_n3A : i32 to index
      %get3A_464 = arith.index_cast %mul3A_463 : i32 to index
      %get3A_465 = tpu.vector_load %arg8[%get3A, %get3A_464] {strides = array<i32>} : memref<80x128xi32, #tpu.memory_space<vmem>>, vector<16xi32>,
      %get3A_466 = arith.index_cast %select_n3A : i32 to index
      %get3A_467 = arith.index_cast %mul3A_463 : i32 to index
      %get3A_468 = tpu.vector_load %arg9[%get3A_466, %get3A_467] {strides = array<i32>} : memref<80x128xi32, #tpu.memory_space<vmem>>, vector<16xi32>,
      %lt3A_469 = arith.constant 5120 : i32
      %lt3A_470 = vector.broadcast %lt3A_469 : i32 to vector<16xi32>
      %lt3A_471 = arith.cmpi slt, %get3A_468, %lt3A_470 : vector<16xi32>
      %convert_element_type3A_472 = arith.extui %lt3A_471 : vector<16xi1> to vector<16xi32>
      %sub3A_473 = arith.constant 1 : i32
      %sub3A_474 = vector.broadcast %sub3A_473 : i32 to vector<16xi32>
      %sub3A_475 = arith.subi %sub3A_474, %convert_element_type3A_472 : vector<16xi32>
      %broadcast_in_dim3A_476 = arith.constant true
      %broadcast_in_dim3A_477 = vector.broadcast %broadcast_in_dim3A_476 : i1 to vector<16xi1>
      %masked_cumsum3A = tpu.scan <sum>, %convert_element_type3A_472 masked %broadcast_in_dim3A_477 : vector<16xi32>, vector<16xi1> -> vector<16xi32>
      %broadcast_in_dim3A_478 = arith.constant true
      %broadcast_in_dim3A_479 = vector.broadcast %broadcast_in_dim3A_478 : i1 to vector<16xi1>
      %masked_cumsum3A_480 = tpu.scan <sum>, %sub3A_475 masked %broadcast_in_dim3A_479 : vector<16xi32>, vector<16xi1> -> vector<16xi32>
      %add3A_481 = arith.addi %scan3A_427, %masked_cumsum3A : vector<16xi32>
      %sub3A_482 = arith.constant 1 : i32
      %sub3A_483 = vector.broadcast %sub3A_482 : i32 to vector<16xi32>
      %sub3A_484 = arith.subi %add3A_481, %sub3A_483 : vector<16xi32>
      %add3A_485 = arith.addi %scan3A_428, %masked_cumsum3A_480 : vector<16xi32>
      %sub3A_486 = arith.constant 1 : i32
      %sub3A_487 = vector.broadcast %sub3A_486 : i32 to vector<16xi32>
      %sub3A_488 = arith.subi %add3A_485, %sub3A_487 : vector<16xi32>
      %shift_right_logical3A_489 = arith.constant 7 : i32
      %shift_right_logical3A_490 = vector.broadcast %shift_right_logical3A_489 : i32 to vector<16xi32>
      %shift_right_logical3A_491 = arith.shrui %sub3A_484, %shift_right_logical3A_490 : vector<16xi32>
      %and3A_492 = arith.constant 127 : i32
      %and3A_493 = vector.broadcast %and3A_492 : i32 to vector<16xi32>
      %and3A_494 = arith.andi %sub3A_484, %and3A_493 : vector<16xi32>
      %shift_right_logical3A_495 = arith.constant 7 : i32
      %shift_right_logical3A_496 = vector.broadcast %shift_right_logical3A_495 : i32 to vector<16xi32>
      %shift_right_logical3A_497 = arith.shrui %sub3A_488, %shift_right_logical3A_496 : vector<16xi32>
      %and3A_498 = arith.constant 127 : i32
      %and3A_499 = vector.broadcast %and3A_498 : i32 to vector<16xi32>
      %and3A_500 = arith.andi %sub3A_488, %and3A_499 : vector<16xi32>
      %not3A = arith.constant dense<true> : vector<16xi1>
      %not3A_501 = arith.xori %lt3A_471, %not3A : vector<16xi1>
      tpu.vector_store_idx %arg8[%shift_right_logical3A_491, %and3A_494], %get3A_465 masked %lt3A_471 : memref<80x128xi32, #tpu.memory_space<vmem>>[vector<16xi32>, vector<16xi32>], vector<16xi32>, vector<16xi1>
      tpu.vector_store_idx %arg9[%shift_right_logical3A_491, %and3A_494], %get3A_468 masked %lt3A_471 : memref<80x128xi32, #tpu.memory_space<vmem>>[vector<16xi32>, vector<16xi32>], vector<16xi32>, vector<16xi1>
      tpu.vector_store_idx %arg10[%shift_right_logical3A_497, %and3A_500], %get3A_465 masked %not3A_501 : memref<80x128xi32, #tpu.memory_space<vmem>>[vector<16xi32>, vector<16xi32>], vector<16xi32>, vector<16xi1>
      %sub3A_502 = arith.constant 5120 : i32
      %sub3A_503 = vector.broadcast %sub3A_502 : i32 to vector<16xi32>
      %sub3A_504 = arith.subi %get3A_468, %sub3A_503 : vector<16xi32>
      tpu.vector_store_idx %arg11[%shift_right_logical3A_497, %and3A_500], %sub3A_504 masked %not3A_501 : memref<80x128xi32, #tpu.memory_space<vmem>>[vector<16xi32>, vector<16xi32>], vector<16xi32>, vector<16xi1>
      %rev3A = arith.constant 15 : i32
      %rev3A_505 = vector.broadcast %rev3A : i32 to vector<16xi32>
      %rev3A_506 = tpu.iota {dimensions = array<i32: 0>} : vector<16xi32>
      %rev3A_507 = arith.subi %rev3A_505, %rev3A_506 : vector<16xi32>
      %rev3A_508 = tpu.dynamic_gather %masked_cumsum3A[%rev3A_507] in [0] : vector<16xi32>, vector<16xi32> -> vector<16xi32>
      %broadcast_in_dim3A_509 = arith.constant true
      %broadcast_in_dim3A_510 = vector.broadcast %broadcast_in_dim3A_509 : i1 to vector<16xi1>
      %masked_cummax3A = arith.constant -2147483648 : i32
      %masked_cummax3A_511 = vector.broadcast %masked_cummax3A : i32 to vector<16xi32>
      %masked_cummax3A_512 = arith.xori %rev3A_508, %masked_cummax3A_511 : vector<16xi32>
      %masked_cummax3A_513 = tpu.scan <max>, %masked_cummax3A_512 masked %broadcast_in_dim3A_510 : vector<16xi32>, vector<16xi1> -> vector<16xi32>
      %masked_cummax3A_514 = arith.xori %masked_cummax3A_513, %masked_cummax3A_511 : vector<16xi32>
      %rev3A_515 = arith.constant 15 : i32
      %rev3A_516 = vector.broadcast %rev3A_515 : i32 to vector<16xi32>
      %rev3A_517 = tpu.iota {dimensions = array<i32: 0>} : vector<16xi32>
      %rev3A_518 = arith.subi %rev3A_516, %rev3A_517 : vector<16xi32>
      %rev3A_519 = tpu.dynamic_gather %masked_cumsum3A_480[%rev3A_518] in [0] : vector<16xi32>, vector<16xi32> -> vector<16xi32>
      %broadcast_in_dim3A_520 = arith.constant true
      %broadcast_in_dim3A_521 = vector.broadcast %broadcast_in_dim3A_520 : i1 to vector<16xi1>
      %masked_cummax3A_522 = arith.constant -2147483648 : i32
      %masked_cummax3A_523 = vector.broadcast %masked_cummax3A_522 : i32 to vector<16xi32>
      %masked_cummax3A_524 = arith.xori %rev3A_519, %masked_cummax3A_523 : vector<16xi32>
      %masked_cummax3A_525 = tpu.scan <max>, %masked_cummax3A_524 masked %broadcast_in_dim3A_521 : vector<16xi32>, vector<16xi1> -> vector<16xi32>
      %masked_cummax3A_526 = arith.xori %masked_cummax3A_525, %masked_cummax3A_523 : vector<16xi32>
      %add3A_527 = arith.addi %scan3A_427, %masked_cummax3A_514 : vector<16xi32>
      %add3A_528 = arith.addi %scan3A_428, %masked_cummax3A_526 : vector<16xi32>
      scf.yield %add3A_527, %add3A_528 : vector<16xi32>, vector<16xi32>
    }
    %scan3A_63 = arith.constant 640 : i32
    %iota3A = tpu.iota {dimensions = array<i32: 0>} : vector<16xi32>
    %broadcast_in_dim3A_64 = arith.constant 5120 : i32
    %broadcast_in_dim3A_65 = vector.broadcast %broadcast_in_dim3A_64 : i32 to vector<16xi32>
    %broadcast_in_dim3A_66 = arith.constant 0 : i32
    %broadcast_in_dim3A_67 = vector.broadcast %broadcast_in_dim3A_66 : i32 to vector<16xi32>
    %shift_right_logical3A = arith.constant 4 : i32
    %shift_right_logical3A_68 = vector.broadcast %shift_right_logical3A : i32 to vector<16xi32>
    %shift_right_logical3A_69 = arith.shrui %scan3A_62#0, %shift_right_logical3A_68 : vector<16xi32>
    %shift_left3A = arith.constant 4 : i32
    %shift_left3A_70 = vector.broadcast %shift_left3A : i32 to vector<16xi32>
    %shift_left3A_71 = arith.shli %shift_right_logical3A_69, %shift_left3A_70 : vector<16xi32>
    %add3A_72 = arith.constant 127 : i32
    %add3A_73 = vector.broadcast %add3A_72 : i32 to vector<16xi32>
    %add3A_74 = arith.addi %scan3A_62#0, %add3A_73 : vector<16xi32>
    %shift_right_logical3A_75 = arith.constant 7 : i32
    %shift_right_logical3A_76 = vector.broadcast %shift_right_logical3A_75 : i32 to vector<16xi32>
    %shift_right_logical3A_77 = arith.shrui %add3A_74, %shift_right_logical3A_76 : vector<16xi32>
    %shift_left3A_78 = arith.constant 7 : i32
    %shift_left3A_79 = vector.broadcast %shift_left3A_78 : i32 to vector<16xi32>
    %shift_left3A_80 = arith.shli %shift_right_logical3A_77, %shift_left3A_79 : vector<16xi32>
    %add3A_81 = arith.constant 0 : i32
    %add3A_82 = vector.broadcast %add3A_81 : i32 to vector<16xi32>
    %add3A_83 = arith.addi %shift_left3A_71, %add3A_82 : vector<16xi32>
    %add3A_84 = arith.addi %add3A_83, %iota3A : vector<16xi32>
    %ge3A = arith.cmpi sge, %add3A_84, %scan3A_62#0 : vector<16xi32>
    %lt3A = arith.cmpi slt, %add3A_84, %shift_left3A_80 : vector<16xi32>
    %and3A = arith.andi %ge3A, %lt3A : vector<16xi1>
    %shift_right_logical3A_85 = arith.constant 7 : i32
    %shift_right_logical3A_86 = vector.broadcast %shift_right_logical3A_85 : i32 to vector<16xi32>
    %shift_right_logical3A_87 = arith.shrui %add3A_84, %shift_right_logical3A_86 : vector<16xi32>
    %and3A_88 = arith.constant 127 : i32
    %and3A_89 = vector.broadcast %and3A_88 : i32 to vector<16xi32>
    %and3A_90 = arith.andi %add3A_84, %and3A_89 : vector<16xi32>
    tpu.vector_store_idx %arg9[%shift_right_logical3A_87, %and3A_90], %broadcast_in_dim3A_65 masked %and3A : memref<80x128xi32, #tpu.memory_space<vmem>>[vector<16xi32>, vector<16xi32>], vector<16xi32>, vector<16xi1>
    %add3A_91 = arith.constant 16 : i32
    %add3A_92 = vector.broadcast %add3A_91 : i32 to vector<16xi32>
    %add3A_93 = arith.addi %shift_left3A_71, %add3A_92 : vector<16xi32>
    %add3A_94 = arith.addi %add3A_93, %iota3A : vector<16xi32>
    %ge3A_95 = arith.cmpi sge, %add3A_94, %scan3A_62#0 : vector<16xi32>
    %lt3A_96 = arith.cmpi slt, %add3A_94, %shift_left3A_80 : vector<16xi32>
    %and3A_97 = arith.andi %ge3A_95, %lt3A_96 : vector<16xi1>
    %shift_right_logical3A_98 = arith.constant 7 : i32
    %shift_right_logical3A_99 = vector.broadcast %shift_right_logical3A_98 : i32 to vector<16xi32>
    %shift_right_logical3A_100 = arith.shrui %add3A_94, %shift_right_logical3A_99 : vector<16xi32>
    %and3A_101 = arith.constant 127 : i32
    %and3A_102 = vector.broadcast %and3A_101 : i32 to vector<16xi32>
    %and3A_103 = arith.andi %add3A_94, %and3A_102 : vector<16xi32>
    tpu.vector_store_idx %arg9[%shift_right_logical3A_100, %and3A_103], %broadcast_in_dim3A_65 masked %and3A_97 : memref<80x128xi32, #tpu.memory_space<vmem>>[vector<16xi32>, vector<16xi32>], vector<16xi32>, vector<16xi1>
    %add3A_104 = arith.constant 32 : i32
    %add3A_105 = vector.broadcast %add3A_104 : i32 to vector<16xi32>
    %add3A_106 = arith.addi %shift_left3A_71, %add3A_105 : vector<16xi32>
    %add3A_107 = arith.addi %add3A_106, %iota3A : vector<16xi32>
    %ge3A_108 = arith.cmpi sge, %add3A_107, %scan3A_62#0 : vector<16xi32>
    %lt3A_109 = arith.cmpi slt, %add3A_107, %shift_left3A_80 : vector<16xi32>
    %and3A_110 = arith.andi %ge3A_108, %lt3A_109 : vector<16xi1>
    %shift_right_logical3A_111 = arith.constant 7 : i32
    %shift_right_logical3A_112 = vector.broadcast %shift_right_logical3A_111 : i32 to vector<16xi32>
    %shift_right_logical3A_113 = arith.shrui %add3A_107, %shift_right_logical3A_112 : vector<16xi32>
    %and3A_114 = arith.constant 127 : i32
    %and3A_115 = vector.broadcast %and3A_114 : i32 to vector<16xi32>
    %and3A_116 = arith.andi %add3A_107, %and3A_115 : vector<16xi32>
    tpu.vector_store_idx %arg9[%shift_right_logical3A_113, %and3A_116], %broadcast_in_dim3A_65 masked %and3A_110 : memref<80x128xi32, #tpu.memory_space<vmem>>[vector<16xi32>, vector<16xi32>], vector<16xi32>, vector<16xi1>
    %add3A_117 = arith.constant 48 : i32
    %add3A_118 = vector.broadcast %add3A_117 : i32 to vector<16xi32>
    %add3A_119 = arith.addi %shift_left3A_71, %add3A_118 : vector<16xi32>
    %add3A_120 = arith.addi %add3A_119, %iota3A : vector<16xi32>
    %ge3A_121 = arith.cmpi sge, %add3A_120, %scan3A_62#0 : vector<16xi32>
    %lt3A_122 = arith.cmpi slt, %add3A_120, %shift_left3A_80 : vector<16xi32>
    %and3A_123 = arith.andi %ge3A_121, %lt3A_122 : vector<16xi1>
    %shift_right_logical3A_124 = arith.constant 7 : i32
    %shift_right_logical3A_125 = vector.broadcast %shift_right_logical3A_124 : i32 to vector<16xi32>
    %shift_right_logical3A_126 = arith.shrui %add3A_120, %shift_right_logical3A_125 : vector<16xi32>
    %and3A_127 = arith.constant 127 : i32
    %and3A_128 = vector.broadcast %and3A_127 : i32 to vector<16xi32>
    %and3A_129 = arith.andi %add3A_120, %and3A_128 : vector<16xi32>
    tpu.vector_store_idx %arg9[%shift_right_logical3A_126, %and3A_129], %broadcast_in_dim3A_65 masked %and3A_123 : memref<80x128xi32, #tpu.memory_space<vmem>>[vector<16xi32>, vector<16xi32>], vector<16xi32>, vector<16xi1>
    %add3A_130 = arith.constant 64 : i32
    %add3A_131 = vector.broadcast %add3A_130 : i32 to vector<16xi32>
    %add3A_132 = arith.addi %shift_left3A_71, %add3A_131 : vector<16xi32>
    %add3A_133 = arith.addi %add3A_132, %iota3A : vector<16xi32>
    %ge3A_134 = arith.cmpi sge, %add3A_133, %scan3A_62#0 : vector<16xi32>
    %lt3A_135 = arith.cmpi slt, %add3A_133, %shift_left3A_80 : vector<16xi32>
    %and3A_136 = arith.andi %ge3A_134, %lt3A_135 : vector<16xi1>
    %shift_right_logical3A_137 = arith.constant 7 : i32
    %shift_right_logical3A_138 = vector.broadcast %shift_right_logical3A_137 : i32 to vector<16xi32>
    %shift_right_logical3A_139 = arith.shrui %add3A_133, %shift_right_logical3A_138 : vector<16xi32>
    %and3A_140 = arith.constant 127 : i32
    %and3A_141 = vector.broadcast %and3A_140 : i32 to vector<16xi32>
    %and3A_142 = arith.andi %add3A_133, %and3A_141 : vector<16xi32>
    tpu.vector_store_idx %arg9[%shift_right_logical3A_139, %and3A_142], %broadcast_in_dim3A_65 masked %and3A_136 : memref<80x128xi32, #tpu.memory_space<vmem>>[vector<16xi32>, vector<16xi32>], vector<16xi32>, vector<16xi1>
    %add3A_143 = arith.constant 80 : i32
    %add3A_144 = vector.broadcast %add3A_143 : i32 to vector<16xi32>
    %add3A_145 = arith.addi %shift_left3A_71, %add3A_144 : vector<16xi32>
    %add3A_146 = arith.addi %add3A_145, %iota3A : vector<16xi32>
    %ge3A_147 = arith.cmpi sge, %add3A_146, %scan3A_62#0 : vector<16xi32>
    %lt3A_148 = arith.cmpi slt, %add3A_146, %shift_left3A_80 : vector<16xi32>
    %and3A_149 = arith.andi %ge3A_147, %lt3A_148 : vector<16xi1>
    %shift_right_logical3A_150 = arith.constant 7 : i32
    %shift_right_logical3A_151 = vector.broadcast %shift_right_logical3A_150 : i32 to vector<16xi32>
    %shift_right_logical3A_152 = arith.shrui %add3A_146, %shift_right_logical3A_151 : vector<16xi32>
    %and3A_153 = arith.constant 127 : i32
    %and3A_154 = vector.broadcast %and3A_153 : i32 to vector<16xi32>
    %and3A_155 = arith.andi %add3A_146, %and3A_154 : vector<16xi32>
    tpu.vector_store_idx %arg9[%shift_right_logical3A_152, %and3A_155], %broadcast_in_dim3A_65 masked %and3A_149 : memref<80x128xi32, #tpu.memory_space<vmem>>[vector<16xi32>, vector<16xi32>], vector<16xi32>, vector<16xi1>
    %add3A_156 = arith.constant 96 : i32
    %add3A_157 = vector.broadcast %add3A_156 : i32 to vector<16xi32>
    %add3A_158 = arith.addi %shift_left3A_71, %add3A_157 : vector<16xi32>
    %add3A_159 = arith.addi %add3A_158, %iota3A : vector<16xi32>
    %ge3A_160 = arith.cmpi sge, %add3A_159, %scan3A_62#0 : vector<16xi32>
    %lt3A_161 = arith.cmpi slt, %add3A_159, %shift_left3A_80 : vector<16xi32>
    %and3A_162 = arith.andi %ge3A_160, %lt3A_161 : vector<16xi1>
    %shift_right_logical3A_163 = arith.constant 7 : i32
    %shift_right_logical3A_164 = vector.broadcast %shift_right_logical3A_163 : i32 to vector<16xi32>
    %shift_right_logical3A_165 = arith.shrui %add3A_159, %shift_right_logical3A_164 : vector<16xi32>
    %and3A_166 = arith.constant 127 : i32
    %and3A_167 = vector.broadcast %and3A_166 : i32 to vector<16xi32>
    %and3A_168 = arith.andi %add3A_159, %and3A_167 : vector<16xi32>
    tpu.vector_store_idx %arg9[%shift_right_logical3A_165, %and3A_168], %broadcast_in_dim3A_65 masked %and3A_162 : memref<80x128xi32, #tpu.memory_space<vmem>>[vector<16xi32>, vector<16xi32>], vector<16xi32>, vector<16xi1>
    %add3A_169 = arith.constant 112 : i32
    %add3A_170 = vector.broadcast %add3A_169 : i32 to vector<16xi32>
    %add3A_171 = arith.addi %shift_left3A_71, %add3A_170 : vector<16xi32>
    %add3A_172 = arith.addi %add3A_171, %iota3A : vector<16xi32>
    %ge3A_173 = arith.cmpi sge, %add3A_172, %scan3A_62#0 : vector<16xi32>
    %lt3A_174 = arith.cmpi slt, %add3A_172, %shift_left3A_80 : vector<16xi32>
    %and3A_175 = arith.andi %ge3A_173, %lt3A_174 : vector<16xi1>
    %shift_right_logical3A_176 = arith.constant 7 : i32
    %shift_right_logical3A_177 = vector.broadcast %shift_right_logical3A_176 : i32 to vector<16xi32>
    %shift_right_logical3A_178 = arith.shrui %add3A_172, %shift_right_logical3A_177 : vector<16xi32>
    %and3A_179 = arith.constant 127 : i32
    %and3A_180 = vector.broadcast %and3A_179 : i32 to vector<16xi32>
    %and3A_181 = arith.andi %add3A_172, %and3A_180 : vector<16xi32>
    tpu.vector_store_idx %arg9[%shift_right_logical3A_178, %and3A_181], %broadcast_in_dim3A_65 masked %and3A_175 : memref<80x128xi32, #tpu.memory_space<vmem>>[vector<16xi32>, vector<16xi32>], vector<16xi32>, vector<16xi1>
    %add3A_182 = arith.constant 128 : i32
    %add3A_183 = vector.broadcast %add3A_182 : i32 to vector<16xi32>
    %add3A_184 = arith.addi %shift_left3A_71, %add3A_183 : vector<16xi32>
    %add3A_185 = arith.addi %add3A_184, %iota3A : vector<16xi32>
    %ge3A_186 = arith.cmpi sge, %add3A_185, %scan3A_62#0 : vector<16xi32>
    %lt3A_187 = arith.cmpi slt, %add3A_185, %shift_left3A_80 : vector<16xi32>
    %and3A_188 = arith.andi %ge3A_186, %lt3A_187 : vector<16xi1>
    %shift_right_logical3A_189 = arith.constant 7 : i32
    %shift_right_logical3A_190 = vector.broadcast %shift_right_logical3A_189 : i32 to vector<16xi32>
    %shift_right_logical3A_191 = arith.shrui %add3A_185, %shift_right_logical3A_190 : vector<16xi32>
    %and3A_192 = arith.constant 127 : i32
    %and3A_193 = vector.broadcast %and3A_192 : i32 to vector<16xi32>
    %and3A_194 = arith.andi %add3A_185, %and3A_193 : vector<16xi32>
    tpu.vector_store_idx %arg9[%shift_right_logical3A_191, %and3A_194], %broadcast_in_dim3A_65 masked %and3A_188 : memref<80x128xi32, #tpu.memory_space<vmem>>[vector<16xi32>, vector<16xi32>], vector<16xi32>, vector<16xi1>
    %shift_right_logical3A_195 = arith.constant 4 : i32
    %shift_right_logical3A_196 = vector.broadcast %shift_right_logical3A_195 : i32 to vector<16xi32>
    %shift_right_logical3A_197 = arith.shrui %scan3A_62#1, %shift_right_logical3A_196 : vector<16xi32>
    %shift_left3A_198 = arith.constant 4 : i32
    %shift_left3A_199 = vector.broadcast %shift_left3A_198 : i32 to vector<16xi32>
    %shift_left3A_200 = arith.shli %shift_right_logical3A_197, %shift_left3A_199 : vector<16xi32>
    %add3A_201 = arith.constant 127 : i32
    %add3A_202 = vector.broadcast %add3A_201 : i32 to vector<16xi32>
    %add3A_203 = arith.addi %scan3A_62#1, %add3A_202 : vector<16xi32>
    %shift_right_logical3A_204 = arith.constant 7 : i32
    %shift_right_logical3A_205 = vector.broadcast %shift_right_logical3A_204 : i32 to vector<16xi32>
    %shift_right_logical3A_206 = arith.shrui %add3A_203, %shift_right_logical3A_205 : vector<16xi32>
    %shift_left3A_207 = arith.constant 7 : i32
    %shift_left3A_208 = vector.broadcast %shift_left3A_207 : i32 to vector<16xi32>
    %shift_left3A_209 = arith.shli %shift_right_logical3A_206, %shift_left3A_208 : vector<16xi32>
    %add3A_210 = arith.constant 0 : i32
    %add3A_211 = vector.broadcast %add3A_210 : i32 to vector<16xi32>
    %add3A_212 = arith.addi %shift_left3A_200, %add3A_211 : vector<16xi32>
    %add3A_213 = arith.addi %add3A_212, %iota3A : vector<16xi32>
    %ge3A_214 = arith.cmpi sge, %add3A_213, %scan3A_62#1 : vector<16xi32>
    %lt3A_215 = arith.cmpi slt, %add3A_213, %shift_left3A_209 : vector<16xi32>
    %and3A_216 = arith.andi %ge3A_214, %lt3A_215 : vector<16xi1>
    %shift_right_logical3A_217 = arith.constant 7 : i32
    %shift_right_logical3A_218 = vector.broadcast %shift_right_logical3A_217 : i32 to vector<16xi32>
    %shift_right_logical3A_219 = arith.shrui %add3A_213, %shift_right_logical3A_218 : vector<16xi32>
    %and3A_220 = arith.constant 127 : i32
    %and3A_221 = vector.broadcast %and3A_220 : i32 to vector<16xi32>
    %and3A_222 = arith.andi %add3A_213, %and3A_221 : vector<16xi32>
    tpu.vector_store_idx %arg11[%shift_right_logical3A_219, %and3A_222], %broadcast_in_dim3A_65 masked %and3A_216 : memref<80x128xi32, #tpu.memory_space<vmem>>[vector<16xi32>, vector<16xi32>], vector<16xi32>, vector<16xi1>
    tpu.vector_store_idx %arg10[%shift_right_logical3A_219, %and3A_222], %broadcast_in_dim3A_67 masked %and3A_216 : memref<80x128xi32, #tpu.memory_space<vmem>>[vector<16xi32>, vector<16xi32>], vector<16xi32>, vector<16xi1>
    %add3A_223 = arith.constant 16 : i32
    %add3A_224 = vector.broadcast %add3A_223 : i32 to vector<16xi32>
    %add3A_225 = arith.addi %shift_left3A_200, %add3A_224 : vector<16xi32>
    %add3A_226 = arith.addi %add3A_225, %iota3A : vector<16xi32>
    %ge3A_227 = arith.cmpi sge, %add3A_226, %scan3A_62#1 : vector<16xi32>
    %lt3A_228 = arith.cmpi slt, %add3A_226, %shift_left3A_209 : vector<16xi32>
    %and3A_229 = arith.andi %ge3A_227, %lt3A_228 : vector<16xi1>
    %shift_right_logical3A_230 = arith.constant 7 : i32
    %shift_right_logical3A_231 = vector.broadcast %shift_right_logical3A_230 : i32 to vector<16xi32>
    %shift_right_logical3A_232 = arith.shrui %add3A_226, %shift_right_logical3A_231 : vector<16xi32>
    %and3A_233 = arith.constant 127 : i32
    %and3A_234 = vector.broadcast %and3A_233 : i32 to vector<16xi32>
    %and3A_235 = arith.andi %add3A_226, %and3A_234 : vector<16xi32>
    tpu.vector_store_idx %arg11[%shift_right_logical3A_232, %and3A_235], %broadcast_in_dim3A_65 masked %and3A_229 : memref<80x128xi32, #tpu.memory_space<vmem>>[vector<16xi32>, vector<16xi32>], vector<16xi32>, vector<16xi1>
    tpu.vector_store_idx %arg10[%shift_right_logical3A_232, %and3A_235], %broadcast_in_dim3A_67 masked %and3A_229 : memref<80x128xi32, #tpu.memory_space<vmem>>[vector<16xi32>, vector<16xi32>], vector<16xi32>, vector<16xi1>
    %add3A_236 = arith.constant 32 : i32
    %add3A_237 = vector.broadcast %add3A_236 : i32 to vector<16xi32>
    %add3A_238 = arith.addi %shift_left3A_200, %add3A_237 : vector<16xi32>
    %add3A_239 = arith.addi %add3A_238, %iota3A : vector<16xi32>
    %ge3A_240 = arith.cmpi sge, %add3A_239, %scan3A_62#1 : vector<16xi32>
    %lt3A_241 = arith.cmpi slt, %add3A_239, %shift_left3A_209 : vector<16xi32>
    %and3A_242 = arith.andi %ge3A_240, %lt3A_241 : vector<16xi1>
    %shift_right_logical3A_243 = arith.constant 7 : i32
    %shift_right_logical3A_244 = vector.broadcast %shift_right_logical3A_243 : i32 to vector<16xi32>
    %shift_right_logical3A_245 = arith.shrui %add3A_239, %shift_right_logical3A_244 : vector<16xi32>
    %and3A_246 = arith.constant 127 : i32
    %and3A_247 = vector.broadcast %and3A_246 : i32 to vector<16xi32>
    %and3A_248 = arith.andi %add3A_239, %and3A_247 : vector<16xi32>
    tpu.vector_store_idx %arg11[%shift_right_logical3A_245, %and3A_248], %broadcast_in_dim3A_65 masked %and3A_242 : memref<80x128xi32, #tpu.memory_space<vmem>>[vector<16xi32>, vector<16xi32>], vector<16xi32>, vector<16xi1>
    tpu.vector_store_idx %arg10[%shift_right_logical3A_245, %and3A_248], %broadcast_in_dim3A_67 masked %and3A_242 : memref<80x128xi32, #tpu.memory_space<vmem>>[vector<16xi32>, vector<16xi32>], vector<16xi32>, vector<16xi1>
    %add3A_249 = arith.constant 48 : i32
    %add3A_250 = vector.broadcast %add3A_249 : i32 to vector<16xi32>
    %add3A_251 = arith.addi %shift_left3A_200, %add3A_250 : vector<16xi32>
    %add3A_252 = arith.addi %add3A_251, %iota3A : vector<16xi32>
    %ge3A_253 = arith.cmpi sge, %add3A_252, %scan3A_62#1 : vector<16xi32>
    %lt3A_254 = arith.cmpi slt, %add3A_252, %shift_left3A_209 : vector<16xi32>
    %and3A_255 = arith.andi %ge3A_253, %lt3A_254 : vector<16xi1>
    %shift_right_logical3A_256 = arith.constant 7 : i32
    %shift_right_logical3A_257 = vector.broadcast %shift_right_logical3A_256 : i32 to vector<16xi32>
    %shift_right_logical3A_258 = arith.shrui %add3A_252, %shift_right_logical3A_257 : vector<16xi32>
    %and3A_259 = arith.constant 127 : i32
    %and3A_260 = vector.broadcast %and3A_259 : i32 to vector<16xi32>
    %and3A_261 = arith.andi %add3A_252, %and3A_260 : vector<16xi32>
    tpu.vector_store_idx %arg11[%shift_right_logical3A_258, %and3A_261], %broadcast_in_dim3A_65 masked %and3A_255 : memref<80x128xi32, #tpu.memory_space<vmem>>[vector<16xi32>, vector<16xi32>], vector<16xi32>, vector<16xi1>
    tpu.vector_store_idx %arg10[%shift_right_logical3A_258, %and3A_261], %broadcast_in_dim3A_67 masked %and3A_255 : memref<80x128xi32, #tpu.memory_space<vmem>>[vector<16xi32>, vector<16xi32>], vector<16xi32>, vector<16xi1>
    %add3A_262 = arith.constant 64 : i32
    %add3A_263 = vector.broadcast %add3A_262 : i32 to vector<16xi32>
    %add3A_264 = arith.addi %shift_left3A_200, %add3A_263 : vector<16xi32>
    %add3A_265 = arith.addi %add3A_264, %iota3A : vector<16xi32>
    %ge3A_266 = arith.cmpi sge, %add3A_265, %scan3A_62#1 : vector<16xi32>
    %lt3A_267 = arith.cmpi slt, %add3A_265, %shift_left3A_209 : vector<16xi32>
    %and3A_268 = arith.andi %ge3A_266, %lt3A_267 : vector<16xi1>
    %shift_right_logical3A_269 = arith.constant 7 : i32
    %shift_right_logical3A_270 = vector.broadcast %shift_right_logical3A_269 : i32 to vector<16xi32>
    %shift_right_logical3A_271 = arith.shrui %add3A_265, %shift_right_logical3A_270 : vector<16xi32>
    %and3A_272 = arith.constant 127 : i32
    %and3A_273 = vector.broadcast %and3A_272 : i32 to vector<16xi32>
    %and3A_274 = arith.andi %add3A_265, %and3A_273 : vector<16xi32>
    tpu.vector_store_idx %arg11[%shift_right_logical3A_271, %and3A_274], %broadcast_in_dim3A_65 masked %and3A_268 : memref<80x128xi32, #tpu.memory_space<vmem>>[vector<16xi32>, vector<16xi32>], vector<16xi32>, vector<16xi1>
    tpu.vector_store_idx %arg10[%shift_right_logical3A_271, %and3A_274], %broadcast_in_dim3A_67 masked %and3A_268 : memref<80x128xi32, #tpu.memory_space<vmem>>[vector<16xi32>, vector<16xi32>], vector<16xi32>, vector<16xi1>
    %add3A_275 = arith.constant 80 : i32
    %add3A_276 = vector.broadcast %add3A_275 : i32 to vector<16xi32>
    %add3A_277 = arith.addi %shift_left3A_200, %add3A_276 : vector<16xi32>
    %add3A_278 = arith.addi %add3A_277, %iota3A : vector<16xi32>
    %ge3A_279 = arith.cmpi sge, %add3A_278, %scan3A_62#1 : vector<16xi32>
    %lt3A_280 = arith.cmpi slt, %add3A_278, %shift_left3A_209 : vector<16xi32>
    %and3A_281 = arith.andi %ge3A_279, %lt3A_280 : vector<16xi1>
    %shift_right_logical3A_282 = arith.constant 7 : i32
    %shift_right_logical3A_283 = vector.broadcast %shift_right_logical3A_282 : i32 to vector<16xi32>
    %shift_right_logical3A_284 = arith.shrui %add3A_278, %shift_right_logical3A_283 : vector<16xi32>
    %and3A_285 = arith.constant 127 : i32
    %and3A_286 = vector.broadcast %and3A_285 : i32 to vector<16xi32>
    %and3A_287 = arith.andi %add3A_278, %and3A_286 : vector<16xi32>
    tpu.vector_store_idx %arg11[%shift_right_logical3A_284, %and3A_287], %broadcast_in_dim3A_65 masked %and3A_281 : memref<80x128xi32, #tpu.memory_space<vmem>>[vector<16xi32>, vector<16xi32>], vector<16xi32>, vector<16xi1>
    tpu.vector_store_idx %arg10[%shift_right_logical3A_284, %and3A_287], %broadcast_in_dim3A_67 masked %and3A_281 : memref<80x128xi32, #tpu.memory_space<vmem>>[vector<16xi32>, vector<16xi32>], vector<16xi32>, vector<16xi1>
    %add3A_288 = arith.constant 96 : i32
    %add3A_289 = vector.broadcast %add3A_288 : i32 to vector<16xi32>
    %add3A_290 = arith.addi %shift_left3A_200, %add3A_289 : vector<16xi32>
    %add3A_291 = arith.addi %add3A_290, %iota3A : vector<16xi32>
    %ge3A_292 = arith.cmpi sge, %add3A_291, %scan3A_62#1 : vector<16xi32>
    %lt3A_293 = arith.cmpi slt, %add3A_291, %shift_left3A_209 : vector<16xi32>
    %and3A_294 = arith.andi %ge3A_292, %lt3A_293 : vector<16xi1>
    %shift_right_logical3A_295 = arith.constant 7 : i32
    %shift_right_logical3A_296 = vector.broadcast %shift_right_logical3A_295 : i32 to vector<16xi32>
    %shift_right_logical3A_297 = arith.shrui %add3A_291, %shift_right_logical3A_296 : vector<16xi32>
    %and3A_298 = arith.constant 127 : i32
    %and3A_299 = vector.broadcast %and3A_298 : i32 to vector<16xi32>
    %and3A_300 = arith.andi %add3A_291, %and3A_299 : vector<16xi32>
    tpu.vector_store_idx %arg11[%shift_right_logical3A_297, %and3A_300], %broadcast_in_dim3A_65 masked %and3A_294 : memref<80x128xi32, #tpu.memory_space<vmem>>[vector<16xi32>, vector<16xi32>], vector<16xi32>, vector<16xi1>
    tpu.vector_store_idx %arg10[%shift_right_logical3A_297, %and3A_300], %broadcast_in_dim3A_67 masked %and3A_294 : memref<80x128xi32, #tpu.memory_space<vmem>>[vector<16xi32>, vector<16xi32>], vector<16xi32>, vector<16xi1>
    %add3A_301 = arith.constant 112 : i32
    %add3A_302 = vector.broadcast %add3A_301 : i32 to vector<16xi32>
    %add3A_303 = arith.addi %shift_left3A_200, %add3A_302 : vector<16xi32>
    %add3A_304 = arith.addi %add3A_303, %iota3A : vector<16xi32>
    %ge3A_305 = arith.cmpi sge, %add3A_304, %scan3A_62#1 : vector<16xi32>
    %lt3A_306 = arith.cmpi slt, %add3A_304, %shift_left3A_209 : vector<16xi32>
    %and3A_307 = arith.andi %ge3A_305, %lt3A_306 : vector<16xi1>
    %shift_right_logical3A_308 = arith.constant 7 : i32
    %shift_right_logical3A_309 = vector.broadcast %shift_right_logical3A_308 : i32 to vector<16xi32>
    %shift_right_logical3A_310 = arith.shrui %add3A_304, %shift_right_logical3A_309 : vector<16xi32>
    %and3A_311 = arith.constant 127 : i32
    %and3A_312 = vector.broadcast %and3A_311 : i32 to vector<16xi32>
    %and3A_313 = arith.andi %add3A_304, %and3A_312 : vector<16xi32>
    tpu.vector_store_idx %arg11[%shift_right_logical3A_310, %and3A_313], %broadcast_in_dim3A_65 masked %and3A_307 : memref<80x128xi32, #tpu.memory_space<vmem>>[vector<16xi32>, vector<16xi32>], vector<16xi32>, vector<16xi1>
    tpu.vector_store_idx %arg10[%shift_right_logical3A_310, %and3A_313], %broadcast_in_dim3A_67 masked %and3A_307 : memref<80x128xi32, #tpu.memory_space<vmem>>[vector<16xi32>, vector<16xi32>], vector<16xi32>, vector<16xi1>
    %add3A_314 = arith.constant 128 : i32
    %add3A_315 = vector.broadcast %add3A_314 : i32 to vector<16xi32>
    %add3A_316 = arith.addi %shift_left3A_200, %add3A_315 : vector<16xi32>
    %add3A_317 = arith.addi %add3A_316, %iota3A : vector<16xi32>
    %ge3A_318 = arith.cmpi sge, %add3A_317, %scan3A_62#1 : vector<16xi32>
    %lt3A_319 = arith.cmpi slt, %add3A_317, %shift_left3A_209 : vector<16xi32>
    %and3A_320 = arith.andi %ge3A_318, %lt3A_319 : vector<16xi1>
    %shift_right_logical3A_321 = arith.constant 7 : i32
    %shift_right_logical3A_322 = vector.broadcast %shift_right_logical3A_321 : i32 to vector<16xi32>
    %shift_right_logical3A_323 = arith.shrui %add3A_317, %shift_right_logical3A_322 : vector<16xi32>
    %and3A_324 = arith.constant 127 : i32
    %and3A_325 = vector.broadcast %and3A_324 : i32 to vector<16xi32>
    %and3A_326 = arith.andi %add3A_317, %and3A_325 : vector<16xi32>
    tpu.vector_store_idx %arg11[%shift_right_logical3A_323, %and3A_326], %broadcast_in_dim3A_65 masked %and3A_320 : memref<80x128xi32, #tpu.memory_space<vmem>>[vector<16xi32>, vector<16xi32>], vector<16xi32>, vector<16xi1>
    tpu.vector_store_idx %arg10[%shift_right_logical3A_323, %and3A_326], %broadcast_in_dim3A_67 masked %and3A_320 : memref<80x128xi32, #tpu.memory_space<vmem>>[vector<16xi32>, vector<16xi32>], vector<16xi32>, vector<16xi1>
    %slice3A = vector.extract_strided_slice %scan3A_62#0 {offsets = [0], sizes = [1], strides = [1]} : vector<16xi32> to vector<1xi32>
    %squeeze3A = vector.extract %slice3A[0] : i32 from vector<1xi32>
    %add3A_327 = arith.constant 127 : i32
    %add3A_328 = arith.addi %squeeze3A, %add3A_327 : i32
    %shift_right_logical3A_329 = arith.constant 7 : i32
    %shift_right_logical3A_330 = arith.shrui %add3A_328, %shift_right_logical3A_329 : i32
    %slice3A_331 = vector.extract_strided_slice %scan3A_62#1 {offsets = [0], sizes = [1], strides = [1]} : vector<16xi32> to vector<1xi32>
    %squeeze3A_332 = vector.extract %slice3A_331[0] : i32 from vector<1xi32>
    %add3A_333 = arith.constant 127 : i32
    %add3A_334 = arith.addi %squeeze3A_332, %add3A_333 : i32
    %shift_right_logical3A_335 = arith.constant 7 : i32
    %shift_right_logical3A_336 = arith.shrui %add3A_334, %shift_right_logical3A_335 : i32
    %barrier3A = arith.constant 0 : index
    tpu.barrier barrier_id(%barrier3A)
    %eq3A_337 = arith.constant 0 : i32
    %eq3A_338 = arith.cmpi eq, %arg0, %eq3A_337 : i32
    %convert_element_type3A_339 = arith.extui %eq3A_338 : i1 to i32
    %cond3A_340 = arith.constant 0 : i32
    %cond3A_341 = arith.cmpi ne, %convert_element_type3A_339, %cond3A_340 : i32
    scf.if %cond3A_341 {
      %ge3A_426 = arith.constant 1 : i32
      %ge3A_427 = arith.cmpi sge, %shift_right_logical3A_330, %ge3A_426 : i32
      %convert_element_type3A_428 = arith.extui %ge3A_427 : i1 to i32
      %cond3A_429 = arith.constant 0 : i32
      %cond3A_430 = arith.cmpi ne, %convert_element_type3A_428, %cond3A_429 : i32
      scf.if %cond3A_430 {
        %dma_start3A = arith.constant 0 : i32
        %dma_start3A_443 = arith.constant 0 : i32
        %dma_start3A_444 = arith.constant 0 : i32
        %dma_start3A_445 = arith.constant 0 : i32
        %dma_start3A_446 = arith.constant 0 : i32
        %dma_start3A_447 = tpu.memref_slice %arg12[%dma_start3A_443, %dma_start3A_445, %dma_start3A_446] : memref<2x128x128xf32, #tpu.memory_space<vmem>> -> memref<1x128x128xf32, #tpu.memory_space<vmem>>
        %dma_start3A_448 = tpu.memref_squeeze %dma_start3A_447 : memref<1x128x128xf32, #tpu.memory_space<vmem>> -> memref<128x128xf32, #tpu.memory_space<vmem>>
        %dma_start3A_449 = arith.constant 0 : i32
        %dma_start3A_450 = tpu.memref_slice %arg8[%dma_start3A, %dma_start3A_449] : memref<80x128xi32, #tpu.memory_space<vmem>> -> memref<1x128xi32, #tpu.memory_space<vmem>>
        %dma_start3A_451 = tpu.memref_squeeze %dma_start3A_450 : memref<1x128xi32, #tpu.memory_space<vmem>> -> memref<128xi32, #tpu.memory_space<vmem>>
        %dma_start3A_452 = arith.constant 0 : i32
        %dma_start3A_453 = arith.constant 0 : i32
        %dma_start3A_454 = tpu.memref_slice %arg4[%dma_start3A_452, %dma_start3A_453] : memref<10240x128xf32, #tpu.memory_space<hbm>> -> memref<10240x128xf32, #tpu.memory_space<hbm>>
        %dma_start3A_455 = tpu.memref_slice %arg17[%dma_start3A_444] : memref<2x!tpu.dma_semaphore, #tpu.memory_space<semaphore_mem>> -> memref<1x!tpu.dma_semaphore, #tpu.memory_space<semaphore_mem>>
        %dma_start3A_456 = tpu.memref_squeeze %dma_start3A_455 : memref<1x!tpu.dma_semaphore, #tpu.memory_space<semaphore_mem>> -> memref<!tpu.dma_semaphore, #tpu.memory_space<semaphore_mem>>
        tpu.enqueue_indirect_dma source(%dma_start3A_454 : memref<10240x128xf32, #tpu.memory_space<hbm>>) target(%dma_start3A_448 : memref<128x128xf32, #tpu.memory_space<vmem>>) offsets(%dma_start3A_451 : memref<128xi32, #tpu.memory_space<vmem>>) semaphore(%dma_start3A_456 : memref<!tpu.dma_semaphore, #tpu.memory_space<semaphore_mem>>)
      } else {
      }
      %scan3A_431 = arith.constant 0 : i32
      %scan3A_432 = arith.constant 0 : i32
      %scan3A_433 = arith.constant 80 : i32
      %scan3A_434 = arith.addi %scan3A_432, %scan3A_433 : i32
      %scan3A_435 = arith.constant 1 : i32
      %scan3A_436 = scf.for %scan3A_443 = %scan3A_432 to %scan3A_434 step %scan3A_435 iter_args(%scan3A_444 = %scan3A_431) -> (i32)  : i32 {
        %lt3A_445 = arith.cmpi slt, %scan3A_443, %shift_right_logical3A_330 : i32
        %convert_element_type3A_446 = arith.extui %lt3A_445 : i1 to i32
        %cond3A_447 = arith.constant 0 : i32
        %cond3A_448 = arith.cmpi ne, %convert_element_type3A_446, %cond3A_447 : i32
        scf.if %cond3A_448 {
          %rem3A = arith.constant 2 : i32
          %rem3A_450 = arith.remsi %scan3A_443, %rem3A : i32
          %sub3A = arith.constant 1 : i32
          %sub3A_451 = arith.subi %sub3A, %rem3A_450 : i32
          %ge3A_452 = arith.constant 1 : i32
          %ge3A_453 = arith.cmpi sge, %scan3A_443, %ge3A_452 : i32
          %convert_element_type3A_454 = arith.extui %ge3A_453 : i1 to i32
          %cond3A_455 = arith.constant 0 : i32
          %cond3A_456 = arith.cmpi ne, %convert_element_type3A_454, %cond3A_455 : i32
          scf.if %cond3A_456 {
            %sub3A_485 = arith.constant 1 : i32
            %sub3A_486 = arith.subi %scan3A_443, %sub3A_485 : i32
            %dma_wait3A_487 = arith.constant 0 : i32
            %dma_wait3A_488 = arith.constant 0 : i32
            %dma_wait3A_489 = tpu.memref_slice %arg12[%sub3A_451, %dma_wait3A_487, %dma_wait3A_488] : memref<2x128x128xf32, #tpu.memory_space<vmem>> -> memref<1x128x128xf32, #tpu.memory_space<vmem>>
            %dma_wait3A_490 = tpu.memref_squeeze %dma_wait3A_489 : memref<1x128x128xf32, #tpu.memory_space<vmem>> -> memref<128x128xf32, #tpu.memory_space<vmem>>
            %dma_wait3A_491 = arith.constant 0 : i32
            %dma_wait3A_492 = tpu.memref_slice %arg9[%sub3A_486, %dma_wait3A_491] : memref<80x128xi32, #tpu.memory_space<vmem>> -> memref<1x128xi32, #tpu.memory_space<vmem>>
            %dma_wait3A_493 = tpu.memref_squeeze %dma_wait3A_492 : memref<1x128xi32, #tpu.memory_space<vmem>> -> memref<128xi32, #tpu.memory_space<vmem>>
            %dma_wait3A_494 = arith.constant 0 : i32
            %dma_wait3A_495 = arith.constant 0 : i32
            %dma_wait3A_496 = tpu.memref_slice %arg16[%dma_wait3A_494, %dma_wait3A_495] : memref<5128x128xf32, #tpu.memory_space<vmem_shared>> -> memref<5128x128xf32, #tpu.memory_space<vmem_shared>>
            %dma_wait3A_497 = tpu.memref_slice %arg18[%sub3A_451] : memref<2x!tpu.dma_semaphore, #tpu.memory_space<semaphore_mem>> -> memref<1x!tpu.dma_semaphore, #tpu.memory_space<semaphore_mem>>
            %dma_wait3A_498 = tpu.memref_squeeze %dma_wait3A_497 : memref<1x!tpu.dma_semaphore, #tpu.memory_space<semaphore_mem>> -> memref<!tpu.dma_semaphore, #tpu.memory_space<semaphore_mem>>
            tpu.wait_indirect_dma semaphore(%dma_wait3A_498 : memref<!tpu.dma_semaphore, #tpu.memory_space<semaphore_mem>>) src(%dma_wait3A_490 : memref<128x128xf32, #tpu.memory_space<vmem>>) dst(%dma_wait3A_496 : memref<5128x128xf32, #tpu.memory_space<vmem_shared>>)
          } else {
          }
          %add3A_457 = arith.constant 1 : i32
          %add3A_458 = arith.addi %scan3A_443, %add3A_457 : i32
          %lt3A_459 = arith.cmpi slt, %add3A_458, %shift_right_logical3A_330 : i32
          %convert_element_type3A_460 = arith.extui %lt3A_459 : i1 to i32
          %cond3A_461 = arith.constant 0 : i32
          %cond3A_462 = arith.cmpi ne, %convert_element_type3A_460, %cond3A_461 : i32
          scf.if %cond3A_462 {
            %add3A_485 = arith.constant 1 : i32
            %add3A_486 = arith.addi %scan3A_443, %add3A_485 : i32
            %dma_start3A_487 = arith.constant 0 : i32
            %dma_start3A_488 = arith.constant 0 : i32
            %dma_start3A_489 = tpu.memref_slice %arg12[%sub3A_451, %dma_start3A_487, %dma_start3A_488] : memref<2x128x128xf32, #tpu.memory_space<vmem>> -> memref<1x128x128xf32, #tpu.memory_space<vmem>>
            %dma_start3A_490 = tpu.memref_squeeze %dma_start3A_489 : memref<1x128x128xf32, #tpu.memory_space<vmem>> -> memref<128x128xf32, #tpu.memory_space<vmem>>
            %dma_start3A_491 = arith.constant 0 : i32
            %dma_start3A_492 = tpu.memref_slice %arg8[%add3A_486, %dma_start3A_491] : memref<80x128xi32, #tpu.memory_space<vmem>> -> memref<1x128xi32, #tpu.memory_space<vmem>>
            %dma_start3A_493 = tpu.memref_squeeze %dma_start3A_492 : memref<1x128xi32, #tpu.memory_space<vmem>> -> memref<128xi32, #tpu.memory_space<vmem>>
            %dma_start3A_494 = arith.constant 0 : i32
            %dma_start3A_495 = arith.constant 0 : i32
            %dma_start3A_496 = tpu.memref_slice %arg4[%dma_start3A_494, %dma_start3A_495] : memref<10240x128xf32, #tpu.memory_space<hbm>> -> memref<10240x128xf32, #tpu.memory_space<hbm>>
            %dma_start3A_497 = tpu.memref_slice %arg17[%sub3A_451] : memref<2x!tpu.dma_semaphore, #tpu.memory_space<semaphore_mem>> -> memref<1x!tpu.dma_semaphore, #tpu.memory_space<semaphore_mem>>
            %dma_start3A_498 = tpu.memref_squeeze %dma_start3A_497 : memref<1x!tpu.dma_semaphore, #tpu.memory_space<semaphore_mem>> -> memref<!tpu.dma_semaphore, #tpu.memory_space<semaphore_mem>>
            tpu.enqueue_indirect_dma source(%dma_start3A_496 : memref<10240x128xf32, #tpu.memory_space<hbm>>) target(%dma_start3A_490 : memref<128x128xf32, #tpu.memory_space<vmem>>) offsets(%dma_start3A_493 : memref<128xi32, #tpu.memory_space<vmem>>) semaphore(%dma_start3A_498 : memref<!tpu.dma_semaphore, #tpu.memory_space<semaphore_mem>>)
          } else {
          }
          %dma_wait3A = arith.constant 0 : i32
          %dma_wait3A_463 = arith.constant 0 : i32
          %dma_wait3A_464 = tpu.memref_slice %arg12[%rem3A_450, %dma_wait3A, %dma_wait3A_463] : memref<2x128x128xf32, #tpu.memory_space<vmem>> -> memref<1x128x128xf32, #tpu.memory_space<vmem>>
          %dma_wait3A_465 = tpu.memref_squeeze %dma_wait3A_464 : memref<1x128x128xf32, #tpu.memory_space<vmem>> -> memref<128x128xf32, #tpu.memory_space<vmem>>
          %dma_wait3A_466 = arith.constant 0 : i32
          %dma_wait3A_467 = tpu.memref_slice %arg8[%scan3A_443, %dma_wait3A_466] : memref<80x128xi32, #tpu.memory_space<vmem>> -> memref<1x128xi32, #tpu.memory_space<vmem>>
          %dma_wait3A_468 = tpu.memref_squeeze %dma_wait3A_467 : memref<1x128xi32, #tpu.memory_space<vmem>> -> memref<128xi32, #tpu.memory_space<vmem>>
          %dma_wait3A_469 = arith.constant 0 : i32
          %dma_wait3A_470 = arith.constant 0 : i32
          %dma_wait3A_471 = tpu.memref_slice %arg4[%dma_wait3A_469, %dma_wait3A_470] : memref<10240x128xf32, #tpu.memory_space<hbm>> -> memref<10240x128xf32, #tpu.memory_space<hbm>>
          %dma_wait3A_472 = tpu.memref_slice %arg17[%rem3A_450] : memref<2x!tpu.dma_semaphore, #tpu.memory_space<semaphore_mem>> -> memref<1x!tpu.dma_semaphore, #tpu.memory_space<semaphore_mem>>
          %dma_wait3A_473 = tpu.memref_squeeze %dma_wait3A_472 : memref<1x!tpu.dma_semaphore, #tpu.memory_space<semaphore_mem>> -> memref<!tpu.dma_semaphore, #tpu.memory_space<semaphore_mem>>
          tpu.wait_indirect_dma semaphore(%dma_wait3A_473 : memref<!tpu.dma_semaphore, #tpu.memory_space<semaphore_mem>>) src(%dma_wait3A_471 : memref<10240x128xf32, #tpu.memory_space<hbm>>) dst(%dma_wait3A_465 : memref<128x128xf32, #tpu.memory_space<vmem>>)
          %dma_start3A = arith.constant 0 : i32
          %dma_start3A_474 = arith.constant 0 : i32
          %dma_start3A_475 = tpu.memref_slice %arg12[%rem3A_450, %dma_start3A, %dma_start3A_474] : memref<2x128x128xf32, #tpu.memory_space<vmem>> -> memref<1x128x128xf32, #tpu.memory_space<vmem>>
          %dma_start3A_476 = tpu.memref_squeeze %dma_start3A_475 : memref<1x128x128xf32, #tpu.memory_space<vmem>> -> memref<128x128xf32, #tpu.memory_space<vmem>>
          %dma_start3A_477 = arith.constant 0 : i32
          %dma_start3A_478 = tpu.memref_slice %arg9[%scan3A_443, %dma_start3A_477] : memref<80x128xi32, #tpu.memory_space<vmem>> -> memref<1x128xi32, #tpu.memory_space<vmem>>
          %dma_start3A_479 = tpu.memref_squeeze %dma_start3A_478 : memref<1x128xi32, #tpu.memory_space<vmem>> -> memref<128xi32, #tpu.memory_space<vmem>>
          %dma_start3A_480 = arith.constant 0 : i32
          %dma_start3A_481 = arith.constant 0 : i32
          %dma_start3A_482 = tpu.memref_slice %arg16[%dma_start3A_480, %dma_start3A_481] : memref<5128x128xf32, #tpu.memory_space<vmem_shared>> -> memref<5128x128xf32, #tpu.memory_space<vmem_shared>>
          %dma_start3A_483 = tpu.memref_slice %arg18[%rem3A_450] : memref<2x!tpu.dma_semaphore, #tpu.memory_space<semaphore_mem>> -> memref<1x!tpu.dma_semaphore, #tpu.memory_space<semaphore_mem>>
          %dma_start3A_484 = tpu.memref_squeeze %dma_start3A_483 : memref<1x!tpu.dma_semaphore, #tpu.memory_space<semaphore_mem>> -> memref<!tpu.dma_semaphore, #tpu.memory_space<semaphore_mem>>
          tpu.enqueue_indirect_dma source(%dma_start3A_476 : memref<128x128xf32, #tpu.memory_space<vmem>>) target(%dma_start3A_482 : memref<5128x128xf32, #tpu.memory_space<vmem_shared>>) offsets(%dma_start3A_479 : memref<128xi32, #tpu.memory_space<vmem>>) semaphore(%dma_start3A_484 : memref<!tpu.dma_semaphore, #tpu.memory_space<semaphore_mem>>) {add = true}
        } else {
        }
        %scan3A_449 = arith.constant 0 : i32
        scf.yield %scan3A_449 : i32
      }
      %scan3A_437 = arith.constant 80 : i32
      %ge3A_438 = arith.constant 1 : i32
      %ge3A_439 = arith.cmpi sge, %shift_right_logical3A_330, %ge3A_438 : i32
      %convert_element_type3A_440 = arith.extui %ge3A_439 : i1 to i32
      %cond3A_441 = arith.constant 0 : i32
      %cond3A_442 = arith.cmpi ne, %convert_element_type3A_440, %cond3A_441 : i32
      scf.if %cond3A_442 {
        %sub3A = arith.constant 1 : i32
        %sub3A_443 = arith.subi %shift_right_logical3A_330, %sub3A : i32
        %sub3A_444 = arith.constant 1 : i32
        %sub3A_445 = arith.subi %shift_right_logical3A_330, %sub3A_444 : i32
        %rem3A = arith.constant 2 : i32
        %rem3A_446 = arith.remsi %sub3A_445, %rem3A : i32
        %dma_wait3A = arith.constant 0 : i32
        %dma_wait3A_447 = arith.constant 0 : i32
        %dma_wait3A_448 = tpu.memref_slice %arg12[%rem3A_446, %dma_wait3A, %dma_wait3A_447] : memref<2x128x128xf32, #tpu.memory_space<vmem>> -> memref<1x128x128xf32, #tpu.memory_space<vmem>>
        %dma_wait3A_449 = tpu.memref_squeeze %dma_wait3A_448 : memref<1x128x128xf32, #tpu.memory_space<vmem>> -> memref<128x128xf32, #tpu.memory_space<vmem>>
        %dma_wait3A_450 = arith.constant 0 : i32
        %dma_wait3A_451 = tpu.memref_slice %arg9[%sub3A_443, %dma_wait3A_450] : memref<80x128xi32, #tpu.memory_space<vmem>> -> memref<1x128xi32, #tpu.memory_space<vmem>>
        %dma_wait3A_452 = tpu.memref_squeeze %dma_wait3A_451 : memref<1x128xi32, #tpu.memory_space<vmem>> -> memref<128xi32, #tpu.memory_space<vmem>>
        %dma_wait3A_453 = arith.constant 0 : i32
        %dma_wait3A_454 = arith.constant 0 : i32
        %dma_wait3A_455 = tpu.memref_slice %arg16[%dma_wait3A_453, %dma_wait3A_454] : memref<5128x128xf32, #tpu.memory_space<vmem_shared>> -> memref<5128x128xf32, #tpu.memory_space<vmem_shared>>
        %dma_wait3A_456 = tpu.memref_slice %arg18[%rem3A_446] : memref<2x!tpu.dma_semaphore, #tpu.memory_space<semaphore_mem>> -> memref<1x!tpu.dma_semaphore, #tpu.memory_space<semaphore_mem>>
        %dma_wait3A_457 = tpu.memref_squeeze %dma_wait3A_456 : memref<1x!tpu.dma_semaphore, #tpu.memory_space<semaphore_mem>> -> memref<!tpu.dma_semaphore, #tpu.memory_space<semaphore_mem>>
        tpu.wait_indirect_dma semaphore(%dma_wait3A_457 : memref<!tpu.dma_semaphore, #tpu.memory_space<semaphore_mem>>) src(%dma_wait3A_449 : memref<128x128xf32, #tpu.memory_space<vmem>>) dst(%dma_wait3A_455 : memref<5128x128xf32, #tpu.memory_space<vmem_shared>>)
      } else {
      }
    } else {
    }
    %eq3A_342 = arith.constant 1 : i32
    %eq3A_343 = arith.cmpi eq, %arg0, %eq3A_342 : i32
    %convert_element_type3A_344 = arith.extui %eq3A_343 : i1 to i32
    %cond3A_345 = arith.constant 0 : i32
    %cond3A_346 = arith.cmpi ne, %convert_element_type3A_344, %cond3A_345 : i32
    scf.if %cond3A_346 {
      %ge3A_426 = arith.constant 1 : i32
      %ge3A_427 = arith.cmpi sge, %shift_right_logical3A_330, %ge3A_426 : i32
      %convert_element_type3A_428 = arith.extui %ge3A_427 : i1 to i32
      %cond3A_429 = arith.constant 0 : i32
      %cond3A_430 = arith.cmpi ne, %convert_element_type3A_428, %cond3A_429 : i32
      scf.if %cond3A_430 {
        %dma_start3A = arith.constant 0 : i32
        %dma_start3A_443 = arith.constant 0 : i32
        %dma_start3A_444 = arith.constant 0 : i32
        %dma_start3A_445 = arith.constant 0 : i32
        %dma_start3A_446 = arith.constant 0 : i32
        %dma_start3A_447 = tpu.memref_slice %arg12[%dma_start3A_443, %dma_start3A_445, %dma_start3A_446] : memref<2x128x128xf32, #tpu.memory_space<vmem>> -> memref<1x128x128xf32, #tpu.memory_space<vmem>>
        %dma_start3A_448 = tpu.memref_squeeze %dma_start3A_447 : memref<1x128x128xf32, #tpu.memory_space<vmem>> -> memref<128x128xf32, #tpu.memory_space<vmem>>
        %dma_start3A_449 = arith.constant 0 : i32
        %dma_start3A_450 = tpu.memref_slice %arg8[%dma_start3A, %dma_start3A_449] : memref<80x128xi32, #tpu.memory_space<vmem>> -> memref<1x128xi32, #tpu.memory_space<vmem>>
        %dma_start3A_451 = tpu.memref_squeeze %dma_start3A_450 : memref<1x128xi32, #tpu.memory_space<vmem>> -> memref<128xi32, #tpu.memory_space<vmem>>
        %dma_start3A_452 = arith.constant 0 : i32
        %dma_start3A_453 = arith.constant 0 : i32
        %dma_start3A_454 = tpu.memref_slice %arg5[%dma_start3A_452, %dma_start3A_453] : memref<10240x128xf32, #tpu.memory_space<hbm>> -> memref<10240x128xf32, #tpu.memory_space<hbm>>
        %dma_start3A_455 = tpu.memref_slice %arg17[%dma_start3A_444] : memref<2x!tpu.dma_semaphore, #tpu.memory_space<semaphore_mem>> -> memref<1x!tpu.dma_semaphore, #tpu.memory_space<semaphore_mem>>
        %dma_start3A_456 = tpu.memref_squeeze %dma_start3A_455 : memref<1x!tpu.dma_semaphore, #tpu.memory_space<semaphore_mem>> -> memref<!tpu.dma_semaphore, #tpu.memory_space<semaphore_mem>>
        tpu.enqueue_indirect_dma source(%dma_start3A_454 : memref<10240x128xf32, #tpu.memory_space<hbm>>) target(%dma_start3A_448 : memref<128x128xf32, #tpu.memory_space<vmem>>) offsets(%dma_start3A_451 : memref<128xi32, #tpu.memory_space<vmem>>) semaphore(%dma_start3A_456 : memref<!tpu.dma_semaphore, #tpu.memory_space<semaphore_mem>>)
      } else {
      }
      %scan3A_431 = arith.constant 0 : i32
      %scan3A_432 = arith.constant 0 : i32
      %scan3A_433 = arith.constant 80 : i32
      %scan3A_434 = arith.addi %scan3A_432, %scan3A_433 : i32
      %scan3A_435 = arith.constant 1 : i32
      %scan3A_436 = scf.for %scan3A_443 = %scan3A_432 to %scan3A_434 step %scan3A_435 iter_args(%scan3A_444 = %scan3A_431) -> (i32)  : i32 {
        %lt3A_445 = arith.cmpi slt, %scan3A_443, %shift_right_logical3A_330 : i32
        %convert_element_type3A_446 = arith.extui %lt3A_445 : i1 to i32
        %cond3A_447 = arith.constant 0 : i32
        %cond3A_448 = arith.cmpi ne, %convert_element_type3A_446, %cond3A_447 : i32
        scf.if %cond3A_448 {
          %rem3A = arith.constant 2 : i32
          %rem3A_450 = arith.remsi %scan3A_443, %rem3A : i32
          %sub3A = arith.constant 1 : i32
          %sub3A_451 = arith.subi %sub3A, %rem3A_450 : i32
          %ge3A_452 = arith.constant 1 : i32
          %ge3A_453 = arith.cmpi sge, %scan3A_443, %ge3A_452 : i32
          %convert_element_type3A_454 = arith.extui %ge3A_453 : i1 to i32
          %cond3A_455 = arith.constant 0 : i32
          %cond3A_456 = arith.cmpi ne, %convert_element_type3A_454, %cond3A_455 : i32
          scf.if %cond3A_456 {
            %sub3A_485 = arith.constant 1 : i32
            %sub3A_486 = arith.subi %scan3A_443, %sub3A_485 : i32
            %dma_wait3A_487 = arith.constant 0 : i32
            %dma_wait3A_488 = arith.constant 0 : i32
            %dma_wait3A_489 = tpu.memref_slice %arg12[%sub3A_451, %dma_wait3A_487, %dma_wait3A_488] : memref<2x128x128xf32, #tpu.memory_space<vmem>> -> memref<1x128x128xf32, #tpu.memory_space<vmem>>
            %dma_wait3A_490 = tpu.memref_squeeze %dma_wait3A_489 : memref<1x128x128xf32, #tpu.memory_space<vmem>> -> memref<128x128xf32, #tpu.memory_space<vmem>>
            %dma_wait3A_491 = arith.constant 0 : i32
            %dma_wait3A_492 = tpu.memref_slice %arg9[%sub3A_486, %dma_wait3A_491] : memref<80x128xi32, #tpu.memory_space<vmem>> -> memref<1x128xi32, #tpu.memory_space<vmem>>
            %dma_wait3A_493 = tpu.memref_squeeze %dma_wait3A_492 : memref<1x128xi32, #tpu.memory_space<vmem>> -> memref<128xi32, #tpu.memory_space<vmem>>
            %dma_wait3A_494 = arith.constant 0 : i32
            %dma_wait3A_495 = arith.constant 0 : i32
            %dma_wait3A_496 = tpu.memref_slice %arg16[%dma_wait3A_494, %dma_wait3A_495] : memref<5128x128xf32, #tpu.memory_space<vmem_shared>> -> memref<5128x128xf32, #tpu.memory_space<vmem_shared>>
            %dma_wait3A_497 = tpu.memref_slice %arg18[%sub3A_451] : memref<2x!tpu.dma_semaphore, #tpu.memory_space<semaphore_mem>> -> memref<1x!tpu.dma_semaphore, #tpu.memory_space<semaphore_mem>>
            %dma_wait3A_498 = tpu.memref_squeeze %dma_wait3A_497 : memref<1x!tpu.dma_semaphore, #tpu.memory_space<semaphore_mem>> -> memref<!tpu.dma_semaphore, #tpu.memory_space<semaphore_mem>>
            tpu.wait_indirect_dma semaphore(%dma_wait3A_498 : memref<!tpu.dma_semaphore, #tpu.memory_space<semaphore_mem>>) src(%dma_wait3A_490 : memref<128x128xf32, #tpu.memory_space<vmem>>) dst(%dma_wait3A_496 : memref<5128x128xf32, #tpu.memory_space<vmem_shared>>)
          } else {
          }
          %add3A_457 = arith.constant 1 : i32
          %add3A_458 = arith.addi %scan3A_443, %add3A_457 : i32
          %lt3A_459 = arith.cmpi slt, %add3A_458, %shift_right_logical3A_330 : i32
          %convert_element_type3A_460 = arith.extui %lt3A_459 : i1 to i32
          %cond3A_461 = arith.constant 0 : i32
          %cond3A_462 = arith.cmpi ne, %convert_element_type3A_460, %cond3A_461 : i32
          scf.if %cond3A_462 {
            %add3A_485 = arith.constant 1 : i32
            %add3A_486 = arith.addi %scan3A_443, %add3A_485 : i32
            %dma_start3A_487 = arith.constant 0 : i32
            %dma_start3A_488 = arith.constant 0 : i32
            %dma_start3A_489 = tpu.memref_slice %arg12[%sub3A_451, %dma_start3A_487, %dma_start3A_488] : memref<2x128x128xf32, #tpu.memory_space<vmem>> -> memref<1x128x128xf32, #tpu.memory_space<vmem>>
            %dma_start3A_490 = tpu.memref_squeeze %dma_start3A_489 : memref<1x128x128xf32, #tpu.memory_space<vmem>> -> memref<128x128xf32, #tpu.memory_space<vmem>>
            %dma_start3A_491 = arith.constant 0 : i32
            %dma_start3A_492 = tpu.memref_slice %arg8[%add3A_486, %dma_start3A_491] : memref<80x128xi32, #tpu.memory_space<vmem>> -> memref<1x128xi32, #tpu.memory_space<vmem>>
            %dma_start3A_493 = tpu.memref_squeeze %dma_start3A_492 : memref<1x128xi32, #tpu.memory_space<vmem>> -> memref<128xi32, #tpu.memory_space<vmem>>
            %dma_start3A_494 = arith.constant 0 : i32
            %dma_start3A_495 = arith.constant 0 : i32
            %dma_start3A_496 = tpu.memref_slice %arg5[%dma_start3A_494, %dma_start3A_495] : memref<10240x128xf32, #tpu.memory_space<hbm>> -> memref<10240x128xf32, #tpu.memory_space<hbm>>
            %dma_start3A_497 = tpu.memref_slice %arg17[%sub3A_451] : memref<2x!tpu.dma_semaphore, #tpu.memory_space<semaphore_mem>> -> memref<1x!tpu.dma_semaphore, #tpu.memory_space<semaphore_mem>>
            %dma_start3A_498 = tpu.memref_squeeze %dma_start3A_497 : memref<1x!tpu.dma_semaphore, #tpu.memory_space<semaphore_mem>> -> memref<!tpu.dma_semaphore, #tpu.memory_space<semaphore_mem>>
            tpu.enqueue_indirect_dma source(%dma_start3A_496 : memref<10240x128xf32, #tpu.memory_space<hbm>>) target(%dma_start3A_490 : memref<128x128xf32, #tpu.memory_space<vmem>>) offsets(%dma_start3A_493 : memref<128xi32, #tpu.memory_space<vmem>>) semaphore(%dma_start3A_498 : memref<!tpu.dma_semaphore, #tpu.memory_space<semaphore_mem>>)
          } else {
          }
          %dma_wait3A = arith.constant 0 : i32
          %dma_wait3A_463 = arith.constant 0 : i32
          %dma_wait3A_464 = tpu.memref_slice %arg12[%rem3A_450, %dma_wait3A, %dma_wait3A_463] : memref<2x128x128xf32, #tpu.memory_space<vmem>> -> memref<1x128x128xf32, #tpu.memory_space<vmem>>
          %dma_wait3A_465 = tpu.memref_squeeze %dma_wait3A_464 : memref<1x128x128xf32, #tpu.memory_space<vmem>> -> memref<128x128xf32, #tpu.memory_space<vmem>>
          %dma_wait3A_466 = arith.constant 0 : i32
          %dma_wait3A_467 = tpu.memref_slice %arg8[%scan3A_443, %dma_wait3A_466] : memref<80x128xi32, #tpu.memory_space<vmem>> -> memref<1x128xi32, #tpu.memory_space<vmem>>
          %dma_wait3A_468 = tpu.memref_squeeze %dma_wait3A_467 : memref<1x128xi32, #tpu.memory_space<vmem>> -> memref<128xi32, #tpu.memory_space<vmem>>
          %dma_wait3A_469 = arith.constant 0 : i32
          %dma_wait3A_470 = arith.constant 0 : i32
          %dma_wait3A_471 = tpu.memref_slice %arg5[%dma_wait3A_469, %dma_wait3A_470] : memref<10240x128xf32, #tpu.memory_space<hbm>> -> memref<10240x128xf32, #tpu.memory_space<hbm>>
          %dma_wait3A_472 = tpu.memref_slice %arg17[%rem3A_450] : memref<2x!tpu.dma_semaphore, #tpu.memory_space<semaphore_mem>> -> memref<1x!tpu.dma_semaphore, #tpu.memory_space<semaphore_mem>>
          %dma_wait3A_473 = tpu.memref_squeeze %dma_wait3A_472 : memref<1x!tpu.dma_semaphore, #tpu.memory_space<semaphore_mem>> -> memref<!tpu.dma_semaphore, #tpu.memory_space<semaphore_mem>>
          tpu.wait_indirect_dma semaphore(%dma_wait3A_473 : memref<!tpu.dma_semaphore, #tpu.memory_space<semaphore_mem>>) src(%dma_wait3A_471 : memref<10240x128xf32, #tpu.memory_space<hbm>>) dst(%dma_wait3A_465 : memref<128x128xf32, #tpu.memory_space<vmem>>)
          %dma_start3A = arith.constant 0 : i32
          %dma_start3A_474 = arith.constant 0 : i32
          %dma_start3A_475 = tpu.memref_slice %arg12[%rem3A_450, %dma_start3A, %dma_start3A_474] : memref<2x128x128xf32, #tpu.memory_space<vmem>> -> memref<1x128x128xf32, #tpu.memory_space<vmem>>
          %dma_start3A_476 = tpu.memref_squeeze %dma_start3A_475 : memref<1x128x128xf32, #tpu.memory_space<vmem>> -> memref<128x128xf32, #tpu.memory_space<vmem>>
          %dma_start3A_477 = arith.constant 0 : i32
          %dma_start3A_478 = tpu.memref_slice %arg9[%scan3A_443, %dma_start3A_477] : memref<80x128xi32, #tpu.memory_space<vmem>> -> memref<1x128xi32, #tpu.memory_space<vmem>>
          %dma_start3A_479 = tpu.memref_squeeze %dma_start3A_478 : memref<1x128xi32, #tpu.memory_space<vmem>> -> memref<128xi32, #tpu.memory_space<vmem>>
          %dma_start3A_480 = arith.constant 0 : i32
          %dma_start3A_481 = arith.constant 0 : i32
          %dma_start3A_482 = tpu.memref_slice %arg16[%dma_start3A_480, %dma_start3A_481] : memref<5128x128xf32, #tpu.memory_space<vmem_shared>> -> memref<5128x128xf32, #tpu.memory_space<vmem_shared>>
          %dma_start3A_483 = tpu.memref_slice %arg18[%rem3A_450] : memref<2x!tpu.dma_semaphore, #tpu.memory_space<semaphore_mem>> -> memref<1x!tpu.dma_semaphore, #tpu.memory_space<semaphore_mem>>
          %dma_start3A_484 = tpu.memref_squeeze %dma_start3A_483 : memref<1x!tpu.dma_semaphore, #tpu.memory_space<semaphore_mem>> -> memref<!tpu.dma_semaphore, #tpu.memory_space<semaphore_mem>>
          tpu.enqueue_indirect_dma source(%dma_start3A_476 : memref<128x128xf32, #tpu.memory_space<vmem>>) target(%dma_start3A_482 : memref<5128x128xf32, #tpu.memory_space<vmem_shared>>) offsets(%dma_start3A_479 : memref<128xi32, #tpu.memory_space<vmem>>) semaphore(%dma_start3A_484 : memref<!tpu.dma_semaphore, #tpu.memory_space<semaphore_mem>>) {add = true}
        } else {
        }
        %scan3A_449 = arith.constant 0 : i32
        scf.yield %scan3A_449 : i32
      }
      %scan3A_437 = arith.constant 80 : i32
      %ge3A_438 = arith.constant 1 : i32
      %ge3A_439 = arith.cmpi sge, %shift_right_logical3A_330, %ge3A_438 : i32
      %convert_element_type3A_440 = arith.extui %ge3A_439 : i1 to i32
      %cond3A_441 = arith.constant 0 : i32
      %cond3A_442 = arith.cmpi ne, %convert_element_type3A_440, %cond3A_441 : i32
      scf.if %cond3A_442 {
        %sub3A = arith.constant 1 : i32
        %sub3A_443 = arith.subi %shift_right_logical3A_330, %sub3A : i32
        %sub3A_444 = arith.constant 1 : i32
        %sub3A_445 = arith.subi %shift_right_logical3A_330, %sub3A_444 : i32
        %rem3A = arith.constant 2 : i32
        %rem3A_446 = arith.remsi %sub3A_445, %rem3A : i32
        %dma_wait3A = arith.constant 0 : i32
        %dma_wait3A_447 = arith.constant 0 : i32
        %dma_wait3A_448 = tpu.memref_slice %arg12[%rem3A_446, %dma_wait3A, %dma_wait3A_447] : memref<2x128x128xf32, #tpu.memory_space<vmem>> -> memref<1x128x128xf32, #tpu.memory_space<vmem>>
        %dma_wait3A_449 = tpu.memref_squeeze %dma_wait3A_448 : memref<1x128x128xf32, #tpu.memory_space<vmem>> -> memref<128x128xf32, #tpu.memory_space<vmem>>
        %dma_wait3A_450 = arith.constant 0 : i32
        %dma_wait3A_451 = tpu.memref_slice %arg9[%sub3A_443, %dma_wait3A_450] : memref<80x128xi32, #tpu.memory_space<vmem>> -> memref<1x128xi32, #tpu.memory_space<vmem>>
        %dma_wait3A_452 = tpu.memref_squeeze %dma_wait3A_451 : memref<1x128xi32, #tpu.memory_space<vmem>> -> memref<128xi32, #tpu.memory_space<vmem>>
        %dma_wait3A_453 = arith.constant 0 : i32
        %dma_wait3A_454 = arith.constant 0 : i32
        %dma_wait3A_455 = tpu.memref_slice %arg16[%dma_wait3A_453, %dma_wait3A_454] : memref<5128x128xf32, #tpu.memory_space<vmem_shared>> -> memref<5128x128xf32, #tpu.memory_space<vmem_shared>>
        %dma_wait3A_456 = tpu.memref_slice %arg18[%rem3A_446] : memref<2x!tpu.dma_semaphore, #tpu.memory_space<semaphore_mem>> -> memref<1x!tpu.dma_semaphore, #tpu.memory_space<semaphore_mem>>
        %dma_wait3A_457 = tpu.memref_squeeze %dma_wait3A_456 : memref<1x!tpu.dma_semaphore, #tpu.memory_space<semaphore_mem>> -> memref<!tpu.dma_semaphore, #tpu.memory_space<semaphore_mem>>
        tpu.wait_indirect_dma semaphore(%dma_wait3A_457 : memref<!tpu.dma_semaphore, #tpu.memory_space<semaphore_mem>>) src(%dma_wait3A_449 : memref<128x128xf32, #tpu.memory_space<vmem>>) dst(%dma_wait3A_455 : memref<5128x128xf32, #tpu.memory_space<vmem_shared>>)
      } else {
      }
    } else {
    }
    %barrier3A_347 = arith.constant 0 : index
    tpu.barrier barrier_id(%barrier3A_347)
    %eq3A_348 = arith.constant 0 : i32
    %eq3A_349 = arith.cmpi eq, %arg0, %eq3A_348 : i32
    %convert_element_type3A_350 = arith.extui %eq3A_349 : i1 to i32
    %cond3A_351 = arith.constant 0 : i32
    %cond3A_352 = arith.cmpi ne, %convert_element_type3A_350, %cond3A_351 : i32
    scf.if %cond3A_352 {
      %mul3A_426 = arith.constant 320 : i32
      %mul3A_427 = arith.muli %arg1, %mul3A_426 : i32
      %mul3A_428 = arith.constant 320 : i32
      %mul3A_429 = arith.muli %arg1, %mul3A_428 : i32
      %add3A_430 = arith.constant 0 : i32
      %add3A_431 = arith.addi %add3A_430, %mul3A_429 : i32
      "tpu.region"() ({
        %run_scoped3A = tpu.sem_alloc : memref<!tpu.dma_semaphore, #tpu.memory_space<semaphore_mem>>
        %dma_start3A = arith.constant 0 : i32
        %dma_start3A_432 = tpu.memref_slice %arg6[%add3A_431, %dma_start3A] : memref<10240x128xf32, #tpu.memory_space<hbm>> -> memref<320x128xf32, #tpu.memory_space<hbm>>
        %dma_start3A_433 = arith.constant 0 : i32
        %dma_start3A_434 = tpu.memref_slice %arg16[%mul3A_427, %dma_start3A_433] : memref<5128x128xf32, #tpu.memory_space<vmem_shared>> -> memref<320x128xf32, #tpu.memory_space<vmem_shared>>
        tpu.enqueue_dma source(%dma_start3A_434 : memref<320x128xf32, #tpu.memory_space<vmem_shared>>) target(%dma_start3A_432 : memref<320x128xf32, #tpu.memory_space<hbm>>) target_semaphore(%run_scoped3A : memref<!tpu.dma_semaphore, #tpu.memory_space<semaphore_mem>>)
        %dma_wait3A = arith.constant 0 : i32
        %dma_wait3A_435 = tpu.memref_slice %arg6[%add3A_431, %dma_wait3A] : memref<10240x128xf32, #tpu.memory_space<hbm>> -> memref<320x128xf32, #tpu.memory_space<hbm>>
        %dma_wait3A_436 = arith.constant 0 : i32
        %dma_wait3A_437 = tpu.memref_slice %arg16[%mul3A_427, %dma_wait3A_436] : memref<5128x128xf32, #tpu.memory_space<vmem_shared>> -> memref<320x128xf32, #tpu.memory_space<vmem_shared>>
        tpu.wait_dma2 semaphore(%run_scoped3A : memref<!tpu.dma_semaphore, #tpu.memory_space<semaphore_mem>>) src(%dma_wait3A_437 : memref<320x128xf32, #tpu.memory_space<vmem_shared>>) dst(%dma_wait3A_435 : memref<320x128xf32, #tpu.memory_space<hbm>>)
        tpu.yield
      }) : () -> ()
    } else {
    }
    %eq3A_353 = arith.constant 1 : i32
    %eq3A_354 = arith.cmpi eq, %arg0, %eq3A_353 : i32
    %convert_element_type3A_355 = arith.extui %eq3A_354 : i1 to i32
    %cond3A_356 = arith.constant 0 : i32
    %cond3A_357 = arith.cmpi ne, %convert_element_type3A_355, %cond3A_356 : i32
    scf.if %cond3A_357 {
      %mul3A_426 = arith.constant 320 : i32
      %mul3A_427 = arith.muli %arg1, %mul3A_426 : i32
      %mul3A_428 = arith.constant 320 : i32
      %mul3A_429 = arith.muli %arg1, %mul3A_428 : i32
      %add3A_430 = arith.constant 0 : i32
      %add3A_431 = arith.addi %add3A_430, %mul3A_429 : i32
      "tpu.region"() ({
        %run_scoped3A = tpu.sem_alloc : memref<!tpu.dma_semaphore, #tpu.memory_space<semaphore_mem>>
        %dma_start3A = arith.constant 0 : i32
        %dma_start3A_432 = tpu.memref_slice %arg7[%add3A_431, %dma_start3A] : memref<10240x128xf32, #tpu.memory_space<hbm>> -> memref<320x128xf32, #tpu.memory_space<hbm>>
        %dma_start3A_433 = arith.constant 0 : i32
        %dma_start3A_434 = tpu.memref_slice %arg16[%mul3A_427, %dma_start3A_433] : memref<5128x128xf32, #tpu.memory_space<vmem_shared>> -> memref<320x128xf32, #tpu.memory_space<vmem_shared>>
        tpu.enqueue_dma source(%dma_start3A_434 : memref<320x128xf32, #tpu.memory_space<vmem_shared>>) target(%dma_start3A_432 : memref<320x128xf32, #tpu.memory_space<hbm>>) target_semaphore(%run_scoped3A : memref<!tpu.dma_semaphore, #tpu.memory_space<semaphore_mem>>)
        %dma_wait3A = arith.constant 0 : i32
        %dma_wait3A_435 = tpu.memref_slice %arg7[%add3A_431, %dma_wait3A] : memref<10240x128xf32, #tpu.memory_space<hbm>> -> memref<320x128xf32, #tpu.memory_space<hbm>>
        %dma_wait3A_436 = arith.constant 0 : i32
        %dma_wait3A_437 = tpu.memref_slice %arg16[%mul3A_427, %dma_wait3A_436] : memref<5128x128xf32, #tpu.memory_space<vmem_shared>> -> memref<320x128xf32, #tpu.memory_space<vmem_shared>>
        tpu.wait_dma2 semaphore(%run_scoped3A : memref<!tpu.dma_semaphore, #tpu.memory_space<semaphore_mem>>) src(%dma_wait3A_437 : memref<320x128xf32, #tpu.memory_space<vmem_shared>>) dst(%dma_wait3A_435 : memref<320x128xf32, #tpu.memory_space<hbm>>)
        tpu.yield
      }) : () -> ()
    } else {
    }
    %barrier3A_358 = arith.constant 0 : index
    tpu.barrier barrier_id(%barrier3A_358)
    %mul3A_359 = arith.constant 320 : i32
    %mul3A_360 = arith.muli %arg1, %mul3A_359 : i32
    %add3A_361 = arith.constant 0 : i32
    %add3A_362 = arith.addi %mul3A_360, %add3A_361 : i32
    "tpu.region"() ({
      %run_scoped3A = tpu.sem_alloc : memref<!tpu.dma_semaphore, #tpu.memory_space<semaphore_mem>>
      %dma_start3A = arith.constant 0 : i32
      %dma_start3A_426 = tpu.memref_slice %arg16[%add3A_362, %dma_start3A] : memref<5128x128xf32, #tpu.memory_space<vmem_shared>> -> memref<32x128xf32, #tpu.memory_space<vmem_shared>>
      %dma_start3A_427 = arith.constant 0 : i32
      %dma_start3A_428 = tpu.memref_slice %arg16[%add3A_362, %dma_start3A_427] : memref<5128x128xf32, #tpu.memory_space<vmem_shared>> -> memref<32x128xf32, #tpu.memory_space<vmem_shared>>
      tpu.enqueue_dma source(%arg13 : memref<32x128xf32, #tpu.memory_space<vmem>>) target(%dma_start3A_428 : memref<32x128xf32, #tpu.memory_space<vmem_shared>>) target_semaphore(%run_scoped3A : memref<!tpu.dma_semaphore, #tpu.memory_space<semaphore_mem>>)
      %dma_wait3A = arith.constant 0 : i32
      %dma_wait3A_429 = tpu.memref_slice %arg16[%add3A_362, %dma_wait3A] : memref<5128x128xf32, #tpu.memory_space<vmem_shared>> -> memref<32x128xf32, #tpu.memory_space<vmem_shared>>
      %dma_wait3A_430 = arith.constant 0 : i32
      %dma_wait3A_431 = tpu.memref_slice %arg16[%add3A_362, %dma_wait3A_430] : memref<5128x128xf32, #tpu.memory_space<vmem_shared>> -> memref<32x128xf32, #tpu.memory_space<vmem_shared>>
      tpu.wait_dma2 semaphore(%run_scoped3A : memref<!tpu.dma_semaphore, #tpu.memory_space<semaphore_mem>>) src(%arg13 : memref<32x128xf32, #tpu.memory_space<vmem>>) dst(%dma_wait3A_431 : memref<32x128xf32, #tpu.memory_space<vmem_shared>>)
      tpu.yield
    }) : () -> ()
    %mul3A_363 = arith.constant 320 : i32
    %mul3A_364 = arith.muli %arg1, %mul3A_363 : i32
    %add3A_365 = arith.constant 32 : i32
    %add3A_366 = arith.addi %mul3A_364, %add3A_365 : i32
    "tpu.region"() ({
      %run_scoped3A = tpu.sem_alloc : memref<!tpu.dma_semaphore, #tpu.memory_space<semaphore_mem>>
      %dma_start3A = arith.constant 0 : i32
      %dma_start3A_426 = tpu.memref_slice %arg16[%add3A_366, %dma_start3A] : memref<5128x128xf32, #tpu.memory_space<vmem_shared>> -> memref<32x128xf32, #tpu.memory_space<vmem_shared>>
      %dma_start3A_427 = arith.constant 0 : i32
      %dma_start3A_428 = tpu.memref_slice %arg16[%add3A_366, %dma_start3A_427] : memref<5128x128xf32, #tpu.memory_space<vmem_shared>> -> memref<32x128xf32, #tpu.memory_space<vmem_shared>>
      tpu.enqueue_dma source(%arg13 : memref<32x128xf32, #tpu.memory_space<vmem>>) target(%dma_start3A_428 : memref<32x128xf32, #tpu.memory_space<vmem_shared>>) target_semaphore(%run_scoped3A : memref<!tpu.dma_semaphore, #tpu.memory_space<semaphore_mem>>)
      %dma_wait3A = arith.constant 0 : i32
      %dma_wait3A_429 = tpu.memref_slice %arg16[%add3A_366, %dma_wait3A] : memref<5128x128xf32, #tpu.memory_space<vmem_shared>> -> memref<32x128xf32, #tpu.memory_space<vmem_shared>>
      %dma_wait3A_430 = arith.constant 0 : i32
      %dma_wait3A_431 = tpu.memref_slice %arg16[%add3A_366, %dma_wait3A_430] : memref<5128x128xf32, #tpu.memory_space<vmem_shared>> -> memref<32x128xf32, #tpu.memory_space<vmem_shared>>
      tpu.wait_dma2 semaphore(%run_scoped3A : memref<!tpu.dma_semaphore, #tpu.memory_space<semaphore_mem>>) src(%arg13 : memref<32x128xf32, #tpu.memory_space<vmem>>) dst(%dma_wait3A_431 : memref<32x128xf32, #tpu.memory_space<vmem_shared>>)
      tpu.yield
    }) : () -> ()
    %mul3A_367 = arith.constant 320 : i32
    %mul3A_368 = arith.muli %arg1, %mul3A_367 : i32
    %add3A_369 = arith.constant 64 : i32
    %add3A_370 = arith.addi %mul3A_368, %add3A_369 : i32
    "tpu.region"() ({
      %run_scoped3A = tpu.sem_alloc : memref<!tpu.dma_semaphore, #tpu.memory_space<semaphore_mem>>
      %dma_start3A = arith.constant 0 : i32
      %dma_start3A_426 = tpu.memref_slice %arg16[%add3A_370, %dma_start3A] : memref<5128x128xf32, #tpu.memory_space<vmem_shared>> -> memref<32x128xf32, #tpu.memory_space<vmem_shared>>
      %dma_start3A_427 = arith.constant 0 : i32
      %dma_start3A_428 = tpu.memref_slice %arg16[%add3A_370, %dma_start3A_427] : memref<5128x128xf32, #tpu.memory_space<vmem_shared>> -> memref<32x128xf32, #tpu.memory_space<vmem_shared>>
      tpu.enqueue_dma source(%arg13 : memref<32x128xf32, #tpu.memory_space<vmem>>) target(%dma_start3A_428 : memref<32x128xf32, #tpu.memory_space<vmem_shared>>) target_semaphore(%run_scoped3A : memref<!tpu.dma_semaphore, #tpu.memory_space<semaphore_mem>>)
      %dma_wait3A = arith.constant 0 : i32
      %dma_wait3A_429 = tpu.memref_slice %arg16[%add3A_370, %dma_wait3A] : memref<5128x128xf32, #tpu.memory_space<vmem_shared>> -> memref<32x128xf32, #tpu.memory_space<vmem_shared>>
      %dma_wait3A_430 = arith.constant 0 : i32
      %dma_wait3A_431 = tpu.memref_slice %arg16[%add3A_370, %dma_wait3A_430] : memref<5128x128xf32, #tpu.memory_space<vmem_shared>> -> memref<32x128xf32, #tpu.memory_space<vmem_shared>>
      tpu.wait_dma2 semaphore(%run_scoped3A : memref<!tpu.dma_semaphore, #tpu.memory_space<semaphore_mem>>) src(%arg13 : memref<32x128xf32, #tpu.memory_space<vmem>>) dst(%dma_wait3A_431 : memref<32x128xf32, #tpu.memory_space<vmem_shared>>)
      tpu.yield
    }) : () -> ()
    %mul3A_371 = arith.constant 320 : i32
    %mul3A_372 = arith.muli %arg1, %mul3A_371 : i32
    %add3A_373 = arith.constant 96 : i32
    %add3A_374 = arith.addi %mul3A_372, %add3A_373 : i32
    "tpu.region"() ({
      %run_scoped3A = tpu.sem_alloc : memref<!tpu.dma_semaphore, #tpu.memory_space<semaphore_mem>>
      %dma_start3A = arith.constant 0 : i32
      %dma_start3A_426 = tpu.memref_slice %arg16[%add3A_374, %dma_start3A] : memref<5128x128xf32, #tpu.memory_space<vmem_shared>> -> memref<32x128xf32, #tpu.memory_space<vmem_shared>>
      %dma_start3A_427 = arith.constant 0 : i32
      %dma_start3A_428 = tpu.memref_slice %arg16[%add3A_374, %dma_start3A_427] : memref<5128x128xf32, #tpu.memory_space<vmem_shared>> -> memref<32x128xf32, #tpu.memory_space<vmem_shared>>
      tpu.enqueue_dma source(%arg13 : memref<32x128xf32, #tpu.memory_space<vmem>>) target(%dma_start3A_428 : memref<32x128xf32, #tpu.memory_space<vmem_shared>>) target_semaphore(%run_scoped3A : memref<!tpu.dma_semaphore, #tpu.memory_space<semaphore_mem>>)
      %dma_wait3A = arith.constant 0 : i32
      %dma_wait3A_429 = tpu.memref_slice %arg16[%add3A_374, %dma_wait3A] : memref<5128x128xf32, #tpu.memory_space<vmem_shared>> -> memref<32x128xf32, #tpu.memory_space<vmem_shared>>
      %dma_wait3A_430 = arith.constant 0 : i32
      %dma_wait3A_431 = tpu.memref_slice %arg16[%add3A_374, %dma_wait3A_430] : memref<5128x128xf32, #tpu.memory_space<vmem_shared>> -> memref<32x128xf32, #tpu.memory_space<vmem_shared>>
      tpu.wait_dma2 semaphore(%run_scoped3A : memref<!tpu.dma_semaphore, #tpu.memory_space<semaphore_mem>>) src(%arg13 : memref<32x128xf32, #tpu.memory_space<vmem>>) dst(%dma_wait3A_431 : memref<32x128xf32, #tpu.memory_space<vmem_shared>>)
      tpu.yield
    }) : () -> ()
    %mul3A_375 = arith.constant 320 : i32
    %mul3A_376 = arith.muli %arg1, %mul3A_375 : i32
    %add3A_377 = arith.constant 128 : i32
    %add3A_378 = arith.addi %mul3A_376, %add3A_377 : i32
    "tpu.region"() ({
      %run_scoped3A = tpu.sem_alloc : memref<!tpu.dma_semaphore, #tpu.memory_space<semaphore_mem>>
      %dma_start3A = arith.constant 0 : i32
      %dma_start3A_426 = tpu.memref_slice %arg16[%add3A_378, %dma_start3A] : memref<5128x128xf32, #tpu.memory_space<vmem_shared>> -> memref<32x128xf32, #tpu.memory_space<vmem_shared>>
      %dma_start3A_427 = arith.constant 0 : i32
      %dma_start3A_428 = tpu.memref_slice %arg16[%add3A_378, %dma_start3A_427] : memref<5128x128xf32, #tpu.memory_space<vmem_shared>> -> memref<32x128xf32, #tpu.memory_space<vmem_shared>>
      tpu.enqueue_dma source(%arg13 : memref<32x128xf32, #tpu.memory_space<vmem>>) target(%dma_start3A_428 : memref<32x128xf32, #tpu.memory_space<vmem_shared>>) target_semaphore(%run_scoped3A : memref<!tpu.dma_semaphore, #tpu.memory_space<semaphore_mem>>)
      %dma_wait3A = arith.constant 0 : i32
      %dma_wait3A_429 = tpu.memref_slice %arg16[%add3A_378, %dma_wait3A] : memref<5128x128xf32, #tpu.memory_space<vmem_shared>> -> memref<32x128xf32, #tpu.memory_space<vmem_shared>>
      %dma_wait3A_430 = arith.constant 0 : i32
      %dma_wait3A_431 = tpu.memref_slice %arg16[%add3A_378, %dma_wait3A_430] : memref<5128x128xf32, #tpu.memory_space<vmem_shared>> -> memref<32x128xf32, #tpu.memory_space<vmem_shared>>
      tpu.wait_dma2 semaphore(%run_scoped3A : memref<!tpu.dma_semaphore, #tpu.memory_space<semaphore_mem>>) src(%arg13 : memref<32x128xf32, #tpu.memory_space<vmem>>) dst(%dma_wait3A_431 : memref<32x128xf32, #tpu.memory_space<vmem_shared>>)
      tpu.yield
    }) : () -> ()
    %mul3A_379 = arith.constant 320 : i32
    %mul3A_380 = arith.muli %arg1, %mul3A_379 : i32
    %add3A_381 = arith.constant 160 : i32
    %add3A_382 = arith.addi %mul3A_380, %add3A_381 : i32
    "tpu.region"() ({
      %run_scoped3A = tpu.sem_alloc : memref<!tpu.dma_semaphore, #tpu.memory_space<semaphore_mem>>
      %dma_start3A = arith.constant 0 : i32
      %dma_start3A_426 = tpu.memref_slice %arg16[%add3A_382, %dma_start3A] : memref<5128x128xf32, #tpu.memory_space<vmem_shared>> -> memref<32x128xf32, #tpu.memory_space<vmem_shared>>
      %dma_start3A_427 = arith.constant 0 : i32
      %dma_start3A_428 = tpu.memref_slice %arg16[%add3A_382, %dma_start3A_427] : memref<5128x128xf32, #tpu.memory_space<vmem_shared>> -> memref<32x128xf32, #tpu.memory_space<vmem_shared>>
      tpu.enqueue_dma source(%arg13 : memref<32x128xf32, #tpu.memory_space<vmem>>) target(%dma_start3A_428 : memref<32x128xf32, #tpu.memory_space<vmem_shared>>) target_semaphore(%run_scoped3A : memref<!tpu.dma_semaphore, #tpu.memory_space<semaphore_mem>>)
      %dma_wait3A = arith.constant 0 : i32
      %dma_wait3A_429 = tpu.memref_slice %arg16[%add3A_382, %dma_wait3A] : memref<5128x128xf32, #tpu.memory_space<vmem_shared>> -> memref<32x128xf32, #tpu.memory_space<vmem_shared>>
      %dma_wait3A_430 = arith.constant 0 : i32
      %dma_wait3A_431 = tpu.memref_slice %arg16[%add3A_382, %dma_wait3A_430] : memref<5128x128xf32, #tpu.memory_space<vmem_shared>> -> memref<32x128xf32, #tpu.memory_space<vmem_shared>>
      tpu.wait_dma2 semaphore(%run_scoped3A : memref<!tpu.dma_semaphore, #tpu.memory_space<semaphore_mem>>) src(%arg13 : memref<32x128xf32, #tpu.memory_space<vmem>>) dst(%dma_wait3A_431 : memref<32x128xf32, #tpu.memory_space<vmem_shared>>)
      tpu.yield
    }) : () -> ()
    %mul3A_383 = arith.constant 320 : i32
    %mul3A_384 = arith.muli %arg1, %mul3A_383 : i32
    %add3A_385 = arith.constant 192 : i32
    %add3A_386 = arith.addi %mul3A_384, %add3A_385 : i32
    "tpu.region"() ({
      %run_scoped3A = tpu.sem_alloc : memref<!tpu.dma_semaphore, #tpu.memory_space<semaphore_mem>>
      %dma_start3A = arith.constant 0 : i32
      %dma_start3A_426 = tpu.memref_slice %arg16[%add3A_386, %dma_start3A] : memref<5128x128xf32, #tpu.memory_space<vmem_shared>> -> memref<32x128xf32, #tpu.memory_space<vmem_shared>>
      %dma_start3A_427 = arith.constant 0 : i32
      %dma_start3A_428 = tpu.memref_slice %arg16[%add3A_386, %dma_start3A_427] : memref<5128x128xf32, #tpu.memory_space<vmem_shared>> -> memref<32x128xf32, #tpu.memory_space<vmem_shared>>
      tpu.enqueue_dma source(%arg13 : memref<32x128xf32, #tpu.memory_space<vmem>>) target(%dma_start3A_428 : memref<32x128xf32, #tpu.memory_space<vmem_shared>>) target_semaphore(%run_scoped3A : memref<!tpu.dma_semaphore, #tpu.memory_space<semaphore_mem>>)
      %dma_wait3A = arith.constant 0 : i32
      %dma_wait3A_429 = tpu.memref_slice %arg16[%add3A_386, %dma_wait3A] : memref<5128x128xf32, #tpu.memory_space<vmem_shared>> -> memref<32x128xf32, #tpu.memory_space<vmem_shared>>
      %dma_wait3A_430 = arith.constant 0 : i32
      %dma_wait3A_431 = tpu.memref_slice %arg16[%add3A_386, %dma_wait3A_430] : memref<5128x128xf32, #tpu.memory_space<vmem_shared>> -> memref<32x128xf32, #tpu.memory_space<vmem_shared>>
      tpu.wait_dma2 semaphore(%run_scoped3A : memref<!tpu.dma_semaphore, #tpu.memory_space<semaphore_mem>>) src(%arg13 : memref<32x128xf32, #tpu.memory_space<vmem>>) dst(%dma_wait3A_431 : memref<32x128xf32, #tpu.memory_space<vmem_shared>>)
      tpu.yield
    }) : () -> ()
    %mul3A_387 = arith.constant 320 : i32
    %mul3A_388 = arith.muli %arg1, %mul3A_387 : i32
    %add3A_389 = arith.constant 224 : i32
    %add3A_390 = arith.addi %mul3A_388, %add3A_389 : i32
    "tpu.region"() ({
      %run_scoped3A = tpu.sem_alloc : memref<!tpu.dma_semaphore, #tpu.memory_space<semaphore_mem>>
      %dma_start3A = arith.constant 0 : i32
      %dma_start3A_426 = tpu.memref_slice %arg16[%add3A_390, %dma_start3A] : memref<5128x128xf32, #tpu.memory_space<vmem_shared>> -> memref<32x128xf32, #tpu.memory_space<vmem_shared>>
      %dma_start3A_427 = arith.constant 0 : i32
      %dma_start3A_428 = tpu.memref_slice %arg16[%add3A_390, %dma_start3A_427] : memref<5128x128xf32, #tpu.memory_space<vmem_shared>> -> memref<32x128xf32, #tpu.memory_space<vmem_shared>>
      tpu.enqueue_dma source(%arg13 : memref<32x128xf32, #tpu.memory_space<vmem>>) target(%dma_start3A_428 : memref<32x128xf32, #tpu.memory_space<vmem_shared>>) target_semaphore(%run_scoped3A : memref<!tpu.dma_semaphore, #tpu.memory_space<semaphore_mem>>)
      %dma_wait3A = arith.constant 0 : i32
      %dma_wait3A_429 = tpu.memref_slice %arg16[%add3A_390, %dma_wait3A] : memref<5128x128xf32, #tpu.memory_space<vmem_shared>> -> memref<32x128xf32, #tpu.memory_space<vmem_shared>>
      %dma_wait3A_430 = arith.constant 0 : i32
      %dma_wait3A_431 = tpu.memref_slice %arg16[%add3A_390, %dma_wait3A_430] : memref<5128x128xf32, #tpu.memory_space<vmem_shared>> -> memref<32x128xf32, #tpu.memory_space<vmem_shared>>
      tpu.wait_dma2 semaphore(%run_scoped3A : memref<!tpu.dma_semaphore, #tpu.memory_space<semaphore_mem>>) src(%arg13 : memref<32x128xf32, #tpu.memory_space<vmem>>) dst(%dma_wait3A_431 : memref<32x128xf32, #tpu.memory_space<vmem_shared>>)
      tpu.yield
    }) : () -> ()
    %mul3A_391 = arith.constant 320 : i32
    %mul3A_392 = arith.muli %arg1, %mul3A_391 : i32
    %add3A_393 = arith.constant 256 : i32
    %add3A_394 = arith.addi %mul3A_392, %add3A_393 : i32
    "tpu.region"() ({
      %run_scoped3A = tpu.sem_alloc : memref<!tpu.dma_semaphore, #tpu.memory_space<semaphore_mem>>
      %dma_start3A = arith.constant 0 : i32
      %dma_start3A_426 = tpu.memref_slice %arg16[%add3A_394, %dma_start3A] : memref<5128x128xf32, #tpu.memory_space<vmem_shared>> -> memref<32x128xf32, #tpu.memory_space<vmem_shared>>
      %dma_start3A_427 = arith.constant 0 : i32
      %dma_start3A_428 = tpu.memref_slice %arg16[%add3A_394, %dma_start3A_427] : memref<5128x128xf32, #tpu.memory_space<vmem_shared>> -> memref<32x128xf32, #tpu.memory_space<vmem_shared>>
      tpu.enqueue_dma source(%arg13 : memref<32x128xf32, #tpu.memory_space<vmem>>) target(%dma_start3A_428 : memref<32x128xf32, #tpu.memory_space<vmem_shared>>) target_semaphore(%run_scoped3A : memref<!tpu.dma_semaphore, #tpu.memory_space<semaphore_mem>>)
      %dma_wait3A = arith.constant 0 : i32
      %dma_wait3A_429 = tpu.memref_slice %arg16[%add3A_394, %dma_wait3A] : memref<5128x128xf32, #tpu.memory_space<vmem_shared>> -> memref<32x128xf32, #tpu.memory_space<vmem_shared>>
      %dma_wait3A_430 = arith.constant 0 : i32
      %dma_wait3A_431 = tpu.memref_slice %arg16[%add3A_394, %dma_wait3A_430] : memref<5128x128xf32, #tpu.memory_space<vmem_shared>> -> memref<32x128xf32, #tpu.memory_space<vmem_shared>>
      tpu.wait_dma2 semaphore(%run_scoped3A : memref<!tpu.dma_semaphore, #tpu.memory_space<semaphore_mem>>) src(%arg13 : memref<32x128xf32, #tpu.memory_space<vmem>>) dst(%dma_wait3A_431 : memref<32x128xf32, #tpu.memory_space<vmem_shared>>)
      tpu.yield
    }) : () -> ()
    %mul3A_395 = arith.constant 320 : i32
    %mul3A_396 = arith.muli %arg1, %mul3A_395 : i32
    %add3A_397 = arith.constant 288 : i32
    %add3A_398 = arith.addi %mul3A_396, %add3A_397 : i32
    "tpu.region"() ({
      %run_scoped3A = tpu.sem_alloc : memref<!tpu.dma_semaphore, #tpu.memory_space<semaphore_mem>>
      %dma_start3A = arith.constant 0 : i32
      %dma_start3A_426 = tpu.memref_slice %arg16[%add3A_398, %dma_start3A] : memref<5128x128xf32, #tpu.memory_space<vmem_shared>> -> memref<32x128xf32, #tpu.memory_space<vmem_shared>>
      %dma_start3A_427 = arith.constant 0 : i32
      %dma_start3A_428 = tpu.memref_slice %arg16[%add3A_398, %dma_start3A_427] : memref<5128x128xf32, #tpu.memory_space<vmem_shared>> -> memref<32x128xf32, #tpu.memory_space<vmem_shared>>
      tpu.enqueue_dma source(%arg13 : memref<32x128xf32, #tpu.memory_space<vmem>>) target(%dma_start3A_428 : memref<32x128xf32, #tpu.memory_space<vmem_shared>>) target_semaphore(%run_scoped3A : memref<!tpu.dma_semaphore, #tpu.memory_space<semaphore_mem>>)
      %dma_wait3A = arith.constant 0 : i32
      %dma_wait3A_429 = tpu.memref_slice %arg16[%add3A_398, %dma_wait3A] : memref<5128x128xf32, #tpu.memory_space<vmem_shared>> -> memref<32x128xf32, #tpu.memory_space<vmem_shared>>
      %dma_wait3A_430 = arith.constant 0 : i32
      %dma_wait3A_431 = tpu.memref_slice %arg16[%add3A_398, %dma_wait3A_430] : memref<5128x128xf32, #tpu.memory_space<vmem_shared>> -> memref<32x128xf32, #tpu.memory_space<vmem_shared>>
      tpu.wait_dma2 semaphore(%run_scoped3A : memref<!tpu.dma_semaphore, #tpu.memory_space<semaphore_mem>>) src(%arg13 : memref<32x128xf32, #tpu.memory_space<vmem>>) dst(%dma_wait3A_431 : memref<32x128xf32, #tpu.memory_space<vmem_shared>>)
      tpu.yield
    }) : () -> ()
    %eq3A_399 = arith.constant 0 : i32
    %eq3A_400 = arith.cmpi eq, %arg1, %eq3A_399 : i32
    %convert_element_type3A_401 = arith.extui %eq3A_400 : i1 to i32
    %cond3A_402 = arith.constant 0 : i32
    %cond3A_403 = arith.cmpi ne, %convert_element_type3A_401, %cond3A_402 : i32
    scf.if %cond3A_403 {
      "tpu.region"() ({
        %run_scoped3A = tpu.sem_alloc : memref<!tpu.dma_semaphore, #tpu.memory_space<semaphore_mem>>
        %dma_start3A = arith.constant 0 : i32
        %dma_start3A_426 = arith.constant 0 : i32
        %dma_start3A_427 = tpu.memref_slice %arg13[%dma_start3A, %dma_start3A_426] : memref<32x128xf32, #tpu.memory_space<vmem>> -> memref<8x128xf32, #tpu.memory_space<vmem>>
        %dma_start3A_428 = arith.constant 5120 : i32
        %dma_start3A_429 = arith.constant 0 : i32
        %dma_start3A_430 = tpu.memref_slice %arg16[%dma_start3A_428, %dma_start3A_429] : memref<5128x128xf32, #tpu.memory_space<vmem_shared>> -> memref<8x128xf32, #tpu.memory_space<vmem_shared>>
        %dma_start3A_431 = arith.constant 5120 : i32
        %dma_start3A_432 = arith.constant 0 : i32
        %dma_start3A_433 = tpu.memref_slice %arg16[%dma_start3A_431, %dma_start3A_432] : memref<5128x128xf32, #tpu.memory_space<vmem_shared>> -> memref<8x128xf32, #tpu.memory_space<vmem_shared>>
        %dma_start3A_434 = arith.constant 0 : i32
        %dma_start3A_435 = arith.constant 0 : i32
        %dma_start3A_436 = tpu.memref_slice %arg13[%dma_start3A_434, %dma_start3A_435] : memref<32x128xf32, #tpu.memory_space<vmem>> -> memref<8x128xf32, #tpu.memory_space<vmem>>
        tpu.enqueue_dma source(%dma_start3A_436 : memref<8x128xf32, #tpu.memory_space<vmem>>) target(%dma_start3A_433 : memref<8x128xf32, #tpu.memory_space<vmem_shared>>) target_semaphore(%run_scoped3A : memref<!tpu.dma_semaphore, #tpu.memory_space<semaphore_mem>>)
        %dma_wait3A = arith.constant 0 : i32
        %dma_wait3A_437 = arith.constant 0 : i32
        %dma_wait3A_438 = tpu.memref_slice %arg13[%dma_wait3A, %dma_wait3A_437] : memref<32x128xf32, #tpu.memory_space<vmem>> -> memref<8x128xf32, #tpu.memory_space<vmem>>
        %dma_wait3A_439 = arith.constant 5120 : i32
        %dma_wait3A_440 = arith.constant 0 : i32
        %dma_wait3A_441 = tpu.memref_slice %arg16[%dma_wait3A_439, %dma_wait3A_440] : memref<5128x128xf32, #tpu.memory_space<vmem_shared>> -> memref<8x128xf32, #tpu.memory_space<vmem_shared>>
        %dma_wait3A_442 = arith.constant 5120 : i32
        %dma_wait3A_443 = arith.constant 0 : i32
        %dma_wait3A_444 = tpu.memref_slice %arg16[%dma_wait3A_442, %dma_wait3A_443] : memref<5128x128xf32, #tpu.memory_space<vmem_shared>> -> memref<8x128xf32, #tpu.memory_space<vmem_shared>>
        %dma_wait3A_445 = arith.constant 0 : i32
        %dma_wait3A_446 = arith.constant 0 : i32
        %dma_wait3A_447 = tpu.memref_slice %arg13[%dma_wait3A_445, %dma_wait3A_446] : memref<32x128xf32, #tpu.memory_space<vmem>> -> memref<8x128xf32, #tpu.memory_space<vmem>>
        tpu.wait_dma2 semaphore(%run_scoped3A : memref<!tpu.dma_semaphore, #tpu.memory_space<semaphore_mem>>) src(%dma_wait3A_447 : memref<8x128xf32, #tpu.memory_space<vmem>>) dst(%dma_wait3A_444 : memref<8x128xf32, #tpu.memory_space<vmem_shared>>)
        tpu.yield
      }) : () -> ()
    } else {
    }
    %barrier3A_404 = arith.constant 0 : index
    tpu.barrier barrier_id(%barrier3A_404)
    %eq3A_405 = arith.constant 0 : i32
    %eq3A_406 = arith.cmpi eq, %arg0, %eq3A_405 : i32
    %convert_element_type3A_407 = arith.extui %eq3A_406 : i1 to i32
    %cond3A_408 = arith.constant 0 : i32
    %cond3A_409 = arith.cmpi ne, %convert_element_type3A_407, %cond3A_408 : i32
    scf.if %cond3A_409 {
      %ge3A_426 = arith.constant 1 : i32
      %ge3A_427 = arith.cmpi sge, %shift_right_logical3A_336, %ge3A_426 : i32
      %convert_element_type3A_428 = arith.extui %ge3A_427 : i1 to i32
      %cond3A_429 = arith.constant 0 : i32
      %cond3A_430 = arith.cmpi ne, %convert_element_type3A_428, %cond3A_429 : i32
      scf.if %cond3A_430 {
        %dma_start3A = arith.constant 0 : i32
        %dma_start3A_443 = arith.constant 0 : i32
        %dma_start3A_444 = arith.constant 0 : i32
        %dma_start3A_445 = arith.constant 0 : i32
        %dma_start3A_446 = arith.constant 0 : i32
        %dma_start3A_447 = tpu.memref_slice %arg12[%dma_start3A_443, %dma_start3A_445, %dma_start3A_446] : memref<2x128x128xf32, #tpu.memory_space<vmem>> -> memref<1x128x128xf32, #tpu.memory_space<vmem>>
        %dma_start3A_448 = tpu.memref_squeeze %dma_start3A_447 : memref<1x128x128xf32, #tpu.memory_space<vmem>> -> memref<128x128xf32, #tpu.memory_space<vmem>>
        %dma_start3A_449 = arith.constant 0 : i32
        %dma_start3A_450 = tpu.memref_slice %arg10[%dma_start3A, %dma_start3A_449] : memref<80x128xi32, #tpu.memory_space<vmem>> -> memref<1x128xi32, #tpu.memory_space<vmem>>
        %dma_start3A_451 = tpu.memref_squeeze %dma_start3A_450 : memref<1x128xi32, #tpu.memory_space<vmem>> -> memref<128xi32, #tpu.memory_space<vmem>>
        %dma_start3A_452 = arith.constant 0 : i32
        %dma_start3A_453 = arith.constant 0 : i32
        %dma_start3A_454 = tpu.memref_slice %arg4[%dma_start3A_452, %dma_start3A_453] : memref<10240x128xf32, #tpu.memory_space<hbm>> -> memref<10240x128xf32, #tpu.memory_space<hbm>>
        %dma_start3A_455 = tpu.memref_slice %arg17[%dma_start3A_444] : memref<2x!tpu.dma_semaphore, #tpu.memory_space<semaphore_mem>> -> memref<1x!tpu.dma_semaphore, #tpu.memory_space<semaphore_mem>>
        %dma_start3A_456 = tpu.memref_squeeze %dma_start3A_455 : memref<1x!tpu.dma_semaphore, #tpu.memory_space<semaphore_mem>> -> memref<!tpu.dma_semaphore, #tpu.memory_space<semaphore_mem>>
        tpu.enqueue_indirect_dma source(%dma_start3A_454 : memref<10240x128xf32, #tpu.memory_space<hbm>>) target(%dma_start3A_448 : memref<128x128xf32, #tpu.memory_space<vmem>>) offsets(%dma_start3A_451 : memref<128xi32, #tpu.memory_space<vmem>>) semaphore(%dma_start3A_456 : memref<!tpu.dma_semaphore, #tpu.memory_space<semaphore_mem>>)
      } else {
      }
      %scan3A_431 = arith.constant 0 : i32
      %scan3A_432 = arith.constant 0 : i32
      %scan3A_433 = arith.constant 80 : i32
      %scan3A_434 = arith.addi %scan3A_432, %scan3A_433 : i32
      %scan3A_435 = arith.constant 1 : i32
      %scan3A_436 = scf.for %scan3A_443 = %scan3A_432 to %scan3A_434 step %scan3A_435 iter_args(%scan3A_444 = %scan3A_431) -> (i32)  : i32 {
        %lt3A_445 = arith.cmpi slt, %scan3A_443, %shift_right_logical3A_336 : i32
        %convert_element_type3A_446 = arith.extui %lt3A_445 : i1 to i32
        %cond3A_447 = arith.constant 0 : i32
        %cond3A_448 = arith.cmpi ne, %convert_element_type3A_446, %cond3A_447 : i32
        scf.if %cond3A_448 {
          %rem3A = arith.constant 2 : i32
          %rem3A_450 = arith.remsi %scan3A_443, %rem3A : i32
          %sub3A = arith.constant 1 : i32
          %sub3A_451 = arith.subi %sub3A, %rem3A_450 : i32
          %ge3A_452 = arith.constant 1 : i32
          %ge3A_453 = arith.cmpi sge, %scan3A_443, %ge3A_452 : i32
          %convert_element_type3A_454 = arith.extui %ge3A_453 : i1 to i32
          %cond3A_455 = arith.constant 0 : i32
          %cond3A_456 = arith.cmpi ne, %convert_element_type3A_454, %cond3A_455 : i32
          scf.if %cond3A_456 {
            %sub3A_485 = arith.constant 1 : i32
            %sub3A_486 = arith.subi %scan3A_443, %sub3A_485 : i32
            %dma_wait3A_487 = arith.constant 0 : i32
            %dma_wait3A_488 = arith.constant 0 : i32
            %dma_wait3A_489 = tpu.memref_slice %arg12[%sub3A_451, %dma_wait3A_487, %dma_wait3A_488] : memref<2x128x128xf32, #tpu.memory_space<vmem>> -> memref<1x128x128xf32, #tpu.memory_space<vmem>>
            %dma_wait3A_490 = tpu.memref_squeeze %dma_wait3A_489 : memref<1x128x128xf32, #tpu.memory_space<vmem>> -> memref<128x128xf32, #tpu.memory_space<vmem>>
            %dma_wait3A_491 = arith.constant 0 : i32
            %dma_wait3A_492 = tpu.memref_slice %arg11[%sub3A_486, %dma_wait3A_491] : memref<80x128xi32, #tpu.memory_space<vmem>> -> memref<1x128xi32, #tpu.memory_space<vmem>>
            %dma_wait3A_493 = tpu.memref_squeeze %dma_wait3A_492 : memref<1x128xi32, #tpu.memory_space<vmem>> -> memref<128xi32, #tpu.memory_space<vmem>>
            %dma_wait3A_494 = arith.constant 0 : i32
            %dma_wait3A_495 = arith.constant 0 : i32
            %dma_wait3A_496 = tpu.memref_slice %arg16[%dma_wait3A_494, %dma_wait3A_495] : memref<5128x128xf32, #tpu.memory_space<vmem_shared>> -> memref<5128x128xf32, #tpu.memory_space<vmem_shared>>
            %dma_wait3A_497 = tpu.memref_slice %arg18[%sub3A_451] : memref<2x!tpu.dma_semaphore, #tpu.memory_space<semaphore_mem>> -> memref<1x!tpu.dma_semaphore, #tpu.memory_space<semaphore_mem>>
            %dma_wait3A_498 = tpu.memref_squeeze %dma_wait3A_497 : memref<1x!tpu.dma_semaphore, #tpu.memory_space<semaphore_mem>> -> memref<!tpu.dma_semaphore, #tpu.memory_space<semaphore_mem>>
            tpu.wait_indirect_dma semaphore(%dma_wait3A_498 : memref<!tpu.dma_semaphore, #tpu.memory_space<semaphore_mem>>) src(%dma_wait3A_490 : memref<128x128xf32, #tpu.memory_space<vmem>>) dst(%dma_wait3A_496 : memref<5128x128xf32, #tpu.memory_space<vmem_shared>>)
          } else {
          }
          %add3A_457 = arith.constant 1 : i32
          %add3A_458 = arith.addi %scan3A_443, %add3A_457 : i32
          %lt3A_459 = arith.cmpi slt, %add3A_458, %shift_right_logical3A_336 : i32
          %convert_element_type3A_460 = arith.extui %lt3A_459 : i1 to i32
          %cond3A_461 = arith.constant 0 : i32
          %cond3A_462 = arith.cmpi ne, %convert_element_type3A_460, %cond3A_461 : i32
          scf.if %cond3A_462 {
            %add3A_485 = arith.constant 1 : i32
            %add3A_486 = arith.addi %scan3A_443, %add3A_485 : i32
            %dma_start3A_487 = arith.constant 0 : i32
            %dma_start3A_488 = arith.constant 0 : i32
            %dma_start3A_489 = tpu.memref_slice %arg12[%sub3A_451, %dma_start3A_487, %dma_start3A_488] : memref<2x128x128xf32, #tpu.memory_space<vmem>> -> memref<1x128x128xf32, #tpu.memory_space<vmem>>
            %dma_start3A_490 = tpu.memref_squeeze %dma_start3A_489 : memref<1x128x128xf32, #tpu.memory_space<vmem>> -> memref<128x128xf32, #tpu.memory_space<vmem>>
            %dma_start3A_491 = arith.constant 0 : i32
            %dma_start3A_492 = tpu.memref_slice %arg10[%add3A_486, %dma_start3A_491] : memref<80x128xi32, #tpu.memory_space<vmem>> -> memref<1x128xi32, #tpu.memory_space<vmem>>
            %dma_start3A_493 = tpu.memref_squeeze %dma_start3A_492 : memref<1x128xi32, #tpu.memory_space<vmem>> -> memref<128xi32, #tpu.memory_space<vmem>>
            %dma_start3A_494 = arith.constant 0 : i32
            %dma_start3A_495 = arith.constant 0 : i32
            %dma_start3A_496 = tpu.memref_slice %arg4[%dma_start3A_494, %dma_start3A_495] : memref<10240x128xf32, #tpu.memory_space<hbm>> -> memref<10240x128xf32, #tpu.memory_space<hbm>>
            %dma_start3A_497 = tpu.memref_slice %arg17[%sub3A_451] : memref<2x!tpu.dma_semaphore, #tpu.memory_space<semaphore_mem>> -> memref<1x!tpu.dma_semaphore, #tpu.memory_space<semaphore_mem>>
            %dma_start3A_498 = tpu.memref_squeeze %dma_start3A_497 : memref<1x!tpu.dma_semaphore, #tpu.memory_space<semaphore_mem>> -> memref<!tpu.dma_semaphore, #tpu.memory_space<semaphore_mem>>
            tpu.enqueue_indirect_dma source(%dma_start3A_496 : memref<10240x128xf32, #tpu.memory_space<hbm>>) target(%dma_start3A_490 : memref<128x128xf32, #tpu.memory_space<vmem>>) offsets(%dma_start3A_493 : memref<128xi32, #tpu.memory_space<vmem>>) semaphore(%dma_start3A_498 : memref<!tpu.dma_semaphore, #tpu.memory_space<semaphore_mem>>)
          } else {
          }
          %dma_wait3A = arith.constant 0 : i32
          %dma_wait3A_463 = arith.constant 0 : i32
          %dma_wait3A_464 = tpu.memref_slice %arg12[%rem3A_450, %dma_wait3A, %dma_wait3A_463] : memref<2x128x128xf32, #tpu.memory_space<vmem>> -> memref<1x128x128xf32, #tpu.memory_space<vmem>>
          %dma_wait3A_465 = tpu.memref_squeeze %dma_wait3A_464 : memref<1x128x128xf32, #tpu.memory_space<vmem>> -> memref<128x128xf32, #tpu.memory_space<vmem>>
          %dma_wait3A_466 = arith.constant 0 : i32
          %dma_wait3A_467 = tpu.memref_slice %arg10[%scan3A_443, %dma_wait3A_466] : memref<80x128xi32, #tpu.memory_space<vmem>> -> memref<1x128xi32, #tpu.memory_space<vmem>>
          %dma_wait3A_468 = tpu.memref_squeeze %dma_wait3A_467 : memref<1x128xi32, #tpu.memory_space<vmem>> -> memref<128xi32, #tpu.memory_space<vmem>>
          %dma_wait3A_469 = arith.constant 0 : i32
          %dma_wait3A_470 = arith.constant 0 : i32
          %dma_wait3A_471 = tpu.memref_slice %arg4[%dma_wait3A_469, %dma_wait3A_470] : memref<10240x128xf32, #tpu.memory_space<hbm>> -> memref<10240x128xf32, #tpu.memory_space<hbm>>
          %dma_wait3A_472 = tpu.memref_slice %arg17[%rem3A_450] : memref<2x!tpu.dma_semaphore, #tpu.memory_space<semaphore_mem>> -> memref<1x!tpu.dma_semaphore, #tpu.memory_space<semaphore_mem>>
          %dma_wait3A_473 = tpu.memref_squeeze %dma_wait3A_472 : memref<1x!tpu.dma_semaphore, #tpu.memory_space<semaphore_mem>> -> memref<!tpu.dma_semaphore, #tpu.memory_space<semaphore_mem>>
          tpu.wait_indirect_dma semaphore(%dma_wait3A_473 : memref<!tpu.dma_semaphore, #tpu.memory_space<semaphore_mem>>) src(%dma_wait3A_471 : memref<10240x128xf32, #tpu.memory_space<hbm>>) dst(%dma_wait3A_465 : memref<128x128xf32, #tpu.memory_space<vmem>>)
          %dma_start3A = arith.constant 0 : i32
          %dma_start3A_474 = arith.constant 0 : i32
          %dma_start3A_475 = tpu.memref_slice %arg12[%rem3A_450, %dma_start3A, %dma_start3A_474] : memref<2x128x128xf32, #tpu.memory_space<vmem>> -> memref<1x128x128xf32, #tpu.memory_space<vmem>>
          %dma_start3A_476 = tpu.memref_squeeze %dma_start3A_475 : memref<1x128x128xf32, #tpu.memory_space<vmem>> -> memref<128x128xf32, #tpu.memory_space<vmem>>
          %dma_start3A_477 = arith.constant 0 : i32
          %dma_start3A_478 = tpu.memref_slice %arg11[%scan3A_443, %dma_start3A_477] : memref<80x128xi32, #tpu.memory_space<vmem>> -> memref<1x128xi32, #tpu.memory_space<vmem>>
          %dma_start3A_479 = tpu.memref_squeeze %dma_start3A_478 : memref<1x128xi32, #tpu.memory_space<vmem>> -> memref<128xi32, #tpu.memory_space<vmem>>
          %dma_start3A_480 = arith.constant 0 : i32
          %dma_start3A_481 = arith.constant 0 : i32
          %dma_start3A_482 = tpu.memref_slice %arg16[%dma_start3A_480, %dma_start3A_481] : memref<5128x128xf32, #tpu.memory_space<vmem_shared>> -> memref<5128x128xf32, #tpu.memory_space<vmem_shared>>
          %dma_start3A_483 = tpu.memref_slice %arg18[%rem3A_450] : memref<2x!tpu.dma_semaphore, #tpu.memory_space<semaphore_mem>> -> memref<1x!tpu.dma_semaphore, #tpu.memory_space<semaphore_mem>>
          %dma_start3A_484 = tpu.memref_squeeze %dma_start3A_483 : memref<1x!tpu.dma_semaphore, #tpu.memory_space<semaphore_mem>> -> memref<!tpu.dma_semaphore, #tpu.memory_space<semaphore_mem>>
          tpu.enqueue_indirect_dma source(%dma_start3A_476 : memref<128x128xf32, #tpu.memory_space<vmem>>) target(%dma_start3A_482 : memref<5128x128xf32, #tpu.memory_space<vmem_shared>>) offsets(%dma_start3A_479 : memref<128xi32, #tpu.memory_space<vmem>>) semaphore(%dma_start3A_484 : memref<!tpu.dma_semaphore, #tpu.memory_space<semaphore_mem>>) {add = true}
        } else {
        }
        %scan3A_449 = arith.constant 0 : i32
        scf.yield %scan3A_449 : i32
      }
      %scan3A_437 = arith.constant 80 : i32
      %ge3A_438 = arith.constant 1 : i32
      %ge3A_439 = arith.cmpi sge, %shift_right_logical3A_336, %ge3A_438 : i32
      %convert_element_type3A_440 = arith.extui %ge3A_439 : i1 to i32
      %cond3A_441 = arith.constant 0 : i32
      %cond3A_442 = arith.cmpi ne, %convert_element_type3A_440, %cond3A_441 : i32
      scf.if %cond3A_442 {
        %sub3A = arith.constant 1 : i32
        %sub3A_443 = arith.subi %shift_right_logical3A_336, %sub3A : i32
        %sub3A_444 = arith.constant 1 : i32
        %sub3A_445 = arith.subi %shift_right_logical3A_336, %sub3A_444 : i32
        %rem3A = arith.constant 2 : i32
        %rem3A_446 = arith.remsi %sub3A_445, %rem3A : i32
        %dma_wait3A = arith.constant 0 : i32
        %dma_wait3A_447 = arith.constant 0 : i32
        %dma_wait3A_448 = tpu.memref_slice %arg12[%rem3A_446, %dma_wait3A, %dma_wait3A_447] : memref<2x128x128xf32, #tpu.memory_space<vmem>> -> memref<1x128x128xf32, #tpu.memory_space<vmem>>
        %dma_wait3A_449 = tpu.memref_squeeze %dma_wait3A_448 : memref<1x128x128xf32, #tpu.memory_space<vmem>> -> memref<128x128xf32, #tpu.memory_space<vmem>>
        %dma_wait3A_450 = arith.constant 0 : i32
        %dma_wait3A_451 = tpu.memref_slice %arg11[%sub3A_443, %dma_wait3A_450] : memref<80x128xi32, #tpu.memory_space<vmem>> -> memref<1x128xi32, #tpu.memory_space<vmem>>
        %dma_wait3A_452 = tpu.memref_squeeze %dma_wait3A_451 : memref<1x128xi32, #tpu.memory_space<vmem>> -> memref<128xi32, #tpu.memory_space<vmem>>
        %dma_wait3A_453 = arith.constant 0 : i32
        %dma_wait3A_454 = arith.constant 0 : i32
        %dma_wait3A_455 = tpu.memref_slice %arg16[%dma_wait3A_453, %dma_wait3A_454] : memref<5128x128xf32, #tpu.memory_space<vmem_shared>> -> memref<5128x128xf32, #tpu.memory_space<vmem_shared>>
        %dma_wait3A_456 = tpu.memref_slice %arg18[%rem3A_446] : memref<2x!tpu.dma_semaphore, #tpu.memory_space<semaphore_mem>> -> memref<1x!tpu.dma_semaphore, #tpu.memory_space<semaphore_mem>>
        %dma_wait3A_457 = tpu.memref_squeeze %dma_wait3A_456 : memref<1x!tpu.dma_semaphore, #tpu.memory_space<semaphore_mem>> -> memref<!tpu.dma_semaphore, #tpu.memory_space<semaphore_mem>>
        tpu.wait_indirect_dma semaphore(%dma_wait3A_457 : memref<!tpu.dma_semaphore, #tpu.memory_space<semaphore_mem>>) src(%dma_wait3A_449 : memref<128x128xf32, #tpu.memory_space<vmem>>) dst(%dma_wait3A_455 : memref<5128x128xf32, #tpu.memory_space<vmem_shared>>)
      } else {
      }
    } else {
    }
    %eq3A_410 = arith.constant 1 : i32
    %eq3A_411 = arith.cmpi eq, %arg0, %eq3A_410 : i32
    %convert_element_type3A_412 = arith.extui %eq3A_411 : i1 to i32
    %cond3A_413 = arith.constant 0 : i32
    %cond3A_414 = arith.cmpi ne, %convert_element_type3A_412, %cond3A_413 : i32
    scf.if %cond3A_414 {
      %ge3A_426 = arith.constant 1 : i32
      %ge3A_427 = arith.cmpi sge, %shift_right_logical3A_336, %ge3A_426 : i32
      %convert_element_type3A_428 = arith.extui %ge3A_427 : i1 to i32
      %cond3A_429 = arith.constant 0 : i32
      %cond3A_430 = arith.cmpi ne, %convert_element_type3A_428, %cond3A_429 : i32
      scf.if %cond3A_430 {
        %dma_start3A = arith.constant 0 : i32
        %dma_start3A_443 = arith.constant 0 : i32
        %dma_start3A_444 = arith.constant 0 : i32
        %dma_start3A_445 = arith.constant 0 : i32
        %dma_start3A_446 = arith.constant 0 : i32
        %dma_start3A_447 = tpu.memref_slice %arg12[%dma_start3A_443, %dma_start3A_445, %dma_start3A_446] : memref<2x128x128xf32, #tpu.memory_space<vmem>> -> memref<1x128x128xf32, #tpu.memory_space<vmem>>
        %dma_start3A_448 = tpu.memref_squeeze %dma_start3A_447 : memref<1x128x128xf32, #tpu.memory_space<vmem>> -> memref<128x128xf32, #tpu.memory_space<vmem>>
        %dma_start3A_449 = arith.constant 0 : i32
        %dma_start3A_450 = tpu.memref_slice %arg10[%dma_start3A, %dma_start3A_449] : memref<80x128xi32, #tpu.memory_space<vmem>> -> memref<1x128xi32, #tpu.memory_space<vmem>>
        %dma_start3A_451 = tpu.memref_squeeze %dma_start3A_450 : memref<1x128xi32, #tpu.memory_space<vmem>> -> memref<128xi32, #tpu.memory_space<vmem>>
        %dma_start3A_452 = arith.constant 0 : i32
        %dma_start3A_453 = arith.constant 0 : i32
        %dma_start3A_454 = tpu.memref_slice %arg5[%dma_start3A_452, %dma_start3A_453] : memref<10240x128xf32, #tpu.memory_space<hbm>> -> memref<10240x128xf32, #tpu.memory_space<hbm>>
        %dma_start3A_455 = tpu.memref_slice %arg17[%dma_start3A_444] : memref<2x!tpu.dma_semaphore, #tpu.memory_space<semaphore_mem>> -> memref<1x!tpu.dma_semaphore, #tpu.memory_space<semaphore_mem>>
        %dma_start3A_456 = tpu.memref_squeeze %dma_start3A_455 : memref<1x!tpu.dma_semaphore, #tpu.memory_space<semaphore_mem>> -> memref<!tpu.dma_semaphore, #tpu.memory_space<semaphore_mem>>
        tpu.enqueue_indirect_dma source(%dma_start3A_454 : memref<10240x128xf32, #tpu.memory_space<hbm>>) target(%dma_start3A_448 : memref<128x128xf32, #tpu.memory_space<vmem>>) offsets(%dma_start3A_451 : memref<128xi32, #tpu.memory_space<vmem>>) semaphore(%dma_start3A_456 : memref<!tpu.dma_semaphore, #tpu.memory_space<semaphore_mem>>)
      } else {
      }
      %scan3A_431 = arith.constant 0 : i32
      %scan3A_432 = arith.constant 0 : i32
      %scan3A_433 = arith.constant 80 : i32
      %scan3A_434 = arith.addi %scan3A_432, %scan3A_433 : i32
      %scan3A_435 = arith.constant 1 : i32
      %scan3A_436 = scf.for %scan3A_443 = %scan3A_432 to %scan3A_434 step %scan3A_435 iter_args(%scan3A_444 = %scan3A_431) -> (i32)  : i32 {
        %lt3A_445 = arith.cmpi slt, %scan3A_443, %shift_right_logical3A_336 : i32
        %convert_element_type3A_446 = arith.extui %lt3A_445 : i1 to i32
        %cond3A_447 = arith.constant 0 : i32
        %cond3A_448 = arith.cmpi ne, %convert_element_type3A_446, %cond3A_447 : i32
        scf.if %cond3A_448 {
          %rem3A = arith.constant 2 : i32
          %rem3A_450 = arith.remsi %scan3A_443, %rem3A : i32
          %sub3A = arith.constant 1 : i32
          %sub3A_451 = arith.subi %sub3A, %rem3A_450 : i32
          %ge3A_452 = arith.constant 1 : i32
          %ge3A_453 = arith.cmpi sge, %scan3A_443, %ge3A_452 : i32
          %convert_element_type3A_454 = arith.extui %ge3A_453 : i1 to i32
          %cond3A_455 = arith.constant 0 : i32
          %cond3A_456 = arith.cmpi ne, %convert_element_type3A_454, %cond3A_455 : i32
          scf.if %cond3A_456 {
            %sub3A_485 = arith.constant 1 : i32
            %sub3A_486 = arith.subi %scan3A_443, %sub3A_485 : i32
            %dma_wait3A_487 = arith.constant 0 : i32
            %dma_wait3A_488 = arith.constant 0 : i32
            %dma_wait3A_489 = tpu.memref_slice %arg12[%sub3A_451, %dma_wait3A_487, %dma_wait3A_488] : memref<2x128x128xf32, #tpu.memory_space<vmem>> -> memref<1x128x128xf32, #tpu.memory_space<vmem>>
            %dma_wait3A_490 = tpu.memref_squeeze %dma_wait3A_489 : memref<1x128x128xf32, #tpu.memory_space<vmem>> -> memref<128x128xf32, #tpu.memory_space<vmem>>
            %dma_wait3A_491 = arith.constant 0 : i32
            %dma_wait3A_492 = tpu.memref_slice %arg11[%sub3A_486, %dma_wait3A_491] : memref<80x128xi32, #tpu.memory_space<vmem>> -> memref<1x128xi32, #tpu.memory_space<vmem>>
            %dma_wait3A_493 = tpu.memref_squeeze %dma_wait3A_492 : memref<1x128xi32, #tpu.memory_space<vmem>> -> memref<128xi32, #tpu.memory_space<vmem>>
            %dma_wait3A_494 = arith.constant 0 : i32
            %dma_wait3A_495 = arith.constant 0 : i32
            %dma_wait3A_496 = tpu.memref_slice %arg16[%dma_wait3A_494, %dma_wait3A_495] : memref<5128x128xf32, #tpu.memory_space<vmem_shared>> -> memref<5128x128xf32, #tpu.memory_space<vmem_shared>>
            %dma_wait3A_497 = tpu.memref_slice %arg18[%sub3A_451] : memref<2x!tpu.dma_semaphore, #tpu.memory_space<semaphore_mem>> -> memref<1x!tpu.dma_semaphore, #tpu.memory_space<semaphore_mem>>
            %dma_wait3A_498 = tpu.memref_squeeze %dma_wait3A_497 : memref<1x!tpu.dma_semaphore, #tpu.memory_space<semaphore_mem>> -> memref<!tpu.dma_semaphore, #tpu.memory_space<semaphore_mem>>
            tpu.wait_indirect_dma semaphore(%dma_wait3A_498 : memref<!tpu.dma_semaphore, #tpu.memory_space<semaphore_mem>>) src(%dma_wait3A_490 : memref<128x128xf32, #tpu.memory_space<vmem>>) dst(%dma_wait3A_496 : memref<5128x128xf32, #tpu.memory_space<vmem_shared>>)
          } else {
          }
          %add3A_457 = arith.constant 1 : i32
          %add3A_458 = arith.addi %scan3A_443, %add3A_457 : i32
          %lt3A_459 = arith.cmpi slt, %add3A_458, %shift_right_logical3A_336 : i32
          %convert_element_type3A_460 = arith.extui %lt3A_459 : i1 to i32
          %cond3A_461 = arith.constant 0 : i32
          %cond3A_462 = arith.cmpi ne, %convert_element_type3A_460, %cond3A_461 : i32
          scf.if %cond3A_462 {
            %add3A_485 = arith.constant 1 : i32
            %add3A_486 = arith.addi %scan3A_443, %add3A_485 : i32
            %dma_start3A_487 = arith.constant 0 : i32
            %dma_start3A_488 = arith.constant 0 : i32
            %dma_start3A_489 = tpu.memref_slice %arg12[%sub3A_451, %dma_start3A_487, %dma_start3A_488] : memref<2x128x128xf32, #tpu.memory_space<vmem>> -> memref<1x128x128xf32, #tpu.memory_space<vmem>>
            %dma_start3A_490 = tpu.memref_squeeze %dma_start3A_489 : memref<1x128x128xf32, #tpu.memory_space<vmem>> -> memref<128x128xf32, #tpu.memory_space<vmem>>
            %dma_start3A_491 = arith.constant 0 : i32
            %dma_start3A_492 = tpu.memref_slice %arg10[%add3A_486, %dma_start3A_491] : memref<80x128xi32, #tpu.memory_space<vmem>> -> memref<1x128xi32, #tpu.memory_space<vmem>>
            %dma_start3A_493 = tpu.memref_squeeze %dma_start3A_492 : memref<1x128xi32, #tpu.memory_space<vmem>> -> memref<128xi32, #tpu.memory_space<vmem>>
            %dma_start3A_494 = arith.constant 0 : i32
            %dma_start3A_495 = arith.constant 0 : i32
            %dma_start3A_496 = tpu.memref_slice %arg5[%dma_start3A_494, %dma_start3A_495] : memref<10240x128xf32, #tpu.memory_space<hbm>> -> memref<10240x128xf32, #tpu.memory_space<hbm>>
            %dma_start3A_497 = tpu.memref_slice %arg17[%sub3A_451] : memref<2x!tpu.dma_semaphore, #tpu.memory_space<semaphore_mem>> -> memref<1x!tpu.dma_semaphore, #tpu.memory_space<semaphore_mem>>
            %dma_start3A_498 = tpu.memref_squeeze %dma_start3A_497 : memref<1x!tpu.dma_semaphore, #tpu.memory_space<semaphore_mem>> -> memref<!tpu.dma_semaphore, #tpu.memory_space<semaphore_mem>>
            tpu.enqueue_indirect_dma source(%dma_start3A_496 : memref<10240x128xf32, #tpu.memory_space<hbm>>) target(%dma_start3A_490 : memref<128x128xf32, #tpu.memory_space<vmem>>) offsets(%dma_start3A_493 : memref<128xi32, #tpu.memory_space<vmem>>) semaphore(%dma_start3A_498 : memref<!tpu.dma_semaphore, #tpu.memory_space<semaphore_mem>>)
          } else {
          }
          %dma_wait3A = arith.constant 0 : i32
          %dma_wait3A_463 = arith.constant 0 : i32
          %dma_wait3A_464 = tpu.memref_slice %arg12[%rem3A_450, %dma_wait3A, %dma_wait3A_463] : memref<2x128x128xf32, #tpu.memory_space<vmem>> -> memref<1x128x128xf32, #tpu.memory_space<vmem>>
          %dma_wait3A_465 = tpu.memref_squeeze %dma_wait3A_464 : memref<1x128x128xf32, #tpu.memory_space<vmem>> -> memref<128x128xf32, #tpu.memory_space<vmem>>
          %dma_wait3A_466 = arith.constant 0 : i32
          %dma_wait3A_467 = tpu.memref_slice %arg10[%scan3A_443, %dma_wait3A_466] : memref<80x128xi32, #tpu.memory_space<vmem>> -> memref<1x128xi32, #tpu.memory_space<vmem>>
          %dma_wait3A_468 = tpu.memref_squeeze %dma_wait3A_467 : memref<1x128xi32, #tpu.memory_space<vmem>> -> memref<128xi32, #tpu.memory_space<vmem>>
          %dma_wait3A_469 = arith.constant 0 : i32
          %dma_wait3A_470 = arith.constant 0 : i32
          %dma_wait3A_471 = tpu.memref_slice %arg5[%dma_wait3A_469, %dma_wait3A_470] : memref<10240x128xf32, #tpu.memory_space<hbm>> -> memref<10240x128xf32, #tpu.memory_space<hbm>>
          %dma_wait3A_472 = tpu.memref_slice %arg17[%rem3A_450] : memref<2x!tpu.dma_semaphore, #tpu.memory_space<semaphore_mem>> -> memref<1x!tpu.dma_semaphore, #tpu.memory_space<semaphore_mem>>
          %dma_wait3A_473 = tpu.memref_squeeze %dma_wait3A_472 : memref<1x!tpu.dma_semaphore, #tpu.memory_space<semaphore_mem>> -> memref<!tpu.dma_semaphore, #tpu.memory_space<semaphore_mem>>
          tpu.wait_indirect_dma semaphore(%dma_wait3A_473 : memref<!tpu.dma_semaphore, #tpu.memory_space<semaphore_mem>>) src(%dma_wait3A_471 : memref<10240x128xf32, #tpu.memory_space<hbm>>) dst(%dma_wait3A_465 : memref<128x128xf32, #tpu.memory_space<vmem>>)
          %dma_start3A = arith.constant 0 : i32
          %dma_start3A_474 = arith.constant 0 : i32
          %dma_start3A_475 = tpu.memref_slice %arg12[%rem3A_450, %dma_start3A, %dma_start3A_474] : memref<2x128x128xf32, #tpu.memory_space<vmem>> -> memref<1x128x128xf32, #tpu.memory_space<vmem>>
          %dma_start3A_476 = tpu.memref_squeeze %dma_start3A_475 : memref<1x128x128xf32, #tpu.memory_space<vmem>> -> memref<128x128xf32, #tpu.memory_space<vmem>>
          %dma_start3A_477 = arith.constant 0 : i32
          %dma_start3A_478 = tpu.memref_slice %arg11[%scan3A_443, %dma_start3A_477] : memref<80x128xi32, #tpu.memory_space<vmem>> -> memref<1x128xi32, #tpu.memory_space<vmem>>
          %dma_start3A_479 = tpu.memref_squeeze %dma_start3A_478 : memref<1x128xi32, #tpu.memory_space<vmem>> -> memref<128xi32, #tpu.memory_space<vmem>>
          %dma_start3A_480 = arith.constant 0 : i32
          %dma_start3A_481 = arith.constant 0 : i32
          %dma_start3A_482 = tpu.memref_slice %arg16[%dma_start3A_480, %dma_start3A_481] : memref<5128x128xf32, #tpu.memory_space<vmem_shared>> -> memref<5128x128xf32, #tpu.memory_space<vmem_shared>>
          %dma_start3A_483 = tpu.memref_slice %arg18[%rem3A_450] : memref<2x!tpu.dma_semaphore, #tpu.memory_space<semaphore_mem>> -> memref<1x!tpu.dma_semaphore, #tpu.memory_space<semaphore_mem>>
          %dma_start3A_484 = tpu.memref_squeeze %dma_start3A_483 : memref<1x!tpu.dma_semaphore, #tpu.memory_space<semaphore_mem>> -> memref<!tpu.dma_semaphore, #tpu.memory_space<semaphore_mem>>
          tpu.enqueue_indirect_dma source(%dma_start3A_476 : memref<128x128xf32, #tpu.memory_space<vmem>>) target(%dma_start3A_482 : memref<5128x128xf32, #tpu.memory_space<vmem_shared>>) offsets(%dma_start3A_479 : memref<128xi32, #tpu.memory_space<vmem>>) semaphore(%dma_start3A_484 : memref<!tpu.dma_semaphore, #tpu.memory_space<semaphore_mem>>) {add = true}
        } else {
        }
        %scan3A_449 = arith.constant 0 : i32
        scf.yield %scan3A_449 : i32
      }
      %scan3A_437 = arith.constant 80 : i32
      %ge3A_438 = arith.constant 1 : i32
      %ge3A_439 = arith.cmpi sge, %shift_right_logical3A_336, %ge3A_438 : i32
      %convert_element_type3A_440 = arith.extui %ge3A_439 : i1 to i32
      %cond3A_441 = arith.constant 0 : i32
      %cond3A_442 = arith.cmpi ne, %convert_element_type3A_440, %cond3A_441 : i32
      scf.if %cond3A_442 {
        %sub3A = arith.constant 1 : i32
        %sub3A_443 = arith.subi %shift_right_logical3A_336, %sub3A : i32
        %sub3A_444 = arith.constant 1 : i32
        %sub3A_445 = arith.subi %shift_right_logical3A_336, %sub3A_444 : i32
        %rem3A = arith.constant 2 : i32
        %rem3A_446 = arith.remsi %sub3A_445, %rem3A : i32
        %dma_wait3A = arith.constant 0 : i32
        %dma_wait3A_447 = arith.constant 0 : i32
        %dma_wait3A_448 = tpu.memref_slice %arg12[%rem3A_446, %dma_wait3A, %dma_wait3A_447] : memref<2x128x128xf32, #tpu.memory_space<vmem>> -> memref<1x128x128xf32, #tpu.memory_space<vmem>>
        %dma_wait3A_449 = tpu.memref_squeeze %dma_wait3A_448 : memref<1x128x128xf32, #tpu.memory_space<vmem>> -> memref<128x128xf32, #tpu.memory_space<vmem>>
        %dma_wait3A_450 = arith.constant 0 : i32
        %dma_wait3A_451 = tpu.memref_slice %arg11[%sub3A_443, %dma_wait3A_450] : memref<80x128xi32, #tpu.memory_space<vmem>> -> memref<1x128xi32, #tpu.memory_space<vmem>>
        %dma_wait3A_452 = tpu.memref_squeeze %dma_wait3A_451 : memref<1x128xi32, #tpu.memory_space<vmem>> -> memref<128xi32, #tpu.memory_space<vmem>>
        %dma_wait3A_453 = arith.constant 0 : i32
        %dma_wait3A_454 = arith.constant 0 : i32
        %dma_wait3A_455 = tpu.memref_slice %arg16[%dma_wait3A_453, %dma_wait3A_454] : memref<5128x128xf32, #tpu.memory_space<vmem_shared>> -> memref<5128x128xf32, #tpu.memory_space<vmem_shared>>
        %dma_wait3A_456 = tpu.memref_slice %arg18[%rem3A_446] : memref<2x!tpu.dma_semaphore, #tpu.memory_space<semaphore_mem>> -> memref<1x!tpu.dma_semaphore, #tpu.memory_space<semaphore_mem>>
        %dma_wait3A_457 = tpu.memref_squeeze %dma_wait3A_456 : memref<1x!tpu.dma_semaphore, #tpu.memory_space<semaphore_mem>> -> memref<!tpu.dma_semaphore, #tpu.memory_space<semaphore_mem>>
        tpu.wait_indirect_dma semaphore(%dma_wait3A_457 : memref<!tpu.dma_semaphore, #tpu.memory_space<semaphore_mem>>) src(%dma_wait3A_449 : memref<128x128xf32, #tpu.memory_space<vmem>>) dst(%dma_wait3A_455 : memref<5128x128xf32, #tpu.memory_space<vmem_shared>>)
      } else {
      }
    } else {
    }
    %barrier3A_415 = arith.constant 0 : index
    tpu.barrier barrier_id(%barrier3A_415)
    %eq3A_416 = arith.constant 0 : i32
    %eq3A_417 = arith.cmpi eq, %arg0, %eq3A_416 : i32
    %convert_element_type3A_418 = arith.extui %eq3A_417 : i1 to i32
    %cond3A_419 = arith.constant 0 : i32
    %cond3A_420 = arith.cmpi ne, %convert_element_type3A_418, %cond3A_419 : i32
    scf.if %cond3A_420 {
      %mul3A_426 = arith.constant 320 : i32
      %mul3A_427 = arith.muli %arg1, %mul3A_426 : i32
      %mul3A_428 = arith.constant 320 : i32
      %mul3A_429 = arith.muli %arg1, %mul3A_428 : i32
      %add3A_430 = arith.constant 5120 : i32
      %add3A_431 = arith.addi %add3A_430, %mul3A_429 : i32
      "tpu.region"() ({
        %run_scoped3A = tpu.sem_alloc : memref<!tpu.dma_semaphore, #tpu.memory_space<semaphore_mem>>
        %dma_start3A = arith.constant 0 : i32
        %dma_start3A_432 = tpu.memref_slice %arg6[%add3A_431, %dma_start3A] : memref<10240x128xf32, #tpu.memory_space<hbm>> -> memref<320x128xf32, #tpu.memory_space<hbm>>
        %dma_start3A_433 = arith.constant 0 : i32
        %dma_start3A_434 = tpu.memref_slice %arg16[%mul3A_427, %dma_start3A_433] : memref<5128x128xf32, #tpu.memory_space<vmem_shared>> -> memref<320x128xf32, #tpu.memory_space<vmem_shared>>
        tpu.enqueue_dma source(%dma_start3A_434 : memref<320x128xf32, #tpu.memory_space<vmem_shared>>) target(%dma_start3A_432 : memref<320x128xf32, #tpu.memory_space<hbm>>) target_semaphore(%run_scoped3A : memref<!tpu.dma_semaphore, #tpu.memory_space<semaphore_mem>>)
        %dma_wait3A = arith.constant 0 : i32
        %dma_wait3A_435 = tpu.memref_slice %arg6[%add3A_431, %dma_wait3A] : memref<10240x128xf32, #tpu.memory_space<hbm>> -> memref<320x128xf32, #tpu.memory_space<hbm>>
        %dma_wait3A_436 = arith.constant 0 : i32
        %dma_wait3A_437 = tpu.memref_slice %arg16[%mul3A_427, %dma_wait3A_436] : memref<5128x128xf32, #tpu.memory_space<vmem_shared>> -> memref<320x128xf32, #tpu.memory_space<vmem_shared>>
        tpu.wait_dma2 semaphore(%run_scoped3A : memref<!tpu.dma_semaphore, #tpu.memory_space<semaphore_mem>>) src(%dma_wait3A_437 : memref<320x128xf32, #tpu.memory_space<vmem_shared>>) dst(%dma_wait3A_435 : memref<320x128xf32, #tpu.memory_space<hbm>>)
        tpu.yield
      }) : () -> ()
    } else {
    }
    %eq3A_421 = arith.constant 1 : i32
    %eq3A_422 = arith.cmpi eq, %arg0, %eq3A_421 : i32
    %convert_element_type3A_423 = arith.extui %eq3A_422 : i1 to i32
    %cond3A_424 = arith.constant 0 : i32
    %cond3A_425 = arith.cmpi ne, %convert_element_type3A_423, %cond3A_424 : i32
    scf.if %cond3A_425 {
      %mul3A_426 = arith.constant 320 : i32
      %mul3A_427 = arith.muli %arg1, %mul3A_426 : i32
      %mul3A_428 = arith.constant 320 : i32
      %mul3A_429 = arith.muli %arg1, %mul3A_428 : i32
      %add3A_430 = arith.constant 5120 : i32
      %add3A_431 = arith.addi %add3A_430, %mul3A_429 : i32
      "tpu.region"() ({
        %run_scoped3A = tpu.sem_alloc : memref<!tpu.dma_semaphore, #tpu.memory_space<semaphore_mem>>
        %dma_start3A = arith.constant 0 : i32
        %dma_start3A_432 = tpu.memref_slice %arg7[%add3A_431, %dma_start3A] : memref<10240x128xf32, #tpu.memory_space<hbm>> -> memref<320x128xf32, #tpu.memory_space<hbm>>
        %dma_start3A_433 = arith.constant 0 : i32
        %dma_start3A_434 = tpu.memref_slice %arg16[%mul3A_427, %dma_start3A_433] : memref<5128x128xf32, #tpu.memory_space<vmem_shared>> -> memref<320x128xf32, #tpu.memory_space<vmem_shared>>
        tpu.enqueue_dma source(%dma_start3A_434 : memref<320x128xf32, #tpu.memory_space<vmem_shared>>) target(%dma_start3A_432 : memref<320x128xf32, #tpu.memory_space<hbm>>) target_semaphore(%run_scoped3A : memref<!tpu.dma_semaphore, #tpu.memory_space<semaphore_mem>>)
        %dma_wait3A = arith.constant 0 : i32
        %dma_wait3A_435 = tpu.memref_slice %arg7[%add3A_431, %dma_wait3A] : memref<10240x128xf32, #tpu.memory_space<hbm>> -> memref<320x128xf32, #tpu.memory_space<hbm>>
        %dma_wait3A_436 = arith.constant 0 : i32
        %dma_wait3A_437 = tpu.memref_slice %arg16[%mul3A_427, %dma_wait3A_436] : memref<5128x128xf32, #tpu.memory_space<vmem_shared>> -> memref<320x128xf32, #tpu.memory_space<vmem_shared>>
        tpu.wait_dma2 semaphore(%run_scoped3A : memref<!tpu.dma_semaphore, #tpu.memory_space<semaphore_mem>>) src(%dma_wait3A_437 : memref<320x128xf32, #tpu.memory_space<vmem_shared>>) dst(%dma_wait3A_435 : memref<320x128xf32, #tpu.memory_space<hbm>>)
        tpu.yield
      }) : () -> ()
    } else {
    }
    return
  }
}

#map = affine_map<(d0, d1) -> (0, 0)>
#map1 = affine_map<(d0, d1) -> (0)>
module attributes {stable_mosaic.version = 14 : i64} {
  func.func @_deg_kernel(%arg0: i32, %arg1: i32, %arg2: memref<1280x128xi32, #tpu.memory_space<hbm>>, %arg3: memref<10240xf32, #tpu.memory_space<hbm>>, %arg4: memref<10240xf32, #tpu.memory_space<hbm>>, %arg5: memref<40x128xi32, #tpu.memory_space<vmem>>, %arg6: memref<128xf32, #tpu.memory_space<vmem>>, %arg7: memref<640xf32, #tpu.memory_space<vmem>>, %arg8: memref<10240xf32, #tpu.memory_space<vmem_shared>>) attributes {dimension_semantics = [#tpu.dimension_semantics<core_parallel>, #tpu.dimension_semantics<subcore_parallel>], iteration_bounds = array<i64: 2, 16>, scalar_prefetch = 0 : i64, scratch_operands = 4 : i64, tpu.core_type = #tpu.core_type<sc_vector_subcore>, window_params = [{transform_indices = #map}, {transform_indices = #map1}, {transform_indices = #map1}]} {
    %scan3A = arith.constant 0 : i32
    %scan3A_0 = arith.constant 0 : i32
    %scan3A_1 = arith.constant 40 : i32
    %scan3A_2 = arith.addi %scan3A_0, %scan3A_1 : i32
    %scan3A_3 = arith.constant 1 : i32
    %scan3A_4 = scf.for %scan3A_72 = %scan3A_0 to %scan3A_2 step %scan3A_3 iter_args(%scan3A_73 = %scan3A) -> (i32)  : i32 {
      %broadcast_in_dim3A_74 = arith.constant 0.000000e+00 : f32
      %broadcast_in_dim3A_75 = vector.broadcast %broadcast_in_dim3A_74 : f32 to vector<16xf32>
      %mul3A_76 = arith.constant 16 : i32
      %mul3A_77 = arith.muli %scan3A_72, %mul3A_76 : i32
      %swap3A_78 = arith.index_cast %mul3A_77 : i32 to index
      %swap3A_79 = tpu.vector_load %arg7[%swap3A_78] {strides = array<i32>} : memref<640xf32, #tpu.memory_space<vmem>>, vector<16xf32>,
      %swap3A_80 = vector.shape_cast %swap3A_79 : vector<16xf32> to vector<16xf32>
      %swap3A_81 = vector.shape_cast %broadcast_in_dim3A_75 : vector<16xf32> to vector<16xf32>
      tpu.vector_store %arg7[%swap3A_78], %swap3A_81 {strides = array<i32>} : memref<640xf32, #tpu.memory_space<vmem>>, vector<16xf32>,
      %scan3A_82 = arith.constant 0 : i32
      scf.yield %scan3A_82 : i32
    }
    %scan3A_5 = arith.constant 40 : i32
    %broadcast_in_dim3A = arith.constant 1.000000e+00 : f32
    %broadcast_in_dim3A_6 = vector.broadcast %broadcast_in_dim3A : f32 to vector<16xf32>
    %swap3A = arith.constant 0 : index
    %swap3A_7 = tpu.vector_load %arg6[%swap3A] {strides = array<i32>} : memref<128xf32, #tpu.memory_space<vmem>>, vector<16xf32>,
    %swap3A_8 = vector.shape_cast %swap3A_7 : vector<16xf32> to vector<16xf32>
    %swap3A_9 = vector.shape_cast %broadcast_in_dim3A_6 : vector<16xf32> to vector<16xf32>
    tpu.vector_store %arg6[%swap3A], %swap3A_9 {strides = array<i32>} : memref<128xf32, #tpu.memory_space<vmem>>, vector<16xf32>,
    %broadcast_in_dim3A_10 = arith.constant 1.000000e+00 : f32
    %broadcast_in_dim3A_11 = vector.broadcast %broadcast_in_dim3A_10 : f32 to vector<16xf32>
    %swap3A_12 = arith.constant 16 : index
    %swap3A_13 = tpu.vector_load %arg6[%swap3A_12] {strides = array<i32>} : memref<128xf32, #tpu.memory_space<vmem>>, vector<16xf32>,
    %swap3A_14 = vector.shape_cast %swap3A_13 : vector<16xf32> to vector<16xf32>
    %swap3A_15 = vector.shape_cast %broadcast_in_dim3A_11 : vector<16xf32> to vector<16xf32>
    tpu.vector_store %arg6[%swap3A_12], %swap3A_15 {strides = array<i32>} : memref<128xf32, #tpu.memory_space<vmem>>, vector<16xf32>,
    %broadcast_in_dim3A_16 = arith.constant 1.000000e+00 : f32
    %broadcast_in_dim3A_17 = vector.broadcast %broadcast_in_dim3A_16 : f32 to vector<16xf32>
    %swap3A_18 = arith.constant 32 : index
    %swap3A_19 = tpu.vector_load %arg6[%swap3A_18] {strides = array<i32>} : memref<128xf32, #tpu.memory_space<vmem>>, vector<16xf32>,
    %swap3A_20 = vector.shape_cast %swap3A_19 : vector<16xf32> to vector<16xf32>
    %swap3A_21 = vector.shape_cast %broadcast_in_dim3A_17 : vector<16xf32> to vector<16xf32>
    tpu.vector_store %arg6[%swap3A_18], %swap3A_21 {strides = array<i32>} : memref<128xf32, #tpu.memory_space<vmem>>, vector<16xf32>,
    %broadcast_in_dim3A_22 = arith.constant 1.000000e+00 : f32
    %broadcast_in_dim3A_23 = vector.broadcast %broadcast_in_dim3A_22 : f32 to vector<16xf32>
    %swap3A_24 = arith.constant 48 : index
    %swap3A_25 = tpu.vector_load %arg6[%swap3A_24] {strides = array<i32>} : memref<128xf32, #tpu.memory_space<vmem>>, vector<16xf32>,
    %swap3A_26 = vector.shape_cast %swap3A_25 : vector<16xf32> to vector<16xf32>
    %swap3A_27 = vector.shape_cast %broadcast_in_dim3A_23 : vector<16xf32> to vector<16xf32>
    tpu.vector_store %arg6[%swap3A_24], %swap3A_27 {strides = array<i32>} : memref<128xf32, #tpu.memory_space<vmem>>, vector<16xf32>,
    %broadcast_in_dim3A_28 = arith.constant 1.000000e+00 : f32
    %broadcast_in_dim3A_29 = vector.broadcast %broadcast_in_dim3A_28 : f32 to vector<16xf32>
    %swap3A_30 = arith.constant 64 : index
    %swap3A_31 = tpu.vector_load %arg6[%swap3A_30] {strides = array<i32>} : memref<128xf32, #tpu.memory_space<vmem>>, vector<16xf32>,
    %swap3A_32 = vector.shape_cast %swap3A_31 : vector<16xf32> to vector<16xf32>
    %swap3A_33 = vector.shape_cast %broadcast_in_dim3A_29 : vector<16xf32> to vector<16xf32>
    tpu.vector_store %arg6[%swap3A_30], %swap3A_33 {strides = array<i32>} : memref<128xf32, #tpu.memory_space<vmem>>, vector<16xf32>,
    %broadcast_in_dim3A_34 = arith.constant 1.000000e+00 : f32
    %broadcast_in_dim3A_35 = vector.broadcast %broadcast_in_dim3A_34 : f32 to vector<16xf32>
    %swap3A_36 = arith.constant 80 : index
    %swap3A_37 = tpu.vector_load %arg6[%swap3A_36] {strides = array<i32>} : memref<128xf32, #tpu.memory_space<vmem>>, vector<16xf32>,
    %swap3A_38 = vector.shape_cast %swap3A_37 : vector<16xf32> to vector<16xf32>
    %swap3A_39 = vector.shape_cast %broadcast_in_dim3A_35 : vector<16xf32> to vector<16xf32>
    tpu.vector_store %arg6[%swap3A_36], %swap3A_39 {strides = array<i32>} : memref<128xf32, #tpu.memory_space<vmem>>, vector<16xf32>,
    %broadcast_in_dim3A_40 = arith.constant 1.000000e+00 : f32
    %broadcast_in_dim3A_41 = vector.broadcast %broadcast_in_dim3A_40 : f32 to vector<16xf32>
    %swap3A_42 = arith.constant 96 : index
    %swap3A_43 = tpu.vector_load %arg6[%swap3A_42] {strides = array<i32>} : memref<128xf32, #tpu.memory_space<vmem>>, vector<16xf32>,
    %swap3A_44 = vector.shape_cast %swap3A_43 : vector<16xf32> to vector<16xf32>
    %swap3A_45 = vector.shape_cast %broadcast_in_dim3A_41 : vector<16xf32> to vector<16xf32>
    tpu.vector_store %arg6[%swap3A_42], %swap3A_45 {strides = array<i32>} : memref<128xf32, #tpu.memory_space<vmem>>, vector<16xf32>,
    %broadcast_in_dim3A_46 = arith.constant 1.000000e+00 : f32
    %broadcast_in_dim3A_47 = vector.broadcast %broadcast_in_dim3A_46 : f32 to vector<16xf32>
    %swap3A_48 = arith.constant 112 : index
    %swap3A_49 = tpu.vector_load %arg6[%swap3A_48] {strides = array<i32>} : memref<128xf32, #tpu.memory_space<vmem>>, vector<16xf32>,
    %swap3A_50 = vector.shape_cast %swap3A_49 : vector<16xf32> to vector<16xf32>
    %swap3A_51 = vector.shape_cast %broadcast_in_dim3A_47 : vector<16xf32> to vector<16xf32>
    tpu.vector_store %arg6[%swap3A_48], %swap3A_51 {strides = array<i32>} : memref<128xf32, #tpu.memory_space<vmem>>, vector<16xf32>,
    %mul3A = arith.constant 640 : i32
    %mul3A_52 = arith.muli %arg1, %mul3A : i32
    "tpu.region"() ({
      %run_scoped3A = tpu.sem_alloc : memref<!tpu.dma_semaphore, #tpu.memory_space<semaphore_mem>>
      %dma_start3A = tpu.memref_slice %arg8[%mul3A_52] : memref<10240xf32, #tpu.memory_space<vmem_shared>> -> memref<640xf32, #tpu.memory_space<vmem_shared>>
      %dma_start3A_72 = tpu.memref_slice %arg8[%mul3A_52] : memref<10240xf32, #tpu.memory_space<vmem_shared>> -> memref<640xf32, #tpu.memory_space<vmem_shared>>
      tpu.enqueue_dma source(%arg7 : memref<640xf32, #tpu.memory_space<vmem>>) target(%dma_start3A_72 : memref<640xf32, #tpu.memory_space<vmem_shared>>) target_semaphore(%run_scoped3A : memref<!tpu.dma_semaphore, #tpu.memory_space<semaphore_mem>>)
      %dma_wait3A = tpu.memref_slice %arg8[%mul3A_52] : memref<10240xf32, #tpu.memory_space<vmem_shared>> -> memref<640xf32, #tpu.memory_space<vmem_shared>>
      %dma_wait3A_73 = tpu.memref_slice %arg8[%mul3A_52] : memref<10240xf32, #tpu.memory_space<vmem_shared>> -> memref<640xf32, #tpu.memory_space<vmem_shared>>
      tpu.wait_dma2 semaphore(%run_scoped3A : memref<!tpu.dma_semaphore, #tpu.memory_space<semaphore_mem>>) src(%arg7 : memref<640xf32, #tpu.memory_space<vmem>>) dst(%dma_wait3A_73 : memref<640xf32, #tpu.memory_space<vmem_shared>>)
      tpu.yield
    }) : () -> ()
    %mul3A_53 = arith.constant 16 : i32
    %mul3A_54 = arith.muli %arg0, %mul3A_53 : i32
    %add3A = arith.addi %mul3A_54, %arg1 : i32
    %mul3A_55 = arith.constant 40 : i32
    %mul3A_56 = arith.muli %add3A, %mul3A_55 : i32
    "tpu.region"() ({
      %run_scoped3A = tpu.sem_alloc : memref<!tpu.dma_semaphore, #tpu.memory_space<semaphore_mem>>
      %dma_start3A = arith.constant 0 : i32
      %dma_start3A_72 = tpu.memref_slice %arg2[%mul3A_56, %dma_start3A] : memref<1280x128xi32, #tpu.memory_space<hbm>> -> memref<40x128xi32, #tpu.memory_space<hbm>>
      %dma_start3A_73 = arith.constant 0 : i32
      %dma_start3A_74 = tpu.memref_slice %arg2[%mul3A_56, %dma_start3A_73] : memref<1280x128xi32, #tpu.memory_space<hbm>> -> memref<40x128xi32, #tpu.memory_space<hbm>>
      tpu.enqueue_dma source(%dma_start3A_74 : memref<40x128xi32, #tpu.memory_space<hbm>>) target(%arg5 : memref<40x128xi32, #tpu.memory_space<vmem>>) target_semaphore(%run_scoped3A : memref<!tpu.dma_semaphore, #tpu.memory_space<semaphore_mem>>)
      %dma_wait3A = arith.constant 0 : i32
      %dma_wait3A_75 = tpu.memref_slice %arg2[%mul3A_56, %dma_wait3A] : memref<1280x128xi32, #tpu.memory_space<hbm>> -> memref<40x128xi32, #tpu.memory_space<hbm>>
      %dma_wait3A_76 = arith.constant 0 : i32
      %dma_wait3A_77 = tpu.memref_slice %arg2[%mul3A_56, %dma_wait3A_76] : memref<1280x128xi32, #tpu.memory_space<hbm>> -> memref<40x128xi32, #tpu.memory_space<hbm>>
      tpu.wait_dma2 semaphore(%run_scoped3A : memref<!tpu.dma_semaphore, #tpu.memory_space<semaphore_mem>>) src(%dma_wait3A_77 : memref<40x128xi32, #tpu.memory_space<hbm>>) dst(%arg5 : memref<40x128xi32, #tpu.memory_space<vmem>>)
      tpu.yield
    }) : () -> ()
    %barrier3A = arith.constant 0 : index
    tpu.barrier barrier_id(%barrier3A)
    %scan3A_57 = arith.constant 0 : i32
    %scan3A_58 = arith.constant 0 : i32
    %scan3A_59 = arith.constant 40 : i32
    %scan3A_60 = arith.addi %scan3A_58, %scan3A_59 : i32
    %scan3A_61 = arith.constant 1 : i32
    %scan3A_62 = scf.for %scan3A_72 = %scan3A_58 to %scan3A_60 step %scan3A_61 iter_args(%scan3A_73 = %scan3A_57) -> (i32)  : i32 {
      "tpu.region"() ({
        %run_scoped3A = tpu.sem_alloc : memref<!tpu.dma_semaphore, #tpu.memory_space<semaphore_mem>>
        %dma_start3A = arith.constant 0 : i32
        %dma_start3A_75 = tpu.memref_slice %arg5[%scan3A_72, %dma_start3A] : memref<40x128xi32, #tpu.memory_space<vmem>> -> memref<1x128xi32, #tpu.memory_space<vmem>>
        %dma_start3A_76 = tpu.memref_squeeze %dma_start3A_75 : memref<1x128xi32, #tpu.memory_space<vmem>> -> memref<128xi32, #tpu.memory_space<vmem>>
        %dma_start3A_77 = arith.constant 0 : i32
        %dma_start3A_78 = tpu.memref_slice %arg8[%dma_start3A_77] : memref<10240xf32, #tpu.memory_space<vmem_shared>> -> memref<10240xf32, #tpu.memory_space<vmem_shared>>
        tpu.enqueue_indirect_dma source(%arg6 : memref<128xf32, #tpu.memory_space<vmem>>) target(%dma_start3A_78 : memref<10240xf32, #tpu.memory_space<vmem_shared>>) offsets(%dma_start3A_76 : memref<128xi32, #tpu.memory_space<vmem>>) semaphore(%run_scoped3A : memref<!tpu.dma_semaphore, #tpu.memory_space<semaphore_mem>>) {add = true}
        %dma_wait3A = arith.constant 0 : i32
        %dma_wait3A_79 = tpu.memref_slice %arg5[%scan3A_72, %dma_wait3A] : memref<40x128xi32, #tpu.memory_space<vmem>> -> memref<1x128xi32, #tpu.memory_space<vmem>>
        %dma_wait3A_80 = tpu.memref_squeeze %dma_wait3A_79 : memref<1x128xi32, #tpu.memory_space<vmem>> -> memref<128xi32, #tpu.memory_space<vmem>>
        %dma_wait3A_81 = arith.constant 0 : i32
        %dma_wait3A_82 = tpu.memref_slice %arg8[%dma_wait3A_81] : memref<10240xf32, #tpu.memory_space<vmem_shared>> -> memref<10240xf32, #tpu.memory_space<vmem_shared>>
        tpu.wait_indirect_dma semaphore(%run_scoped3A : memref<!tpu.dma_semaphore, #tpu.memory_space<semaphore_mem>>) src(%arg6 : memref<128xf32, #tpu.memory_space<vmem>>) dst(%dma_wait3A_82 : memref<10240xf32, #tpu.memory_space<vmem_shared>>)
        tpu.yield
      }) : () -> ()
      %scan3A_74 = arith.constant 0 : i32
      scf.yield %scan3A_74 : i32
    }
    %scan3A_63 = arith.constant 40 : i32
    %barrier3A_64 = arith.constant 0 : index
    tpu.barrier barrier_id(%barrier3A_64)
    %eq3A = arith.constant 0 : i32
    %eq3A_65 = arith.cmpi eq, %arg0, %eq3A : i32
    %convert_element_type3A = arith.extui %eq3A_65 : i1 to i32
    %cond3A = arith.constant 0 : i32
    %cond3A_66 = arith.cmpi ne, %convert_element_type3A, %cond3A : i32
    scf.if %cond3A_66 {
      %mul3A_72 = arith.constant 640 : i32
      %mul3A_73 = arith.muli %arg1, %mul3A_72 : i32
      %mul3A_74 = arith.constant 640 : i32
      %mul3A_75 = arith.muli %arg1, %mul3A_74 : i32
      "tpu.region"() ({
        %run_scoped3A = tpu.sem_alloc : memref<!tpu.dma_semaphore, #tpu.memory_space<semaphore_mem>>
        %dma_start3A = tpu.memref_slice %arg3[%mul3A_75] : memref<10240xf32, #tpu.memory_space<hbm>> -> memref<640xf32, #tpu.memory_space<hbm>>
        %dma_start3A_76 = tpu.memref_slice %arg8[%mul3A_73] : memref<10240xf32, #tpu.memory_space<vmem_shared>> -> memref<640xf32, #tpu.memory_space<vmem_shared>>
        tpu.enqueue_dma source(%dma_start3A_76 : memref<640xf32, #tpu.memory_space<vmem_shared>>) target(%dma_start3A : memref<640xf32, #tpu.memory_space<hbm>>) target_semaphore(%run_scoped3A : memref<!tpu.dma_semaphore, #tpu.memory_space<semaphore_mem>>)
        %dma_wait3A = tpu.memref_slice %arg3[%mul3A_75] : memref<10240xf32, #tpu.memory_space<hbm>> -> memref<640xf32, #tpu.memory_space<hbm>>
        %dma_wait3A_77 = tpu.memref_slice %arg8[%mul3A_73] : memref<10240xf32, #tpu.memory_space<vmem_shared>> -> memref<640xf32, #tpu.memory_space<vmem_shared>>
        tpu.wait_dma2 semaphore(%run_scoped3A : memref<!tpu.dma_semaphore, #tpu.memory_space<semaphore_mem>>) src(%dma_wait3A_77 : memref<640xf32, #tpu.memory_space<vmem_shared>>) dst(%dma_wait3A : memref<640xf32, #tpu.memory_space<hbm>>)
        tpu.yield
      }) : () -> ()
    } else {
    }
    %eq3A_67 = arith.constant 1 : i32
    %eq3A_68 = arith.cmpi eq, %arg0, %eq3A_67 : i32
    %convert_element_type3A_69 = arith.extui %eq3A_68 : i1 to i32
    %cond3A_70 = arith.constant 0 : i32
    %cond3A_71 = arith.cmpi ne, %convert_element_type3A_69, %cond3A_70 : i32
    scf.if %cond3A_71 {
      %mul3A_72 = arith.constant 640 : i32
      %mul3A_73 = arith.muli %arg1, %mul3A_72 : i32
      %mul3A_74 = arith.constant 640 : i32
      %mul3A_75 = arith.muli %arg1, %mul3A_74 : i32
      "tpu.region"() ({
        %run_scoped3A = tpu.sem_alloc : memref<!tpu.dma_semaphore, #tpu.memory_space<semaphore_mem>>
        %dma_start3A = tpu.memref_slice %arg4[%mul3A_75] : memref<10240xf32, #tpu.memory_space<hbm>> -> memref<640xf32, #tpu.memory_space<hbm>>
        %dma_start3A_76 = tpu.memref_slice %arg8[%mul3A_73] : memref<10240xf32, #tpu.memory_space<vmem_shared>> -> memref<640xf32, #tpu.memory_space<vmem_shared>>
        tpu.enqueue_dma source(%dma_start3A_76 : memref<640xf32, #tpu.memory_space<vmem_shared>>) target(%dma_start3A : memref<640xf32, #tpu.memory_space<hbm>>) target_semaphore(%run_scoped3A : memref<!tpu.dma_semaphore, #tpu.memory_space<semaphore_mem>>)
        %dma_wait3A = tpu.memref_slice %arg4[%mul3A_75] : memref<10240xf32, #tpu.memory_space<hbm>> -> memref<640xf32, #tpu.memory_space<hbm>>
        %dma_wait3A_77 = tpu.memref_slice %arg8[%mul3A_73] : memref<10240xf32, #tpu.memory_space<vmem_shared>> -> memref<640xf32, #tpu.memory_space<vmem_shared>>
        tpu.wait_dma2 semaphore(%run_scoped3A : memref<!tpu.dma_semaphore, #tpu.memory_space<semaphore_mem>>) src(%dma_wait3A_77 : memref<640xf32, #tpu.memory_space<vmem_shared>>) dst(%dma_wait3A : memref<640xf32, #tpu.memory_space<hbm>>)
        tpu.yield
      }) : () -> ()
    } else {
    }
    return
  }
}

module attributes {stable_mosaic.version = 14 : i64} {
  func.func @_mm_body(%arg0: i32, %arg1: memref<1000x256xf32, #tpu.memory_space<vmem>>, %arg2: memref<256x256xf32, #tpu.memory_space<vmem>>, %arg3: memref<1000x1xf32, #tpu.memory_space<vmem>>, %arg4: memref<1000x1xf32, #tpu.memory_space<vmem>>, %arg5: memref<1000x128xf32, #tpu.memory_space<vmem>>, %arg6: memref<1000x128xf32, #tpu.memory_space<vmem>>, %arg7: memref<1000x1xf32, #tpu.memory_space<vmem>>, %arg8: memref<1000x1xf32, #tpu.memory_space<vmem>>) attributes {dimension_semantics = [#tpu.dimension_semantics<arbitrary>], iteration_bounds = array<i64: 10>, scalar_prefetch = 0 : i64, scratch_operands = 0 : i64, tpu.core_type = #tpu.core_type<tc>, window_params = [{transform_indices = @transform_0, window_bounds = array<i64: 1000, 256>}, {pipeline_mode = #tpu.pipeline_mode<synchronous>, transform_indices = @transform_1, window_bounds = array<i64: 256, 256>}, {transform_indices = @transform_2, window_bounds = array<i64: 1000, 1>}, {transform_indices = @transform_3, window_bounds = array<i64: 1000, 1>}, {transform_indices = @transform_4, window_bounds = array<i64: 1000, 128>}, {transform_indices = @transform_5, window_bounds = array<i64: 1000, 128>}, {transform_indices = @transform_6, window_bounds = array<i64: 1000, 1>}, {transform_indices = @transform_7, window_bounds = array<i64: 1000, 1>}]} {
    %get3A = arith.constant 0 : index
    %get3A_0 = arith.constant 0 : index
    %get3A_1 = vector.load %arg3[%get3A, %get3A_0] : memref<1000x1xf32, #tpu.memory_space<vmem>>, vector<1000x1xf32>
    %get3A_2 = arith.constant 0 : index
    %get3A_3 = arith.constant 0 : index
    %get3A_4 = vector.load %arg4[%get3A_2, %get3A_3] : memref<1000x1xf32, #tpu.memory_space<vmem>>, vector<1000x1xf32>
    %add3A = arith.addf %get3A_1, %get3A_4 : vector<1000x1xf32>
    %add3A_5 = arith.constant 1.000000e+00 : f32
    %add3A_6 = vector.broadcast %add3A_5 : f32 to vector<1000x1xf32>
    %add3A_7 = arith.addf %add3A, %add3A_6 : vector<1000x1xf32>
    %rsqrt3A = math.rsqrt %add3A_7 : vector<1000x1xf32>
    %get3A_8 = arith.constant 0 : index
    %get3A_9 = arith.constant 0 : index
    %get3A_10 = vector.load %arg1[%get3A_8, %get3A_9] : memref<1000x256xf32, #tpu.memory_space<vmem>>, vector<1000x256xf32>
    %get3A_11 = arith.constant 0 : index
    %get3A_12 = arith.constant 0 : index
    %get3A_13 = vector.load %arg2[%get3A_11, %get3A_12] : memref<256x256xf32, #tpu.memory_space<vmem>>, vector<256x256xf32>
    %dot_general3A = arith.constant dense<0.000000e+00> : vector<1000x256xf32>
    %dot_general3A_14 = tpu.matmul %get3A_10, %get3A_13, %dot_general3A {dimension_numbers = #tpu.dot_dimension_numbers<[1], [0], [0], [1], [0, 0, 1, 1], [], []>, precision = #tpu.contract_precision<fp32>, transpose_lhs_hint = false} : vector<1000x256xf32>, vector<256x256xf32>, vector<1000x256xf32> -> vector<1000x256xf32>
    %mul3A = vector.broadcast %rsqrt3A : vector<1000x1xf32> to vector<1000x256xf32>
    %mul3A_15 = arith.mulf %dot_general3A_14, %mul3A : vector<1000x256xf32>
    %slice3A = vector.extract_strided_slice %mul3A_15 {offsets = [0, 0], sizes = [1000, 128], strides = [1, 1]} : vector<1000x256xf32> to vector<1000x128xf32>
    %swap3A = arith.constant 0 : index
    %swap3A_16 = arith.constant 0 : index
    %swap3A_17 = vector.load %arg5[%swap3A, %swap3A_16] : memref<1000x128xf32, #tpu.memory_space<vmem>>, vector<1000x128xf32>
    tpu.vector_store %arg5[%swap3A, %swap3A_16], %slice3A {strides = array<i32>} : memref<1000x128xf32, #tpu.memory_space<vmem>>, vector<1000x128xf32>,
    %slice3A_18 = vector.extract_strided_slice %mul3A_15 {offsets = [0, 128], sizes = [1000, 128], strides = [1, 1]} : vector<1000x256xf32> to vector<1000x128xf32>
    %swap3A_19 = arith.constant 0 : index
    %swap3A_20 = arith.constant 0 : index
    %swap3A_21 = vector.load %arg6[%swap3A_19, %swap3A_20] : memref<1000x128xf32, #tpu.memory_space<vmem>>, vector<1000x128xf32>
    tpu.vector_store %arg6[%swap3A_19, %swap3A_20], %slice3A_18 {strides = array<i32>} : memref<1000x128xf32, #tpu.memory_space<vmem>>, vector<1000x128xf32>,
    %swap3A_22 = arith.constant 0 : index
    %swap3A_23 = arith.constant 0 : index
    %swap3A_24 = vector.load %arg7[%swap3A_22, %swap3A_23] : memref<1000x1xf32, #tpu.memory_space<vmem>>, vector<1000x1xf32>
    tpu.vector_store %arg7[%swap3A_22, %swap3A_23], %rsqrt3A {strides = array<i32>} : memref<1000x1xf32, #tpu.memory_space<vmem>>, vector<1000x1xf32>,
    %div3A = arith.constant 1.000000e+00 : f32
    %div3A_25 = vector.broadcast %div3A : f32 to vector<1000x1xf32>
    %div3A_26 = arith.divf %div3A_25, %add3A_7 : vector<1000x1xf32>
    %swap3A_27 = arith.constant 0 : index
    %swap3A_28 = arith.constant 0 : index
    %swap3A_29 = vector.load %arg8[%swap3A_27, %swap3A_28] : memref<1000x1xf32, #tpu.memory_space<vmem>>, vector<1000x1xf32>
    tpu.vector_store %arg8[%swap3A_27, %swap3A_28], %div3A_26 {strides = array<i32>} : memref<1000x1xf32, #tpu.memory_space<vmem>>, vector<1000x1xf32>,
    return
  }
  func.func @transform_0(%arg0: i32) -> (i32, i32) {
    %c0_i32 = arith.constant 0 : i32
    %c0_i32_0 = arith.constant 0 : i32
    return %arg0, %c0_i32 : i32, i32
  }
  func.func @transform_1(%arg0: i32) -> (i32, i32) {
    %c0_i32 = arith.constant 0 : i32
    %c0_i32_0 = arith.constant 0 : i32
    %c0_i32_1 = arith.constant 0 : i32
    return %c0_i32, %c0_i32_0 : i32, i32
  }
  func.func @transform_2(%arg0: i32) -> (i32, i32) {
    %c0_i32 = arith.constant 0 : i32
    %c0_i32_0 = arith.constant 0 : i32
    return %arg0, %c0_i32 : i32, i32
  }
  func.func @transform_3(%arg0: i32) -> (i32, i32) {
    %c0_i32 = arith.constant 0 : i32
    %c0_i32_0 = arith.constant 0 : i32
    return %arg0, %c0_i32 : i32, i32
  }
  func.func @transform_4(%arg0: i32) -> (i32, i32) {
    %c0_i32 = arith.constant 0 : i32
    %c0_i32_0 = arith.constant 0 : i32
    return %arg0, %c0_i32 : i32, i32
  }
  func.func @transform_5(%arg0: i32) -> (i32, i32) {
    %c0_i32 = arith.constant 0 : i32
    %c0_i32_0 = arith.constant 0 : i32
    return %arg0, %c0_i32 : i32, i32
  }
  func.func @transform_6(%arg0: i32) -> (i32, i32) {
    %c0_i32 = arith.constant 0 : i32
    %c0_i32_0 = arith.constant 0 : i32
    return %arg0, %c0_i32 : i32, i32
  }
  func.func @transform_7(%arg0: i32) -> (i32, i32) {
    %c0_i32 = arith.constant 0 : i32
    %c0_i32_0 = arith.constant 0 : i32
    return %arg0, %c0_i32 : i32, i32
  }
}

module attributes {stable_mosaic.version = 14 : i64} {
  func.func @_fin_body(%arg0: i32, %arg1: memref<1000x128xf32, #tpu.memory_space<vmem>>, %arg2: memref<1000x128xf32, #tpu.memory_space<vmem>>, %arg3: memref<1000x128xf32, #tpu.memory_space<vmem>>, %arg4: memref<1000x128xf32, #tpu.memory_space<vmem>>, %arg5: memref<1000x1xf32, #tpu.memory_space<vmem>>, %arg6: memref<1000x1xf32, #tpu.memory_space<vmem>>, %arg7: memref<1000x1xf32, #tpu.memory_space<vmem>>, %arg8: memref<1000x1xf32, #tpu.memory_space<vmem>>, %arg9: memref<2x128xf32, #tpu.memory_space<vmem>>, %arg10: memref<2x128x256xf32, #tpu.memory_space<vmem>>, %arg11: memref<1x256xf32, #tpu.memory_space<vmem>>, %arg12: memref<256x64xf32, #tpu.memory_space<vmem>>, %arg13: memref<1x64xf32, #tpu.memory_space<vmem>>, %arg14: memref<1x64xf32, #tpu.memory_space<vmem>>, %arg15: memref<2x128xf32, #tpu.memory_space<vmem>>) attributes {dimension_semantics = [#tpu.dimension_semantics<arbitrary>], iteration_bounds = array<i64: 10>, scalar_prefetch = 0 : i64, scratch_operands = 1 : i64, tpu.core_type = #tpu.core_type<tc>, window_params = [{transform_indices = @transform_0, window_bounds = array<i64: 1000, 128>}, {transform_indices = @transform_1, window_bounds = array<i64: 1000, 128>}, {transform_indices = @transform_2, window_bounds = array<i64: 1000, 128>}, {transform_indices = @transform_3, window_bounds = array<i64: 1000, 128>}, {transform_indices = @transform_4, window_bounds = array<i64: 1000, 1>}, {transform_indices = @transform_5, window_bounds = array<i64: 1000, 1>}, {transform_indices = @transform_6, window_bounds = array<i64: 1000, 1>}, {transform_indices = @transform_7, window_bounds = array<i64: 1000, 1>}, {pipeline_mode = #tpu.pipeline_mode<synchronous>, transform_indices = @transform_8, window_bounds = array<i64: 2, 128>}, {pipeline_mode = #tpu.pipeline_mode<synchronous>, transform_indices = @transform_9, window_bounds = array<i64: 2, 128, 256>}, {pipeline_mode = #tpu.pipeline_mode<synchronous>, transform_indices = @transform_10, window_bounds = array<i64: 1, 256>}, {pipeline_mode = #tpu.pipeline_mode<synchronous>, transform_indices = @transform_11, window_bounds = array<i64: 256, 64>}, {pipeline_mode = #tpu.pipeline_mode<synchronous>, transform_indices = @transform_12, window_bounds = array<i64: 1, 64>}, {pipeline_mode = #tpu.pipeline_mode<synchronous>, transform_indices = @transform_13, window_bounds = array<i64: 1, 64>}]} {
    %eq3A = arith.constant 0 : i32
    %eq3A_0 = arith.cmpi eq, %arg0, %eq3A : i32
    %convert_element_type3A = arith.extui %eq3A_0 : i1 to i32
    %cond3A = arith.constant 0 : i32
    %cond3A_1 = arith.cmpi ne, %convert_element_type3A, %cond3A : i32
    scf.if %cond3A_1 {
      %broadcast_in_dim3A_73 = arith.constant 0.000000e+00 : f32
      %broadcast_in_dim3A_74 = vector.broadcast %broadcast_in_dim3A_73 : f32 to vector<2x128xf32>
      %swap3A_75 = arith.constant 0 : index
      %swap3A_76 = arith.constant 0 : index
      %swap3A_77 = vector.load %arg15[%swap3A_75, %swap3A_76] : memref<2x128xf32, #tpu.memory_space<vmem>>, vector<2x128xf32>
      tpu.vector_store %arg15[%swap3A_75, %swap3A_76], %broadcast_in_dim3A_74 {strides = array<i32>} : memref<2x128xf32, #tpu.memory_space<vmem>>, vector<2x128xf32>,
    } else {
    }
    %get3A = arith.constant 0 : index
    %get3A_2 = arith.constant 0 : index
    %get3A_3 = vector.load %arg5[%get3A, %get3A_2] : memref<1000x1xf32, #tpu.memory_space<vmem>>, vector<1000x1xf32>
    %get3A_4 = arith.constant 0 : index
    %get3A_5 = arith.constant 0 : index
    %get3A_6 = vector.load %arg7[%get3A_4, %get3A_5] : memref<1000x1xf32, #tpu.memory_space<vmem>>, vector<1000x1xf32>
    %get3A_7 = arith.constant 0 : index
    %get3A_8 = arith.constant 0 : index
    %get3A_9 = vector.load %arg8[%get3A_7, %get3A_8] : memref<1000x1xf32, #tpu.memory_space<vmem>>, vector<1000x1xf32>
    %add3A = arith.addf %get3A_6, %get3A_9 : vector<1000x1xf32>
    %mul3A = arith.mulf %get3A_3, %add3A : vector<1000x1xf32>
    %get3A_10 = arith.constant 0 : index
    %get3A_11 = arith.constant 0 : index
    %get3A_12 = vector.load %arg6[%get3A_10, %get3A_11] : memref<1000x1xf32, #tpu.memory_space<vmem>>, vector<1000x1xf32>
    %add3A_13 = arith.addf %mul3A, %get3A_12 : vector<1000x1xf32>
    %get3A_14 = arith.constant 0 : index
    %get3A_15 = arith.constant 0 : index
    %get3A_16 = vector.load %arg1[%get3A_14, %get3A_15] : memref<1000x128xf32, #tpu.memory_space<vmem>>, vector<1000x128xf32>
    %get3A_17 = arith.constant 0 : index
    %get3A_18 = arith.constant 0 : index
    %get3A_19 = vector.load %arg3[%get3A_17, %get3A_18] : memref<1000x128xf32, #tpu.memory_space<vmem>>, vector<1000x128xf32>
    %add3A_20 = arith.addf %get3A_16, %get3A_19 : vector<1000x128xf32>
    %mul3A_21 = vector.broadcast %get3A_3 : vector<1000x1xf32> to vector<1000x128xf32>
    %mul3A_22 = arith.mulf %mul3A_21, %add3A_20 : vector<1000x128xf32>
    %get3A_23 = arith.constant 0 : index
    %get3A_24 = arith.constant 0 : index
    %get3A_25 = vector.load %arg9[%get3A_23, %get3A_24] : memref<2x128xf32, #tpu.memory_space<vmem>>, vector<1x128xf32>
    %add3A_26 = vector.broadcast %get3A_25 : vector<1x128xf32> to vector<1000x128xf32>
    %add3A_27 = arith.addf %mul3A_22, %add3A_26 : vector<1000x128xf32>
    %max3A = arith.constant 0.000000e+00 : f32
    %max3A_28 = vector.broadcast %max3A : f32 to vector<1000x128xf32>
    %max3A_29 = arith.maximumf %add3A_27, %max3A_28 : vector<1000x128xf32>
    %get3A_30 = arith.constant 0 : index
    %get3A_31 = arith.constant 0 : index
    %get3A_32 = vector.load %arg15[%get3A_30, %get3A_31] : memref<2x128xf32, #tpu.memory_space<vmem>>, vector<1x128xf32>
    %mul3A_33 = vector.broadcast %add3A_13 : vector<1000x1xf32> to vector<1000x128xf32>
    %mul3A_34 = arith.mulf %max3A_29, %mul3A_33 : vector<1000x128xf32>
    %reduce_sum3A = arith.constant dense<0.000000e+00> : vector<128xf32>
    %reduce_sum3A_35 = vector.multi_reduction <add>, %mul3A_34, %reduce_sum3A [0] : vector<1000x128xf32> to vector<128xf32>
    %broadcast_in_dim3A = vector.shape_cast %reduce_sum3A_35 : vector<128xf32> to vector<1x128xf32>
    %add3A_36 = arith.addf %get3A_32, %broadcast_in_dim3A : vector<1x128xf32>
    %swap3A = arith.constant 0 : index
    %swap3A_37 = arith.constant 0 : index
    %swap3A_38 = vector.load %arg15[%swap3A, %swap3A_37] : memref<2x128xf32, #tpu.memory_space<vmem>>, vector<1x128xf32>
    tpu.vector_store %arg15[%swap3A, %swap3A_37], %add3A_36 {strides = array<i32>} : memref<2x128xf32, #tpu.memory_space<vmem>>, vector<1x128xf32>,
    %get3A_39 = arith.constant 0 : index
    %get3A_40 = arith.constant 0 : index
    %get3A_41 = vector.load %arg2[%get3A_39, %get3A_40] : memref<1000x128xf32, #tpu.memory_space<vmem>>, vector<1000x128xf32>
    %get3A_42 = arith.constant 0 : index
    %get3A_43 = arith.constant 0 : index
    %get3A_44 = vector.load %arg4[%get3A_42, %get3A_43] : memref<1000x128xf32, #tpu.memory_space<vmem>>, vector<1000x128xf32>
    %add3A_45 = arith.addf %get3A_41, %get3A_44 : vector<1000x128xf32>
    %mul3A_46 = vector.broadcast %get3A_3 : vector<1000x1xf32> to vector<1000x128xf32>
    %mul3A_47 = arith.mulf %mul3A_46, %add3A_45 : vector<1000x128xf32>
    %get3A_48 = arith.constant 1 : index
    %get3A_49 = arith.constant 0 : index
    %get3A_50 = vector.load %arg9[%get3A_48, %get3A_49] : memref<2x128xf32, #tpu.memory_space<vmem>>, vector<1x128xf32>
    %add3A_51 = vector.broadcast %get3A_50 : vector<1x128xf32> to vector<1000x128xf32>
    %add3A_52 = arith.addf %mul3A_47, %add3A_51 : vector<1000x128xf32>
    %max3A_53 = arith.constant 0.000000e+00 : f32
    %max3A_54 = vector.broadcast %max3A_53 : f32 to vector<1000x128xf32>
    %max3A_55 = arith.maximumf %add3A_52, %max3A_54 : vector<1000x128xf32>
    %get3A_56 = arith.constant 1 : index
    %get3A_57 = arith.constant 0 : index
    %get3A_58 = vector.load %arg15[%get3A_56, %get3A_57] : memref<2x128xf32, #tpu.memory_space<vmem>>, vector<1x128xf32>
    %mul3A_59 = vector.broadcast %add3A_13 : vector<1000x1xf32> to vector<1000x128xf32>
    %mul3A_60 = arith.mulf %max3A_55, %mul3A_59 : vector<1000x128xf32>
    %reduce_sum3A_61 = arith.constant dense<0.000000e+00> : vector<128xf32>
    %reduce_sum3A_62 = vector.multi_reduction <add>, %mul3A_60, %reduce_sum3A_61 [0] : vector<1000x128xf32> to vector<128xf32>
    %broadcast_in_dim3A_63 = vector.shape_cast %reduce_sum3A_62 : vector<128xf32> to vector<1x128xf32>
    %add3A_64 = arith.addf %get3A_58, %broadcast_in_dim3A_63 : vector<1x128xf32>
    %swap3A_65 = arith.constant 1 : index
    %swap3A_66 = arith.constant 0 : index
    %swap3A_67 = vector.load %arg15[%swap3A_65, %swap3A_66] : memref<2x128xf32, #tpu.memory_space<vmem>>, vector<1x128xf32>
    tpu.vector_store %arg15[%swap3A_65, %swap3A_66], %add3A_64 {strides = array<i32>} : memref<2x128xf32, #tpu.memory_space<vmem>>, vector<1x128xf32>,
    %eq3A_68 = arith.constant 9 : i32
    %eq3A_69 = arith.cmpi eq, %arg0, %eq3A_68 : i32
    %convert_element_type3A_70 = arith.extui %eq3A_69 : i1 to i32
    %cond3A_71 = arith.constant 0 : i32
    %cond3A_72 = arith.cmpi ne, %convert_element_type3A_70, %cond3A_71 : i32
    scf.if %cond3A_72 {
      %get3A_73 = arith.constant 0 : index
      %get3A_74 = arith.constant 0 : index
      %get3A_75 = vector.load %arg11[%get3A_73, %get3A_74] : memref<1x256xf32, #tpu.memory_space<vmem>>, vector<1x256xf32>
      %mul3A_76 = arith.constant 0.000000e+00 : f32
      %mul3A_77 = vector.broadcast %mul3A_76 : f32 to vector<1x256xf32>
      %mul3A_78 = arith.mulf %get3A_75, %mul3A_77 : vector<1x256xf32>
      %get3A_79 = arith.constant 0 : index
      %get3A_80 = arith.constant 0 : index
      %get3A_81 = vector.load %arg15[%get3A_79, %get3A_80] : memref<2x128xf32, #tpu.memory_space<vmem>>, vector<1x128xf32>
      %get3A_82 = arith.constant 0 : index
      %get3A_83 = arith.constant 0 : index
      %get3A_84 = arith.constant 0 : index
      %get3A_85 = vector.load %arg10[%get3A_82, %get3A_83, %get3A_84] : memref<2x128x256xf32, #tpu.memory_space<vmem>>, vector<1x128x256xf32>
      %get3A_86 = vector.shape_cast %get3A_85 : vector<1x128x256xf32> to vector<128x256xf32>
      %dot_general3A = arith.constant dense<0.000000e+00> : vector<1x256xf32>
      %dot_general3A_87 = tpu.matmul %get3A_81, %get3A_86, %dot_general3A {dimension_numbers = #tpu.dot_dimension_numbers<[1], [0], [0], [1], [0, 0, 1, 1], [], []>, precision = #tpu.contract_precision<fp32>, transpose_lhs_hint = false} : vector<1x128xf32>, vector<128x256xf32>, vector<1x256xf32> -> vector<1x256xf32>
      %add3A_88 = arith.addf %mul3A_78, %dot_general3A_87 : vector<1x256xf32>
      %get3A_89 = arith.constant 1 : index
      %get3A_90 = arith.constant 0 : index
      %get3A_91 = vector.load %arg15[%get3A_89, %get3A_90] : memref<2x128xf32, #tpu.memory_space<vmem>>, vector<1x128xf32>
      %get3A_92 = arith.constant 1 : index
      %get3A_93 = arith.constant 0 : index
      %get3A_94 = arith.constant 0 : index
      %get3A_95 = vector.load %arg10[%get3A_92, %get3A_93, %get3A_94] : memref<2x128x256xf32, #tpu.memory_space<vmem>>, vector<1x128x256xf32>
      %get3A_96 = vector.shape_cast %get3A_95 : vector<1x128x256xf32> to vector<128x256xf32>
      %dot_general3A_97 = arith.constant dense<0.000000e+00> : vector<1x256xf32>
      %dot_general3A_98 = tpu.matmul %get3A_91, %get3A_96, %dot_general3A_97 {dimension_numbers = #tpu.dot_dimension_numbers<[1], [0], [0], [1], [0, 0, 1, 1], [], []>, precision = #tpu.contract_precision<fp32>, transpose_lhs_hint = false} : vector<1x128xf32>, vector<128x256xf32>, vector<1x256xf32> -> vector<1x256xf32>
      %add3A_99 = arith.addf %add3A_88, %dot_general3A_98 : vector<1x256xf32>
      %mul3A_100 = arith.constant 9.99999974E-5 : f32
      %mul3A_101 = vector.broadcast %mul3A_100 : f32 to vector<1x256xf32>
      %mul3A_102 = arith.mulf %add3A_99, %mul3A_101 : vector<1x256xf32>
      %get3A_103 = arith.constant 0 : index
      %get3A_104 = arith.constant 0 : index
      %get3A_105 = vector.load %arg11[%get3A_103, %get3A_104] : memref<1x256xf32, #tpu.memory_space<vmem>>, vector<1x256xf32>
      %add3A_106 = arith.addf %mul3A_102, %get3A_105 : vector<1x256xf32>
      %get3A_107 = arith.constant 0 : index
      %get3A_108 = arith.constant 0 : index
      %get3A_109 = vector.load %arg12[%get3A_107, %get3A_108] : memref<256x64xf32, #tpu.memory_space<vmem>>, vector<256x64xf32>
      %dot_general3A_110 = arith.constant dense<0.000000e+00> : vector<1x64xf32>
      %dot_general3A_111 = tpu.matmul %add3A_106, %get3A_109, %dot_general3A_110 {dimension_numbers = #tpu.dot_dimension_numbers<[1], [0], [0], [1], [0, 0, 1, 1], [], []>, precision = #tpu.contract_precision<fp32>, transpose_lhs_hint = false} : vector<1x256xf32>, vector<256x64xf32>, vector<1x64xf32> -> vector<1x64xf32>
      %get3A_112 = arith.constant 0 : index
      %get3A_113 = arith.constant 0 : index
      %get3A_114 = vector.load %arg13[%get3A_112, %get3A_113] : memref<1x64xf32, #tpu.memory_space<vmem>>, vector<1x64xf32>
      %add3A_115 = arith.addf %dot_general3A_111, %get3A_114 : vector<1x64xf32>
      %swap3A_116 = arith.constant 0 : index
      %swap3A_117 = arith.constant 0 : index
      %swap3A_118 = vector.load %arg14[%swap3A_116, %swap3A_117] : memref<1x64xf32, #tpu.memory_space<vmem>>, vector<1x64xf32>
      tpu.vector_store %arg14[%swap3A_116, %swap3A_117], %add3A_115 {strides = array<i32>} : memref<1x64xf32, #tpu.memory_space<vmem>>, vector<1x64xf32>,
    } else {
    }
    return
  }
  func.func @transform_0(%arg0: i32) -> (i32, i32) {
    %c0_i32 = arith.constant 0 : i32
    %c0_i32_0 = arith.constant 0 : i32
    return %arg0, %c0_i32 : i32, i32
  }
  func.func @transform_1(%arg0: i32) -> (i32, i32) {
    %c0_i32 = arith.constant 0 : i32
    %c0_i32_0 = arith.constant 0 : i32
    return %arg0, %c0_i32 : i32, i32
  }
  func.func @transform_2(%arg0: i32) -> (i32, i32) {
    %c0_i32 = arith.constant 0 : i32
    %c0_i32_0 = arith.constant 0 : i32
    return %arg0, %c0_i32 : i32, i32
  }
  func.func @transform_3(%arg0: i32) -> (i32, i32) {
    %c0_i32 = arith.constant 0 : i32
    %c0_i32_0 = arith.constant 0 : i32
    return %arg0, %c0_i32 : i32, i32
  }
  func.func @transform_4(%arg0: i32) -> (i32, i32) {
    %c0_i32 = arith.constant 0 : i32
    %c0_i32_0 = arith.constant 0 : i32
    return %arg0, %c0_i32 : i32, i32
  }
  func.func @transform_5(%arg0: i32) -> (i32, i32) {
    %c0_i32 = arith.constant 0 : i32
    %c0_i32_0 = arith.constant 0 : i32
    return %arg0, %c0_i32 : i32, i32
  }
  func.func @transform_6(%arg0: i32) -> (i32, i32) {
    %c0_i32 = arith.constant 0 : i32
    %c0_i32_0 = arith.constant 0 : i32
    return %arg0, %c0_i32 : i32, i32
  }
  func.func @transform_7(%arg0: i32) -> (i32, i32) {
    %c0_i32 = arith.constant 0 : i32
    %c0_i32_0 = arith.constant 0 : i32
    return %arg0, %c0_i32 : i32, i32
  }
  func.func @transform_8(%arg0: i32) -> (i32, i32) {
    %c0_i32 = arith.constant 0 : i32
    %c0_i32_0 = arith.constant 0 : i32
    %c0_i32_1 = arith.constant 0 : i32
    return %c0_i32, %c0_i32_0 : i32, i32
  }
  func.func @transform_9(%arg0: i32) -> (i32, i32, i32) {
    %c0_i32 = arith.constant 0 : i32
    %c0_i32_0 = arith.constant 0 : i32
    %c0_i32_1 = arith.constant 0 : i32
    %c0_i32_2 = arith.constant 0 : i32
    return %c0_i32, %c0_i32_0, %c0_i32_1 : i32, i32, i32
  }
  func.func @transform_10(%arg0: i32) -> (i32, i32) {
    %c0_i32 = arith.constant 0 : i32
    %c0_i32_0 = arith.constant 0 : i32
    %c0_i32_1 = arith.constant 0 : i32
    return %c0_i32, %c0_i32_0 : i32, i32
  }
  func.func @transform_11(%arg0: i32) -> (i32, i32) {
    %c0_i32 = arith.constant 0 : i32
    %c0_i32_0 = arith.constant 0 : i32
    %c0_i32_1 = arith.constant 0 : i32
    return %c0_i32, %c0_i32_0 : i32, i32
  }
  func.func @transform_12(%arg0: i32) -> (i32, i32) {
    %c0_i32 = arith.constant 0 : i32
    %c0_i32_0 = arith.constant 0 : i32
    %c0_i32_1 = arith.constant 0 : i32
    return %c0_i32, %c0_i32_0 : i32, i32
  }
  func.func @transform_13(%arg0: i32) -> (i32, i32) {
    %c0_i32 = arith.constant 0 : i32
    %c0_i32_0 = arith.constant 0 : i32
    %c0_i32_1 = arith.constant 0 : i32
    return %c0_i32, %c0_i32_0 : i32, i32
  }
}

</mosaic_0001>

<sc_bundles>
// kernel: kernel.10.cloned.1.call-start
scs
__scs_entry_jumppad:
0x0: {  	(pc) =	sbr.rel $0x88, $3  }
0x1: {  	(tag) =	ssettag $0x0;
	lr =	simm.s32 $0x1  }
0x2: {  	[smem:$0x3F99] =	sst lr;
	_ =	strace $0xD0000000  }
0x3: {  	_ = 	snop  }
0x4: {  	_ = 	snop  }
0x5: {  	_ = 	snop  }
0x6: {  	_ = 	snop  }
0x7: {  	_ = 	snop  }
__scs_overlays_trampoline_lowered:
0x8: {  	[smem:$0x3FA8] =	sst s0  }
0x9: {  	[smem:$0x3FA9] =	sst s1  }
0xa: {  	[smem:$0x3FAA] =	sst s2  }
0xb: {  	[smem:$0x3FAB] =	sst s3  }
0xc: {  	[smem:$0x3FAC] =	sst s4  }
0xd: {  	[smem:$0x3FAD] =	sst s5  }
0xe: {  	[smem:$0x3FAE] =	sst s6  }
0xf: {  	[smem:$0x3FAF] =	sst s7  }
0x10: {  	[smem:$0x3FB0] =	sst s8  }
0x11: {  	[smem:$0x3FB1] =	sst s9;
	s0 =	simm.s32 @!p0 $0x0  }
0x12: {  	s1 =	sld [smem:$0x3F97];
	s0 =	simm.s32 @p0 $0x1  }
0x13: {  	[smem:$0x3FB2] =	sst s0;
	s0 =	simm.s32 @!p1 $0x0  }
0x14: {  	s2 =	sld [smem:$0x3F96];
	s0 =	simm.s32 @p1 $0x1  }
0x15: {  	[smem:$0x3FB3] =	sst s0;
	s0 =	simm.s32 @!p2 $0x0  }
0x16: {  	s3 =	sld [smem:$0x3FDB];
	s0 =	simm.s32 @p2 $0x1  }
0x17: {  	s4 =	simm.s32 $0x1BF5;
	[smem:$0x3FB5] =	sst s0  }
0x18: {  	s0 =	sld [smem:$0x3F98];
	_ =	swait.ge [sflag:s4], $0x0  }
0x19: {  	s7 =	sld [smem:$0x3F99]  }
0x1a: {  	s8 =	sadd.s32 $0xFFFFE003, lr  }
0x1b: {  	s9 =	sadd.s32 $0xFFFFFEF7, lr;
	s5 =	simm.s32 $0xFFFFFFFF;
	p2 =	slt.u32 s8, $0xFFFFF086  }
0x1c: {  	p1 =	slt.u32 s9, $0xF7A;
	s5 =	simm.s32 @!p2 $0x0  }
0x1d: {  	s5 =	simm.s32 @p1 $0x1;
	p0 =	seq.s32 s7, s2  }
0x1e: {  	s7 =	smul.u32 @!p0 $0xF7A, s2;
	p2 =	seq.s32 @!p0 s5, $0x0  }
0x1f: {  	s9 =	smul.u32 $0xF7A, s1;
	s8 =	simm.s32 @!p0 $0x1BF5;
	p2 =	por !p2, p0  }
0x20: {  	[sflag:s8] =	ssyncset.s32 @!p0 $0xFFFFF086;
	s6 =	sadd.s32 @!p0 s3, s7;
	s7 =	simm.s32 @!p0 $0x108  }
0x21: {  	s3 =	sadd.s32 s3, s9;
	s6 =	sadd.s32 @!p0 $0x88, s6;
	s7 =	simm.s32 @p2 $0x1082  }
0x22: {  	[simem:s7], [sflag:s8] =	dma.local @!p0 [hbm:s6], $0xF7A  }
0x23: {  	s9 =	sor.u32 $0xD0000000, s2;
	s6 =	simm.s32 $0x108;
	_ =	swait.ge @!p0 [sflag:s8], $0x0  }
0x24: {  	s3 =	sadd.s32 $0x88, s3;
	s6 =	simm.s32 @!p1 $0x1082;
	[sflag:s4] =	ssyncset.s32 $0xFFFFF086  }
0x25: {  	[simem:s6], [sflag:s4] =	dma.local [hbm:s3], $0xF7A  }
0x26: {  	[smem:$0x3F99] =	sst s1;
	(tag) =	ssettag s2;
	_ =	strace s9  }
0x27: {  	s1 =	sld [smem:$0x3FA9]  }
0x28: {  	s2 =	sld [smem:$0x3FAA]  }
0x29: {  	s4 =	sld [smem:$0x3FAC]  }
0x2a: {  	p0 =	seq.s32 s5, $0x0;
	s5 =	sld [smem:$0x3FAD]  }
0x2b: {  	s6 =	sld [smem:$0x3FAE]  }
0x2c: {  	s7 =	sld [smem:$0x3FAF]  }
0x2d: {  	s3 =	simm.s32 $0x108;
	s8 =	sld [smem:$0x3FB0]  }
0x2e: {  	s3 =	simm.s32 @!p0 $0x1082;
	s9 =	sld [smem:$0x3FB1]  }
0x2f: {  	lr =	sadd.s32 s0, s3;
	s0 =	sld [smem:$0x3FA8]  }
0x30: {  	s3 =	sld [smem:$0x3FAB]  }
0x31: {  	[smem:$0x3FB4] =	sst s10  }
0x32: {  	s10 =	sld [smem:$0x3FB2];
	_ =	sdelay $0x3  }
0x33: {  	p0 =	seq.s32 s10, $0x1;
	s10 =	sld [smem:$0x3FB4];
	_ =	sdelay $0x3  }
0x34: {  	[smem:$0x3FB4] =	sst s10  }
0x35: {  	s10 =	sld [smem:$0x3FB3];
	_ =	sdelay $0x3  }
0x36: {  	p1 =	seq.s32 s10, $0x1;
	s10 =	sld [smem:$0x3FB4];
	_ =	sdelay $0x3  }
0x37: {  	[smem:$0x3FB4] =	sst s10  }
0x38: {  	s10 =	sld [smem:$0x3FB5]  }
0x39: {  	_ = 	snop;
	(pc) =	sbr.ind lr, $3  }
0x3a: {  	_ = 	snop  }
0x3b: {  	_ = 	snop  }
0x3c: {  	p2 =	seq.s32 s10, $0x1;
	s10 =	sld [smem:$0x3FB4]  }
0x3d: {  	_ =	shalt  }
0x3e: {  	_ =	shalt  }
0x3f: {  	_ =	shalt  }
0x40: {  	_ =	shalt  }
0x41: {  	_ =	shalt  }
0x42: {  	_ =	shalt  }
0x43: {  	_ =	shalt  }
0x44: {  	_ =	shalt  }
0x45: {  	_ =	shalt  }
0x46: {  	_ =	shalt  }
0x47: {  	_ =	shalt  }
0x48: {  	_ =	shalt  }
0x49: {  	_ =	shalt  }
0x4a: {  	_ =	shalt  }
0x4b: {  	_ =	shalt  }
0x4c: {  	_ =	shalt  }
0x4d: {  	_ =	shalt  }
0x4e: {  	_ =	shalt  }
0x4f: {  	_ =	shalt  }
0x50: {  	_ =	shalt  }
0x51: {  	_ =	shalt  }
0x52: {  	_ =	shalt  }
0x53: {  	_ =	shalt  }
0x54: {  	_ =	shalt  }
0x55: {  	_ =	shalt  }
0x56: {  	_ =	shalt  }
0x57: {  	_ =	shalt  }
0x58: {  	_ =	shalt  }
0x59: {  	_ =	shalt  }
0x5a: {  	_ =	shalt  }
0x5b: {  	_ =	shalt  }
0x5c: {  	_ =	shalt  }
0x5d: {  	_ =	shalt  }
0x5e: {  	_ =	shalt  }
0x5f: {  	_ =	shalt  }
0x60: {  	_ =	shalt  }
0x61: {  	_ =	shalt  }
0x62: {  	_ =	shalt  }
0x63: {  	_ =	shalt  }
0x64: {  	_ =	shalt  }
0x65: {  	_ =	shalt  }
0x66: {  	_ =	shalt  }
0x67: {  	_ =	shalt  }
0x68: {  	_ =	shalt  }
0x69: {  	_ =	shalt  }
0x6a: {  	_ =	shalt  }
0x6b: {  	_ =	shalt  }
0x6c: {  	_ =	shalt  }
0x6d: {  	_ =	shalt  }
0x6e: {  	_ =	shalt  }
0x6f: {  	_ =	shalt  }
0x70: {  	_ =	shalt  }
0x71: {  	_ =	shalt  }
0x72: {  	_ =	shalt  }
0x73: {  	_ =	shalt  }
0x74: {  	_ =	shalt  }
0x75: {  	_ =	shalt  }
0x76: {  	_ =	shalt  }
0x77: {  	_ =	shalt  }
0x78: {  	_ =	shalt  }
0x79: {  	_ =	shalt  }
0x7a: {  	_ =	shalt  }
0x7b: {  	_ =	shalt  }
0x7c: {  	_ =	shalt  }
0x7d: {  	_ =	shalt  }
0x7e: {  	_ =	shalt  }
0x7f: {  	_ =	shalt  }
0x80: {  	_ =	shalt  }
0x81: {  	_ =	shalt  }
0x82: {  	_ =	shalt  }
0x83: {  	_ =	shalt  }
0x84: {  	_ =	shalt  }
0x85: {  	_ =	shalt  }
0x86: {  	_ =	shalt  }
0x87: {  	_ =	shalt  }
.Lfunc_end0:
.L_simem_size_0:
called_computation.1_lowered:
.L_overlay_start_0:
0x88: {  	s2 =	sld [smem:$0x3FD9]  }
0x89: {  	s3 =	sld [smem:$0x3FFE];
	_ =	sdelay $0x1  }
0x8a: {  	s1 =	srdreg.scid  }
0x8b: {  	s0 =	sand.u32 $0x1, s1  }
0x8c: {  	s16 =	sshll.u32 s0, $0xA;
	s2 =	sadd.s32 s3, s2  }
0x8d: {  	s2 =	sadd.s32 s2, s16  }
0x8e: {  	[smem:$0x3FC0] =	sst s2  }
0x8f: {  	_ = 	snop  }
0x90: {  	(tm) =	ssettm $0x1  }
0x91: {  	s17 =	sld [smem:$0x3FFB];
	_ =	sdelay $0x3  }
0x92: {  	_ =	strace s17  }
0x93: {  	s2 =	sld [smem:$0x3FFC];
	_ =	sdelay $0x3  }
0x94: {  	_ =	strace s2  }
0x95: {  	s2 =	sld [smem:$0x3FFD];
	_ =	sdelay $0x3  }
0x96: {  	_ =	strace s2  }
0x97: {  	_ =	strace $0x8FFFFFFF  }
0x98: {  	s18 =	sld [smem:$0x3FDB];
	_ =	sdelay $0x1  }
0x99: {  	s19 =	simm.s32 $_scs_section_size  }
0x9a: {  	s4 =	simm.s32 $_size__tile_overlayer_lowered;
	s5 =	simm.s32 $_tile_overlayer_lowered  }
0x9b: {  	s22 =	simm.s32 $0x1BFF;
	s21 =	sshll.u32 s5, $0x1;
	s2 =	sadd.s32 s19, s18  }
0x9c: {  	s6 =	simm.s32 $0x0;
	s20 =	sshll.u32 s4, $0x1;
	s4 =	sadd.s32 s21, s2  }
0x9d: {  	[timem:s6], [sflag:s22] =	dma.local [hbm:s4], s20  }
0x9e: {  	_ =	swait.ge [sflag:s22], s20  }
0x9f: {  	s3 =	ssub.s32 $0x0, s20;
	[sflag:s22] =	ssyncset.done $0x0  }
0xa0: {  	[sflag:s22] =	ssyncadd.s32 s3;
	_ =	sdelay $0x1  }
0xa1: {  	s23 =	simm.s32 $0x1B8B  }
0xa2: {  	_ =	swait.ge [sflag:s23], $0x1  }
0xa3: {  	[sflag:s23] =	ssyncset.done $0x0  }
0xa4: {  	s25 =	simm.s32 $0x1B8E;
	s24 =	sld [smem:$0x3FFE];
	[sflag:s23] =	ssyncadd.s32 $0xFFFFFFFF  }
0xa5: {  	s26 =	simm.s32 $execute0_lowered;
	[smem:$0x3FD2] =	sst s25  }
0xa6: {  	s4 =	sshll.u32 s26, $0x1;
	_ =	strace $0x80000049;
	[dreg:$0x1] =	wrdreg $0xFFFFFFFF  }
0xa7: {  	s28 =	simm.s32 $_size_execute0_lowered;
	s2 =	sadd.s32 s2, s4;
	[dreg:$0x0] =	wrdreg $0x0  }
0xa8: {  	s4 =	sshll.u32 s28, $0x1;
	[dreg:$0x2] =	wrdreg s2  }
0xa9: {  	[dreg:$0x3] =	wrdreg s4  }
0xaa: {  	[dreg:$0x4] =	wrdreg $0xC0  }
0xab: {  	_ =	task [dreg:s6], $0x5FFFF  }
0xac: {  	[dreg:$0x1] =	wrdreg $0xFFFFFFFF  }
0xad: {  	[dreg:$0x0] =	wrdreg $0x60  }
0xae: {  	[dreg:$0x2] =	wrdreg s24  }
0xaf: {  	[dreg:$0x3] =	wrdreg $0x2B800  }
0xb0: {  	[dreg:$0x4] =	wrdreg $0x9  }
0xb1: {  	_ =	task.clear_ibuf [dreg:s6], $0x5FFFF;
	_ =	strace $0x90000049  }
0xb2: {  	s29 =	simm.s32 $0x9;
	_ =	strace $0x8000004B  }
0xb3: {  	_ =	swait.ge [sflag:s29], $0x1  }
0xb4: {  	[sflag:s29] =	ssyncadd.s32 $0xFFFFFFFF  }
0xb5: {  	_ =	strace $0x9000004B  }
0xb6: {  	_ =	sfence  }
0xb7: {  	s30 =	sld [smem:$0x0];
	_ =	sdelay $0x2  }
0xb8: {  	s31 =	sshll.u32 s1, $0xD;
	s1 =	sshrl.u32 s1, $0x2  }
0xb9: {  	s3 =	sand.u32 $0x4000, s31;
	s1 =	sadd.s32 s1, s30  }
0xba: {  	s0 =	sor.u32 s3, s0;
	s1 =	sshll.u32 s1, $0x11  }
0xbb: {  	s0 =	sor.u32 s1, s0  }
0xbc: {  	s0 =	sadd.s32 $0x8F2B, s0  }
0xbd: {  	[sflag:s0] =	ssyncadd.remote.s32 $0x1  }
0xbe: {  	_ =	sfence.sel $0xFFFF  }
0xbf: {  	[dreg:$0x0] =	wrdreg $0xFFFFFFFF;
	(pc) =	sbr.abs _section_cstart, $3  }
0xc0: {  	[dreg:$0x1] =	wrdreg $0xFFFFFFFF  }
0xc1: {  	_ =	task.clear_ibuf [dreg:s6], $0x2FFFF;
	_ =	strace $0x9FFFFFFF  }
0xc2: {  	(tm) =	ssettm $0x7FFFFFFF  }
0xc3: {  	_ =	shalt  }
tec
execute0_lowered:
.L_overlay_start_1:
0x0: {  	(tag) =	ssettag $0x1  }
0x1: {  	s7 =	rddreg [dreg:$0x0]  }
0x2: {  	s0 =	srdreg.scid;
	s2 =	rddreg [dreg:$0x1];
	s3 =	simm.s32 $0x0  }
0x3: {  	s11 =	simm.s32 $0x5D200;
	s12 =	simm.s32 $0x1400;
	s13 =	simm.s32 $0x80  }
0x4: {  	s14 =	simm.s32 $0x2800;
	s15 =	simm.s32 $0x2;
	s16 =	simm.s32 $0x1380  }
0x5: {  	s17 =	simm.s32 $0x2880;
	s18 =	simm.s32 $0x0;
	s5 =	sand.u32 $0x1, s0  }
0x6: {  	s0 =	stileid.u32;
	[smem:$0x7FF] =	sst s3;
	s1 =	sshll.u32 s5, $0x4  }
0x7: {  	s6 =	ssub.s32 $0x2, s5;
	s9 =	smul.u32 $0x280, s0;
	p0 =	seq.s32 s5, $0x1  }
0x8: {  	s4 =	sor.u32 s0, s1;
	s1 =	rddreg [dreg:$0x2];
	_ =	strace $0x8000004A  }
0x9: {  	s10 =	sshrl.u32 s6, $0x1;
	s11 =	simm.s32 @!p0 $0x5CC00;
	s4 =	smul.u32 $0x280, s4  }
0xa: {  	s5 =	sadd.s32 s9, s2;
	s9 =	sshrl.u32 s9, $0x3;
	s11 =	sadd.s32 s11, s7  }
0xb: {  	s10 =	ssub.s32 s6, s10;
	s9 =	sadd.s32 s11, s9;
	s8 =	sadd.s32 s4, s7  }
0xc: {  	s11 =	simm.s32 $0x3;
	s4 =	sadd.s32 $0x5C600, s7;
	s6 =	sadd.s32 $0x7600, s8  }
0xd: {  	v0 =	vimm.f32 $0.0e+00;
	s7 =	sadd.s32 $0x2600, s8;
	s8 =	smax.u32 s10, $0x1;
	s10 =	simm.s32 $0x2900  }
.LBB2_1:
0xe: {  	[tilespmem:$0x2900] =	vst v0  }
0xf: {  	[tilespmem:$0x2910] =	vst v0  }
0x10: {  	[tilespmem:$0x2920] =	vst v0  }
0x11: {  	[tilespmem:$0x2930] =	vst v0  }
0x12: {  	[tilespmem:$0x2940] =	vst v0  }
0x13: {  	[tilespmem:$0x2950] =	vst v0  }
0x14: {  	[tilespmem:$0x2960] =	vst v0  }
0x15: {  	[tilespmem:$0x2970] =	vst v0  }
0x16: {  	[tilespmem:$0x2980] =	vst v0  }
0x17: {  	[tilespmem:$0x2990] =	vst v0  }
0x18: {  	[tilespmem:$0x29A0] =	vst v0  }
0x19: {  	[tilespmem:$0x29B0] =	vst v0  }
0x1a: {  	[tilespmem:$0x29C0] =	vst v0  }
0x1b: {  	[tilespmem:$0x29D0] =	vst v0  }
0x1c: {  	[tilespmem:$0x29E0] =	vst v0  }
0x1d: {  	[tilespmem:$0x29F0] =	vst v0  }
0x1e: {  	[tilespmem:$0x2A00] =	vst v0  }
0x1f: {  	[tilespmem:$0x2A10] =	vst v0  }
0x20: {  	[tilespmem:$0x2A20] =	vst v0  }
0x21: {  	[tilespmem:$0x2A30] =	vst v0  }
0x22: {  	[tilespmem:$0x2A40] =	vst v0  }
0x23: {  	[tilespmem:$0x2A50] =	vst v0  }
0x24: {  	[tilespmem:$0x2A60] =	vst v0  }
0x25: {  	[tilespmem:$0x2A70] =	vst v0  }
0x26: {  	[tilespmem:$0x2A80] =	vst v0  }
0x27: {  	[tilespmem:$0x2A90] =	vst v0  }
0x28: {  	[tilespmem:$0x2AA0] =	vst v0  }
0x29: {  	[tilespmem:$0x2AB0] =	vst v0  }
0x2a: {  	[tilespmem:$0x2AC0] =	vst v0  }
0x2b: {  	[tilespmem:$0x2AD0] =	vst v0  }
0x2c: {  	[tilespmem:$0x2AE0] =	vst v0  }
0x2d: {  	[tilespmem:$0x2AF0] =	vst v0  }
0x2e: {  	[tilespmem:$0x2B00] =	vst v0  }
0x2f: {  	[tilespmem:$0x2B10] =	vst v0  }
0x30: {  	[tilespmem:$0x2B20] =	vst v0  }
0x31: {  	[tilespmem:$0x2B30] =	vst v0  }
0x32: {  	[tilespmem:$0x2B40] =	vst v0  }
0x33: {  	[tilespmem:$0x2B50] =	vst v0  }
0x34: {  	[tilespmem:$0x2B60] =	vst v0  }
0x35: {  	[tilespmem:$0x2B70] =	vst v0  }
0x36: {  	[spmem:s5] =	stream.linear.scatter [tilespmem:s10], [sflag:$0x3], $0x280, $0x38;
	[tilespmem:$0x2E00] =	vst v63  }
0x37: {  	_ =	swait.ge [sflag:s11], $0x280  }
0x38: {  	[sflag:s11] =	ssyncset.done $0x0  }
0x39: {  	[sflag:s11] =	ssyncadd.s32 $0xFFFFFD80  }
0x3a: {  	[tilespmem:s3], [sflag:$0x3] =	stream.linear.gather [hbm4b:s6+s3], $0x1400, $0x38;
	[tilespmem:$0x2E00] =	vst v63  }
0x3b: {  	_ =	swait.ge [sflag:s11], $0x1400  }
0x3c: {  	[sflag:s11] =	ssyncset.done $0x0  }
0x3d: {  	[sflag:s11] =	ssyncadd.s32 $0xFFFFEC00  }
0x3e: {  	[tilespmem:s12], [sflag:$0x3] =	stream.linear.gather [hbm4b:s7+s3], $0x1400, $0x38;
	[tilespmem:$0x2E00] =	vst v63  }
0x3f: {  	_ =	swait.ge [sflag:s11], $0x1400  }
0x40: {  	[sflag:s11] =	ssyncset.done $0x0  }
0x41: {  	s19 =	sand.u32 $0x1, s3;
	[sflag:s11] =	ssyncadd.s32 $0xFFFFEC00  }
0x42: {  	s20 =	sadd.s32 $0x1, s19;
	[bflag:$0x0] =	sbarrier.arrive $0xFFFF  }
0x43: {  	[tilespmem:s14], [sflag:$0x1] =	stream.indirect.gather [hbm4b:s4+s13], $0x1, s12, s13, $0xb8;
	[tilespmem:$0x2E00] =	vst v63  }
0x44: {  	s21 =	simm.s32 $0x1480;
	s22 =	sxor.u32 $0x1, s19;
	_ =	swait.ge [sflag:s20], $0x80  }
0x45: {  	s19 =	sshll.u32 s19, $0x7;
	s23 =	sshll.u32 s22, $0x7;
	[sflag:s20] =	ssyncset.done $0x0  }
0x46: {  	s31 =	sadd.s32 $0x1, s22;
	s23 =	sor.u32 $0x2800, s23;
	[sflag:s20] =	ssyncadd.s32 $0xFFFFFF80  }
0x47: {  	[tilespmem:s23], [sflag:s31] =	stream.indirect.gather [hbm4b:s4+s13], $0x1, s21, s13, $0xb8;
	[tilespmem:$0x2E00] =	vst v63  }
0x48: {  	s19 =	sor.u32 $0x2800, s19  }
0x49: {  	[spmem:s2] =	stream.indirect.scatter.add.f32 [tilespmem:s19], [sflag:$0x3], $0x1, s3, s13, $0xb8;
	[tilespmem:$0x2E00] =	vst v63  }
0x4a: {  	s22 =	simm.s32 $0x2;
	s20 =	simm.s32 $0x1500;
	_ =	swait.ge [sflag:s11], $0x80  }
0x4b: {  	s21 =	simm.s32 $0x1;
	s19 =	simm.s32 $0x80;
	[sflag:s11] =	ssyncset.done $0x0  }
.LBB2_2:
0x4c: {  	s23 =	sand.u32 $0x1, s21  }
0x4d: {  	[sflag:s11] =	ssyncadd.s32 $0xFFFFFF80;
	s21 =	smov.u32 s22;
	s24 =	sadd.s32 $0x1, s22  }
0x4e: {  	s25 =	sshll.u32 s23, $0x7;
	s26 =	sadd.s32 $0x1, s23;
	s23 =	sxor.u32 $0x1, s23  }
0x4f: {  	p0 =	sne.s32 s22, $0x26;
	_ =	swait.ge [sflag:s26], $0x80;
	s22 =	sshll.u32 s23, $0x7  }
0x50: {  	[sflag:s26] =	ssyncset.done $0x0;
	s22 =	sor.u32 $0x2800, s22  }
0x51: {  	s23 =	sadd.s32 $0x1, s23;
	[sflag:s26] =	ssyncadd.s32 $0xFFFFFF80  }
0x52: {  	[tilespmem:s22], [sflag:s23] =	stream.indirect.gather [hbm4b:s4+s13], $0x1, s20, s13, $0xb8;
	[tilespmem:$0x2E00] =	vst v63  }
.Ltmp0:
0x53: {  	_ = 	snop;
	(pc) =	sbr.rel @p0 .LBB2_2-.Ltmp0, $4  }
0x54: {  	s22 =	sor.u32 $0x2800, s25  }
0x55: {  	[spmem:s2] =	stream.indirect.scatter.add.f32 [tilespmem:s22], [sflag:$0x3], $0x1, s19, s13, $0xb8;
	[tilespmem:$0x2E00] =	vst v63  }
0x56: {  	s20 =	sadd.s32 $0x80, s20;
	_ =	swait.ge [sflag:s11], $0x80  }
0x57: {  	s19 =	sadd.s32 $0x80, s19;
	s22 =	smov.u32 s24;
	[sflag:s11] =	ssyncset.done $0x0  }
0x58: {  	s21 =	sand.u32 $0x1, s21  }
0x59: {  	[sflag:s11] =	ssyncadd.s32 $0xFFFFFF80;
	s22 =	sadd.s32 $0x1, s21  }
0x5a: {  	s23 =	sxor.u32 $0x1, s21;
	_ =	swait.ge [sflag:s22], $0x80  }
0x5b: {  	s21 =	sshll.u32 s21, $0x7;
	s24 =	sshll.u32 s23, $0x7;
	[sflag:s22] =	ssyncset.done $0x0  }
0x5c: {  	s28 =	sadd.s32 $0x1, s23;
	s24 =	sor.u32 $0x2800, s24;
	[sflag:s22] =	ssyncadd.s32 $0xFFFFFF80  }
0x5d: {  	[tilespmem:s24], [sflag:s28] =	stream.indirect.gather [hbm4b:s4+s13], $0x1, s20, s13, $0xb8;
	[tilespmem:$0x2E00] =	vst v63  }
0x5e: {  	s29 =	sor.u32 $0x2800, s21  }
0x5f: {  	[spmem:s2] =	stream.indirect.scatter.add.f32 [tilespmem:s29], [sflag:$0x3], $0x1, s19, s13, $0xb8;
	[tilespmem:$0x2E00] =	vst v63  }
0x60: {  	_ =	swait.ge [sflag:s11], $0x80  }
0x61: {  	[sflag:s11] =	ssyncset.done $0x0  }
0x62: {  	[sflag:s11] =	ssyncadd.s32 $0xFFFFFF80  }
0x63: {  	_ =	swait.ge [sflag:s15], $0x80  }
0x64: {  	[sflag:s15] =	ssyncset.done $0x0  }
0x65: {  	[sflag:s15] =	ssyncadd.s32 $0xFFFFFF80  }
0x66: {  	[spmem:s2] =	stream.indirect.scatter.add.f32 [tilespmem:s17], [sflag:$0x3], $0x1, s16, s13, $0xb8;
	[tilespmem:$0x2E00] =	vst v63  }
0x67: {  	_ =	swait.ge [sflag:s11], $0x80  }
0x68: {  	s30 =	sshll.u32 s0, $0x6;
	s18 =	sadd.s32 $0x1, s18;
	[sflag:s11] =	ssyncset.done $0x0  }
0x69: {  	s31 =	sshrl.u32 s5, $0x3;
	p0 =	sne.s32 s18, s8;
	[sflag:s11] =	ssyncadd.s32 $0xFFFFFF80  }
.Ltmp1:
0x6a: {  	s19 =	sor.u32 $0x1C03, s30;
	[bflag:$0x0] =	sbarrier.arrive $0xFFFF;
	(pc) =	sbr.rel @p0 .LBB2_1-.Ltmp1, $4  }
0x6b: {  	[hbm:s9], [sflag:s19] =	dma.local [spmem:s31], $0x50  }
0x6c: {  	_ =	swait.ge [sflag:s11], $0x50  }
0x6d: {  	[sflag:s11] =	ssyncset.done $0x0  }
0x6e: {  	[sflag:s11] =	ssyncadd.s32 $0xFFFFFFB0  }
0x6f: {  	_ =	sfence.sel $0x180000  }
0x70: {  	[bflag:$0x0] =	sbarrier.arrive $0xFFFF  }
0x71: {  	p0 =	sne.s32 s0, $0x0;
	_ =	strace $0x9000004A  }
0x72: {  	s0 =	sadd.s32 @!p0 $0x100000, s1;
	[bflag:$0x2] =	sbarrier.arrive $0xFFFF  }
0x73: {  	[sflag:s0] =	ssyncadd.tile.s32 @!p0 $0x1;
	_ =	shalt  }
.Lfunc_end2:
_tile_overlayer_lowered:
.L_overlay_start_2:
0x74: {  	(tag) =	ssettag $0x2  }
0x75: {  	s0 =	rddreg [dreg:$0x0];
	s2 =	stileid.u32  }
0x76: {  	s1 =	rddreg [dreg:$0x1];
	p0 =	sne.s32 s2, $0x0  }
0x77: {  	s3 =	rddreg [dreg:$0x2];
	[bflag:$0x3] =	sbarrier.arrive $0xFFFF;
	s2 =	simm.s32 @!p0 $0x1C03  }
0x78: {  	[timem:s3], [sflag:s2] =	dma.local @!p0 [hbm:s0], s1  }
0x79: {  	s0 =	simm.s32 @!p0 $0x3  }
0x7a: {  	_ =	swait.ge @!p0 [sflag:s0], s1  }
0x7b: {  	s1 =	ssub.s32 @!p0 $0x0, s1;
	[sflag:s0] =	ssyncset.done @!p0 $0x0  }
0x7c: {  	[sflag:s0] =	ssyncadd.s32 @!p0 s1  }
0x7d: {  	[bflag:$0x3] =	sbarrier.arrive $0xFFFF  }
0x7e: {  	_ =	shalt  }

// kernel: kernel.13.cloned.1.call-start
scs
__scs_entry_jumppad:
0x0: {  	(pc) =	sbr.rel $0x88, $3  }
0x1: {  	(tag) =	ssettag $0x0;
	lr =	simm.s32 $0x1  }
0x2: {  	[smem:$0x3F99] =	sst lr;
	_ =	strace $0xD0000000  }
0x3: {  	_ = 	snop  }
0x4: {  	_ = 	snop  }
0x5: {  	_ = 	snop  }
0x6: {  	_ = 	snop  }
0x7: {  	_ = 	snop  }
__scs_overlays_trampoline_lowered:
0x8: {  	[smem:$0x3FA8] =	sst s0  }
0x9: {  	[smem:$0x3FA9] =	sst s1  }
0xa: {  	[smem:$0x3FAA] =	sst s2  }
0xb: {  	[smem:$0x3FAB] =	sst s3  }
0xc: {  	[smem:$0x3FAC] =	sst s4  }
0xd: {  	[smem:$0x3FAD] =	sst s5  }
0xe: {  	[smem:$0x3FAE] =	sst s6  }
0xf: {  	[smem:$0x3FAF] =	sst s7  }
0x10: {  	[smem:$0x3FB0] =	sst s8  }
0x11: {  	[smem:$0x3FB1] =	sst s9;
	s0 =	simm.s32 @!p0 $0x0  }
0x12: {  	s1 =	sld [smem:$0x3F97];
	s0 =	simm.s32 @p0 $0x1  }
0x13: {  	[smem:$0x3FB2] =	sst s0;
	s0 =	simm.s32 @!p1 $0x0  }
0x14: {  	s2 =	sld [smem:$0x3F96];
	s0 =	simm.s32 @p1 $0x1  }
0x15: {  	[smem:$0x3FB3] =	sst s0;
	s0 =	simm.s32 @!p2 $0x0  }
0x16: {  	s3 =	sld [smem:$0x3FDB];
	s0 =	simm.s32 @p2 $0x1  }
0x17: {  	s4 =	simm.s32 $0x1BF5;
	[smem:$0x3FB5] =	sst s0  }
0x18: {  	s0 =	sld [smem:$0x3F98];
	_ =	swait.ge [sflag:s4], $0x0  }
0x19: {  	s7 =	sld [smem:$0x3F99]  }
0x1a: {  	s8 =	sadd.s32 $0xFFFFE003, lr  }
0x1b: {  	s9 =	sadd.s32 $0xFFFFFEF7, lr;
	s5 =	simm.s32 $0xFFFFFFFF;
	p2 =	slt.u32 s8, $0xFFFFF086  }
0x1c: {  	p1 =	slt.u32 s9, $0xF7A;
	s5 =	simm.s32 @!p2 $0x0  }
0x1d: {  	s5 =	simm.s32 @p1 $0x1;
	p0 =	seq.s32 s7, s2  }
0x1e: {  	s7 =	smul.u32 @!p0 $0xF7A, s2;
	p2 =	seq.s32 @!p0 s5, $0x0  }
0x1f: {  	s9 =	smul.u32 $0xF7A, s1;
	s8 =	simm.s32 @!p0 $0x1BF5;
	p2 =	por !p2, p0  }
0x20: {  	[sflag:s8] =	ssyncset.s32 @!p0 $0xFFFFF086;
	s6 =	sadd.s32 @!p0 s3, s7;
	s7 =	simm.s32 @!p0 $0x108  }
0x21: {  	s3 =	sadd.s32 s3, s9;
	s6 =	sadd.s32 @!p0 $0x88, s6;
	s7 =	simm.s32 @p2 $0x1082  }
0x22: {  	[simem:s7], [sflag:s8] =	dma.local @!p0 [hbm:s6], $0xF7A  }
0x23: {  	s9 =	sor.u32 $0xD0000000, s2;
	s6 =	simm.s32 $0x108;
	_ =	swait.ge @!p0 [sflag:s8], $0x0  }
0x24: {  	s3 =	sadd.s32 $0x88, s3;
	s6 =	simm.s32 @!p1 $0x1082;
	[sflag:s4] =	ssyncset.s32 $0xFFFFF086  }
0x25: {  	[simem:s6], [sflag:s4] =	dma.local [hbm:s3], $0xF7A  }
0x26: {  	[smem:$0x3F99] =	sst s1;
	(tag) =	ssettag s2;
	_ =	strace s9  }
0x27: {  	s1 =	sld [smem:$0x3FA9]  }
0x28: {  	s2 =	sld [smem:$0x3FAA]  }
0x29: {  	s4 =	sld [smem:$0x3FAC]  }
0x2a: {  	p0 =	seq.s32 s5, $0x0;
	s5 =	sld [smem:$0x3FAD]  }
0x2b: {  	s6 =	sld [smem:$0x3FAE]  }
0x2c: {  	s7 =	sld [smem:$0x3FAF]  }
0x2d: {  	s3 =	simm.s32 $0x108;
	s8 =	sld [smem:$0x3FB0]  }
0x2e: {  	s3 =	simm.s32 @!p0 $0x1082;
	s9 =	sld [smem:$0x3FB1]  }
0x2f: {  	lr =	sadd.s32 s0, s3;
	s0 =	sld [smem:$0x3FA8]  }
0x30: {  	s3 =	sld [smem:$0x3FAB]  }
0x31: {  	[smem:$0x3FB4] =	sst s10  }
0x32: {  	s10 =	sld [smem:$0x3FB2];
	_ =	sdelay $0x3  }
0x33: {  	p0 =	seq.s32 s10, $0x1;
	s10 =	sld [smem:$0x3FB4];
	_ =	sdelay $0x3  }
0x34: {  	[smem:$0x3FB4] =	sst s10  }
0x35: {  	s10 =	sld [smem:$0x3FB3];
	_ =	sdelay $0x3  }
0x36: {  	p1 =	seq.s32 s10, $0x1;
	s10 =	sld [smem:$0x3FB4];
	_ =	sdelay $0x3  }
0x37: {  	[smem:$0x3FB4] =	sst s10  }
0x38: {  	s10 =	sld [smem:$0x3FB5]  }
0x39: {  	_ = 	snop;
	(pc) =	sbr.ind lr, $3  }
0x3a: {  	_ = 	snop  }
0x3b: {  	_ = 	snop  }
0x3c: {  	p2 =	seq.s32 s10, $0x1;
	s10 =	sld [smem:$0x3FB4]  }
0x3d: {  	_ =	shalt  }
0x3e: {  	_ =	shalt  }
0x3f: {  	_ =	shalt  }
0x40: {  	_ =	shalt  }
0x41: {  	_ =	shalt  }
0x42: {  	_ =	shalt  }
0x43: {  	_ =	shalt  }
0x44: {  	_ =	shalt  }
0x45: {  	_ =	shalt  }
0x46: {  	_ =	shalt  }
0x47: {  	_ =	shalt  }
0x48: {  	_ =	shalt  }
0x49: {  	_ =	shalt  }
0x4a: {  	_ =	shalt  }
0x4b: {  	_ =	shalt  }
0x4c: {  	_ =	shalt  }
0x4d: {  	_ =	shalt  }
0x4e: {  	_ =	shalt  }
0x4f: {  	_ =	shalt  }
0x50: {  	_ =	shalt  }
0x51: {  	_ =	shalt  }
0x52: {  	_ =	shalt  }
0x53: {  	_ =	shalt  }
0x54: {  	_ =	shalt  }
0x55: {  	_ =	shalt  }
0x56: {  	_ =	shalt  }
0x57: {  	_ =	shalt  }
0x58: {  	_ =	shalt  }
0x59: {  	_ =	shalt  }
0x5a: {  	_ =	shalt  }
0x5b: {  	_ =	shalt  }
0x5c: {  	_ =	shalt  }
0x5d: {  	_ =	shalt  }
0x5e: {  	_ =	shalt  }
0x5f: {  	_ =	shalt  }
0x60: {  	_ =	shalt  }
0x61: {  	_ =	shalt  }
0x62: {  	_ =	shalt  }
0x63: {  	_ =	shalt  }
0x64: {  	_ =	shalt  }
0x65: {  	_ =	shalt  }
0x66: {  	_ =	shalt  }
0x67: {  	_ =	shalt  }
0x68: {  	_ =	shalt  }
0x69: {  	_ =	shalt  }
0x6a: {  	_ =	shalt  }
0x6b: {  	_ =	shalt  }
0x6c: {  	_ =	shalt  }
0x6d: {  	_ =	shalt  }
0x6e: {  	_ =	shalt  }
0x6f: {  	_ =	shalt  }
0x70: {  	_ =	shalt  }
0x71: {  	_ =	shalt  }
0x72: {  	_ =	shalt  }
0x73: {  	_ =	shalt  }
0x74: {  	_ =	shalt  }
0x75: {  	_ =	shalt  }
0x76: {  	_ =	shalt  }
0x77: {  	_ =	shalt  }
0x78: {  	_ =	shalt  }
0x79: {  	_ =	shalt  }
0x7a: {  	_ =	shalt  }
0x7b: {  	_ =	shalt  }
0x7c: {  	_ =	shalt  }
0x7d: {  	_ =	shalt  }
0x7e: {  	_ =	shalt  }
0x7f: {  	_ =	shalt  }
0x80: {  	_ =	shalt  }
0x81: {  	_ =	shalt  }
0x82: {  	_ =	shalt  }
0x83: {  	_ =	shalt  }
0x84: {  	_ =	shalt  }
0x85: {  	_ =	shalt  }
0x86: {  	_ =	shalt  }
0x87: {  	_ =	shalt  }
.Lfunc_end0:
.L_simem_size_0:
called_computation.2_lowered:
.L_overlay_start_0:
0x88: {  	s2 =	sld [smem:$0x3FD9]  }
0x89: {  	s3 =	sld [smem:$0x3FFE];
	_ =	sdelay $0x1  }
0x8a: {  	s1 =	srdreg.scid  }
0x8b: {  	s0 =	sand.u32 $0x1, s1  }
0x8c: {  	s17 =	sshll.u32 s0, $0xA;
	s2 =	sadd.s32 s3, s2  }
0x8d: {  	s2 =	sadd.s32 s2, s17  }
0x8e: {  	[smem:$0x3FC0] =	sst s2  }
0x8f: {  	_ = 	snop  }
0x90: {  	(tm) =	ssettm $0x1  }
0x91: {  	s18 =	sld [smem:$0x3FFB];
	_ =	sdelay $0x3  }
0x92: {  	_ =	strace s18  }
0x93: {  	s2 =	sld [smem:$0x3FFC];
	_ =	sdelay $0x3  }
0x94: {  	_ =	strace s2  }
0x95: {  	s2 =	sld [smem:$0x3FFD];
	_ =	sdelay $0x3  }
0x96: {  	_ =	strace s2  }
0x97: {  	_ =	strace $0x8FFFFFFF  }
0x98: {  	s19 =	sld [smem:$0x3FDB];
	_ =	sdelay $0x1  }
0x99: {  	s20 =	simm.s32 $_scs_section_size  }
0x9a: {  	s4 =	simm.s32 $_size__tile_overlayer_lowered;
	s5 =	simm.s32 $_tile_overlayer_lowered  }
0x9b: {  	s6 =	simm.s32 $0x1BFF;
	s21 =	sshll.u32 s5, $0x1;
	s3 =	sadd.s32 s20, s19  }
0x9c: {  	s22 =	simm.s32 $0x0;
	s4 =	sshll.u32 s4, $0x1;
	s5 =	sadd.s32 s21, s3  }
0x9d: {  	[timem:s22], [sflag:s6] =	dma.local [hbm:s5], s4  }
0x9e: {  	_ =	swait.ge [sflag:s6], s4  }
0x9f: {  	s4 =	ssub.s32 $0x0, s4;
	[sflag:s6] =	ssyncset.done $0x0  }
0xa0: {  	[sflag:s6] =	ssyncadd.s32 s4;
	_ =	sdelay $0x1  }
0xa1: {  	s23 =	simm.s32 $0x1B8B  }
0xa2: {  	_ =	swait.ge [sflag:s23], $0x1  }
0xa3: {  	[sflag:s23] =	ssyncset.done $0x0  }
0xa4: {  	[sflag:s23] =	ssyncadd.s32 $0xFFFFFFFF  }
0xa5: {  	s4 =	sld [smem:$0x0]  }
0xa6: {  	s5 =	sand.u32 $0xFFFFFFFE, s1  }
0xa7: {  	p0 =	sne.s32 s1, s5  }
0xa8: {  	s5 =	sshll.u32 @p0 s5, $0xE  }
0xa9: {  	s5 =	sadd.s32 @p0 $0x11B8D, s5;
	s6 =	sshll.u32 @p0 s4, $0x11  }
0xaa: {  	s5 =	sor.u32 @p0 s6, s5  }
0xab: {  	[sflag:s5] =	ssyncadd.remote.s32 @p0 $0x1;
	_ =	sdelay $0x1  }
0xac: {  	s5 =	simm.s32 @p0 $0x1B8D  }
0xad: {  	_ =	swait.eq @p0 [sflag:s5], $0x1  }
0xae: {  	[sflag:s5] =	ssyncadd.s32 @p0 $0xFFFFFFFF  }
0xaf: {  	s6 =	sshll.u32 @!p0 s1, $0xE  }
0xb0: {  	s6 =	sor.u32 @!p0 $0x4000, s6;
	s5 =	simm.s32 @!p0 $0x1B8D  }
0xb1: {  	s4 =	sshll.u32 @!p0 s4, $0x11;
	s6 =	sadd.s32 @!p0 $0x11B8D, s6;
	_ =	swait.eq @!p0 [sflag:s5], $0x1  }
0xb2: {  	s4 =	sor.u32 @!p0 s4, s6;
	[sflag:s5] =	ssyncadd.s32 @!p0 $0xFFFFFFFF  }
0xb3: {  	s25 =	simm.s32 $0x1B8E;
	s24 =	sld [smem:$0x3FFE];
	[sflag:s4] =	ssyncadd.remote.s32 @!p0 $0x1  }
0xb4: {  	s26 =	simm.s32 $execute0_lowered;
	[smem:$0x3FD2] =	sst s25  }
0xb5: {  	s5 =	sshll.u32 s26, $0x1;
	_ =	strace $0x8000004C;
	[dreg:$0x1] =	wrdreg $0xFFFFFFFF  }
0xb6: {  	s28 =	simm.s32 $_size_execute0_lowered;
	s3 =	sadd.s32 s3, s5;
	[dreg:$0x0] =	wrdreg $0x0  }
0xb7: {  	s5 =	sshll.u32 s28, $0x1;
	[dreg:$0x2] =	wrdreg s3  }
0xb8: {  	[dreg:$0x3] =	wrdreg s5  }
0xb9: {  	[dreg:$0x4] =	wrdreg $0xC0  }
0xba: {  	_ =	task [dreg:s22], $0x5FFFF  }
0xbb: {  	[dreg:$0x1] =	wrdreg $0xFFFFFFFF  }
0xbc: {  	[dreg:$0x0] =	wrdreg $0x60  }
0xbd: {  	[dreg:$0x2] =	wrdreg s24  }
0xbe: {  	[dreg:$0x3] =	wrdreg $0x132800  }
0xbf: {  	[dreg:$0x4] =	wrdreg $0xA  }
0xc0: {  	_ =	task.clear_ibuf [dreg:s22], $0x5FFFF;
	_ =	strace $0x9000004C  }
0xc1: {  	s29 =	simm.s32 $0xA;
	_ =	strace $0x8000004E  }
0xc2: {  	_ =	swait.ge [sflag:s29], $0x1  }
0xc3: {  	[sflag:s29] =	ssyncadd.s32 $0xFFFFFFFF  }
0xc4: {  	_ =	strace $0x9000004E  }
0xc5: {  	_ =	sfence  }
0xc6: {  	s30 =	sld [smem:$0x0];
	_ =	sdelay $0x2  }
0xc7: {  	s31 =	sshll.u32 s1, $0xD;
	s1 =	sshrl.u32 s1, $0x2  }
0xc8: {  	s4 =	sand.u32 $0x4000, s31;
	s1 =	sadd.s32 s1, s30  }
0xc9: {  	s0 =	sor.u32 s4, s0;
	s1 =	sshll.u32 s1, $0x11  }
0xca: {  	s0 =	sor.u32 s1, s0  }
0xcb: {  	s0 =	sadd.s32 $0x8F2B, s0  }
0xcc: {  	[sflag:s0] =	ssyncadd.remote.s32 $0x1  }
0xcd: {  	_ =	sfence.sel $0xFFFF  }
0xce: {  	[dreg:$0x0] =	wrdreg $0xFFFFFFFF;
	(pc) =	sbr.abs _section_cstart, $3  }
0xcf: {  	[dreg:$0x1] =	wrdreg $0xFFFFFFFF  }
0xd0: {  	_ =	task.clear_ibuf [dreg:s22], $0x2FFFF;
	_ =	strace $0x9FFFFFFF  }
0xd1: {  	(tm) =	ssettm $0x7FFFFFFF  }
tec
execute0_lowered:
.L_overlay_start_1:
0x0: {  	(tag) =	ssettag $0x1  }
0x1: {  	s0 =	rddreg [dreg:$0x0]  }
0x2: {  	s1 =	rddreg [dreg:$0x1];
	s2 =	simm.s32 $0x0  }
0x3: {  	s9 =	stileid.u32;
	s6 =	srdreg.scid;
	s28 =	simm.s32 $0x5000  }
0x4: {  	s29 =	simm.s32 $0x7800;
	s30 =	simm.s32 $0x0;
	s3 =	smul.u32 $0x500, s9  }
0x5: {  	[smem:$0x7FF] =	sst s2;
	s7 =	smul.u32 $0x28000, s9;
	s4 =	sadd.s32 $0x34600, s0  }
0x6: {  	s5 =	sadd.s32 $0xC600, s0;
	s17 =	sand.u32 $0x1, s6;
	s18 =	sadd.s32 $0x5D800, s0  }
0x7: {  	p0 =	sne.s32 s9, $0x0;
	_ =	strace $0x8000004D;
	s3 =	sadd.s32 s3, s0  }
0x8: {  	s8 =	ssub.s32 $0x2, s17;
	s12 =	sshrl.u32 s7, $0x2;
	s22 =	sadd.s32 $0x7600, s3  }
0x9: {  	s6 =	sadd.s32 s12, s1;
	s3 =	sadd.s32 $0x2600, s3;
	[dreg:$0x9] =	wrdreg s22  }
0xa: {  	p1 =	sne.s32 s17, $0x0;
	s14 =	sadd.s32 $0x2000, s6;
	[dreg:$0xa] =	wrdreg s3  }
0xb: {  	s0 =	sadd.s32 $0x85800, s0;
	s15 =	sadd.s32 $0x3000, s6;
	[dreg:$0x3] =	wrdreg s14  }
0xc: {  	s13 =	sshrl.u32 s8, $0x1;
	s16 =	sadd.s32 $0x4000, s6;
	[dreg:$0x4] =	wrdreg s15  }
0xd: {  	s7 =	ssub.s32 s8, s13;
	s19 =	sadd.s32 $0x5000, s6;
	[dreg:$0x5] =	wrdreg s16  }
0xe: {  	s12 =	sadd.s32 $0x1000, s6;
	s20 =	sadd.s32 $0x6000, s6;
	[dreg:$0x6] =	wrdreg s19  }
0xf: {  	s21 =	sadd.s32 $0x7000, s6;
	[dreg:$0x7] =	wrdreg s20;
	s19 =	smul.u32 $0xA000, s9  }
0x10: {  	s31 =	smax.u32 s7, $0x1;
	[dreg:$0x8] =	wrdreg s21;
	s20 =	smul.u32 $0x1400, s9  }
0x11: {  	s14 =	sadd.s32 $0x8000, s6;
	s15 =	sadd.s32 $0x9000, s6;
	[dreg:$0xf] =	wrdreg s31  }
.Ltmp0:
0x12: {  	v0 =	vlaneseq.u32;
	v1 =	vimm.f32 $0.0e+00;
	s19 =	sshrl.u32 s19, $0x3;
	s23 =	sadd.s32 s0, s20;
	(pc) =	sbr.rel .LBB2_1-.Ltmp0, $4  }
0x13: {  	v2 =	vimm.s32 $0x0;
	v4 =	vimm.s32 $0x1400;
	v3 =	vmul.u32 $0xFFFFFFFF, v0;
	s25 =	sadd.s32 s18, s20;
	[dreg:$0xb] =	wrdreg s23;
	s24 =	sadd.s32 $0x14000, s19  }
0x14: {  	v5 =	vor.u32 $0x10, v0;
	v6 =	vor.u32 $0x20, v0;
	v7 =	vor.u32 $0x30, v0;
	s16 =	sadd.s32 $0xA0000, s1;
	[dreg:$0xc] =	wrdreg s25;
	s0 =	sadd.s32 s0, s24  }
0x15: {  	v8 =	vor.u32 $0x40, v0;
	v9 =	vor.u32 $0x50, v0;
	v10 =	vor.u32 $0x60, v0;
	s25 =	simm.s32 $0x5;
	s26 =	sadd.s32 s18, s24;
	[dreg:$0xd] =	wrdreg s0  }
0x16: {  	v11 =	vor.u32 $0x70, v0;
	v12 =	vor.u32 $0x80, v0;
	v3 =	vadd.s32 $0xF, v3;
	s24 =	simm.s32 $0x12000;
	[dreg:$0xe] =	wrdreg s26;
	s26 =	simm.s32 $0x2800  }
.LBB2_20:
0x17: {  	s7 =	sxor.u32 $0xFFFFFFFF, s19  }
0x18: {  	s7 =	sand.u32 $0x1, s7  }
0x19: {  	s7 =	sadd.s32 $0x3, s7  }
0x1a: {  	_ =	swait.ge [sflag:s7], $0x4000  }
0x1b: {  	[sflag:s7] =	ssyncset.done $0x0  }
0x1c: {  	[sflag:s7] =	ssyncadd.s32 $0xFFFFC000  }
.LBB2_21:
0x1d: {  	[bflag:$0x0] =	sbarrier.arrive $0xFFFF  }
0x1e: {  	[hbm:s3], [sflag:s31] =	dma.local [spmem:s0], $0x1400  }
0x1f: {  	_ =	swait.ge [sflag:s25], $0x1400  }
0x20: {  	s30 =	sadd.s32 $0x1, s30;
	s31 =	rddreg [dreg:$0xf]  }
0x21: {  	p2 =	sne.s32 s30, s31  }
.Ltmp1:
0x22: {  	_ = 	snop;
	(pc) =	sbr.rel @!p2 .LBB2_22-.Ltmp1, $3  }
0x23: {  	_ =	sdelay $0x1  }
0x24: {  	[sflag:s25] =	ssyncset.done $0x0  }
0x25: {  	[sflag:s25] =	ssyncadd.s32 $0xFFFFEC00  }
.LBB2_1:
0x26: {  	s0 =	sand.u32 $0x3E00, s2  }
0x27: {  	s3 =	sand.u32 $0x70, s2;
	s7 =	sshrl.u32 s0, $0x2  }
0x28: {  	s0 =	simm.s32 $0x40;
	s17 =	sor.u32 s3, s7;
	s3 =	simm.s32 $0x0  }
.LBB2_2:
0x29: {  	p2 =	sne.s32 s0, $0x3FC0  }
0x2a: {  	[tilespmem:s17+$0x12000] =	vst v1;
	s3 =	sadd.s32 $0x10, s3;
	s7 =	smov.u32 s0;
	s0 =	sadd.s32 $0x40, s0  }
.Ltmp2:
0x2b: {  	(pc) =	sbr.rel @p2 .LBB2_2-.Ltmp2, $4  }
0x2c: {  	_ = 	snop  }
0x2d: {  	s7 =	sand.u32 $0x3E00, s7  }
0x2e: {  	s17 =	sand.u32 $0x70, s3;
	s7 =	sshrl.u32 s7, $0x2  }
0x2f: {  	s17 =	sor.u32 s17, s7  }
0x30: {  	[tilespmem:s17+$0x12000] =	vst v1  }
0x31: {  	[tilespmem:$0x13000] =	vst v1  }
0x32: {  	[tilespmem:$0x13010] =	vst v1  }
0x33: {  	[tilespmem:$0x13020] =	vst v1  }
0x34: {  	[tilespmem:$0x13030] =	vst v1  }
0x35: {  	[tilespmem:$0x13040] =	vst v1  }
0x36: {  	[tilespmem:$0x13050] =	vst v1  }
0x37: {  	[tilespmem:$0x13060] =	vst v1  }
0x38: {  	[tilespmem:$0x13070] =	vst v1  }
0x39: {  	[tilespmem:$0x13080] =	vst v1  }
0x3a: {  	[tilespmem:$0x13090] =	vst v1  }
0x3b: {  	[tilespmem:$0x130A0] =	vst v1  }
0x3c: {  	[tilespmem:$0x130B0] =	vst v1  }
0x3d: {  	[tilespmem:$0x130C0] =	vst v1  }
0x3e: {  	[tilespmem:$0x130D0] =	vst v1  }
0x3f: {  	[tilespmem:$0x130E0] =	vst v1  }
0x40: {  	[tilespmem:$0x130F0] =	vst v1  }
0x41: {  	[tilespmem:$0x13100] =	vst v1  }
0x42: {  	[tilespmem:$0x13110] =	vst v1  }
0x43: {  	[tilespmem:$0x13120] =	vst v1  }
0x44: {  	[tilespmem:$0x13130] =	vst v1  }
0x45: {  	[tilespmem:$0x13140] =	vst v1  }
0x46: {  	[tilespmem:$0x13150] =	vst v1  }
0x47: {  	[tilespmem:$0x13160] =	vst v1  }
0x48: {  	[tilespmem:$0x13170] =	vst v1  }
0x49: {  	[tilespmem:$0x13180] =	vst v1  }
0x4a: {  	[tilespmem:$0x13190] =	vst v1  }
0x4b: {  	[tilespmem:$0x131A0] =	vst v1  }
0x4c: {  	[tilespmem:$0x131B0] =	vst v1  }
0x4d: {  	[tilespmem:$0x131C0] =	vst v1  }
0x4e: {  	[tilespmem:$0x131D0] =	vst v1  }
0x4f: {  	[tilespmem:$0x131E0] =	vst v1  }
0x50: {  	[tilespmem:$0x131F0] =	vst v1  }
0x51: {  	[tilespmem:$0x13200] =	vst v1  }
0x52: {  	[tilespmem:$0x13210] =	vst v1  }
0x53: {  	[tilespmem:$0x13220] =	vst v1  }
0x54: {  	[tilespmem:$0x13230] =	vst v1  }
0x55: {  	[tilespmem:$0x13240] =	vst v1  }
0x56: {  	[tilespmem:$0x13250] =	vst v1  }
0x57: {  	[tilespmem:$0x13260] =	vst v1  }
0x58: {  	[tilespmem:$0x13270] =	vst v1  }
0x59: {  	[spmem:s6] =	stream.linear.scatter [tilespmem:s24], [sflag:$0x5], $0x1000, $0x38;
	[tilespmem:$0x1D2C0] =	vst v63  }
0x5a: {  	_ =	swait.ge [sflag:s25], $0x1000  }
0x5b: {  	[sflag:s25] =	ssyncset.done $0x0  }
0x5c: {  	[sflag:s25] =	ssyncadd.s32 $0xFFFFF000  }
0x5d: {  	[spmem:s12] =	stream.linear.scatter [tilespmem:s24], [sflag:$0x5], $0x1000, $0x38;
	[tilespmem:$0x1D2C0] =	vst v63  }
0x5e: {  	_ =	swait.ge [sflag:s25], $0x1000  }
0x5f: {  	[sflag:s25] =	ssyncset.done $0x0  }
0x60: {  	s0 =	rddreg [dreg:$0x3];
	[sflag:s25] =	ssyncadd.s32 $0xFFFFF000  }
0x61: {  	[spmem:s0] =	stream.linear.scatter [tilespmem:s24], [sflag:$0x5], $0x1000, $0x38;
	[tilespmem:$0x1D2C0] =	vst v63  }
0x62: {  	_ =	swait.ge [sflag:s25], $0x1000  }
0x63: {  	[sflag:s25] =	ssyncset.done $0x0  }
0x64: {  	s17 =	rddreg [dreg:$0x4];
	[sflag:s25] =	ssyncadd.s32 $0xFFFFF000  }
0x65: {  	[spmem:s17] =	stream.linear.scatter [tilespmem:s24], [sflag:$0x5], $0x1000, $0x38;
	[tilespmem:$0x1D2C0] =	vst v63  }
0x66: {  	_ =	swait.ge [sflag:s25], $0x1000  }
0x67: {  	[sflag:s25] =	ssyncset.done $0x0  }
0x68: {  	s18 =	rddreg [dreg:$0x5];
	[sflag:s25] =	ssyncadd.s32 $0xFFFFF000  }
0x69: {  	[spmem:s18] =	stream.linear.scatter [tilespmem:s24], [sflag:$0x5], $0x1000, $0x38;
	[tilespmem:$0x1D2C0] =	vst v63  }
0x6a: {  	_ =	swait.ge [sflag:s25], $0x1000  }
0x6b: {  	[sflag:s25] =	ssyncset.done $0x0  }
0x6c: {  	s19 =	rddreg [dreg:$0x6];
	[sflag:s25] =	ssyncadd.s32 $0xFFFFF000  }
0x6d: {  	[spmem:s19] =	stream.linear.scatter [tilespmem:s24], [sflag:$0x5], $0x1000, $0x38;
	[tilespmem:$0x1D2C0] =	vst v63  }
0x6e: {  	_ =	swait.ge [sflag:s25], $0x1000  }
0x6f: {  	[sflag:s25] =	ssyncset.done $0x0  }
0x70: {  	s20 =	rddreg [dreg:$0x7];
	[sflag:s25] =	ssyncadd.s32 $0xFFFFF000  }
0x71: {  	[spmem:s20] =	stream.linear.scatter [tilespmem:s24], [sflag:$0x5], $0x1000, $0x38;
	[tilespmem:$0x1D2C0] =	vst v63  }
0x72: {  	_ =	swait.ge [sflag:s25], $0x1000  }
0x73: {  	[sflag:s25] =	ssyncset.done $0x0  }
0x74: {  	s21 =	rddreg [dreg:$0x8];
	[sflag:s25] =	ssyncadd.s32 $0xFFFFF000  }
0x75: {  	[spmem:s21] =	stream.linear.scatter [tilespmem:s24], [sflag:$0x5], $0x1000, $0x38;
	[tilespmem:$0x1D2C0] =	vst v63  }
0x76: {  	_ =	swait.ge [sflag:s25], $0x1000  }
0x77: {  	[sflag:s25] =	ssyncset.done $0x0  }
0x78: {  	[sflag:s25] =	ssyncadd.s32 $0xFFFFF000  }
0x79: {  	[spmem:s14] =	stream.linear.scatter [tilespmem:s24], [sflag:$0x5], $0x1000, $0x38;
	[tilespmem:$0x1D2C0] =	vst v63  }
0x7a: {  	_ =	swait.ge [sflag:s25], $0x1000  }
0x7b: {  	[sflag:s25] =	ssyncset.done $0x0  }
0x7c: {  	[sflag:s25] =	ssyncadd.s32 $0xFFFFF000  }
0x7d: {  	[spmem:s15] =	stream.linear.scatter [tilespmem:s24], [sflag:$0x5], $0x1000, $0x38;
	[tilespmem:$0x1D2C0] =	vst v63  }
0x7e: {  	_ =	swait.ge [sflag:s25], $0x1000  }
0x7f: {  	[sflag:s25] =	ssyncset.done $0x0  }
0x80: {  	s0 =	simm.s32 @!p0 $0x12000;
	[sflag:s25] =	ssyncadd.s32 $0xFFFFF000  }
0x81: {  	[spmem:s16] =	stream.linear.scatter @!p0 [tilespmem:s0], [sflag:$0x5], $0x400, $0x38;
	[tilespmem:$0x1D2C0] =	vst v63  }
0x82: {  	s0 =	simm.s32 @!p0 $0x5  }
0x83: {  	_ =	swait.ge @!p0 [sflag:s0], $0x400  }
0x84: {  	[sflag:s0] =	ssyncset.done @!p0 $0x0  }
0x85: {  	s22 =	simm.s32 $0x0;
	s3 =	rddreg [dreg:$0x9];
	[sflag:s0] =	ssyncadd.s32 @!p0 $0xFFFFFC00  }
0x86: {  	[tilespmem:s22], [sflag:$0x5] =	stream.linear.gather [hbm4b:s3+s22], $0x2800, $0x38;
	[tilespmem:$0x1D2C0] =	vst v63  }
0x87: {  	_ =	swait.ge [sflag:s25], $0x2800  }
0x88: {  	[sflag:s25] =	ssyncset.done $0x0  }
0x89: {  	s23 =	rddreg [dreg:$0xa];
	[sflag:s25] =	ssyncadd.s32 $0xFFFFD800  }
0x8a: {  	[tilespmem:s26], [sflag:$0x5] =	stream.linear.gather [hbm4b:s23+s22], $0x2800, $0x38;
	[tilespmem:$0x1D2C0] =	vst v63  }
0x8b: {  	_ =	swait.ge [sflag:s25], $0x2800  }
0x8c: {  	[sflag:s25] =	ssyncset.done $0x0  }
0x8d: {  	s31 =	simm.s32 $0x0;
	[sflag:s25] =	ssyncadd.s32 $0xFFFFD800  }
0x8e: {  	v15 =	vld [tilespmem:s31+$0x2800];
	_ =	sdelay $0x4  }
0x8f: {  	vm1 =	vlt.s32 v15, $0x1400  }
0x90: {  	v13 =	vsel vm1, $0x1, v2  }
0x91: {  	(xrf0) =	vadd.scan.msk.s32 $0xffff, v13;
	_ =	sdelay $0x1  }
0x92: {  	vm0 =	vge.s32 v15, $0x1400  }
0x93: {  	v13 =	vsel vm0, $0x1, v2  }
0x94: {  	(xrf0) =	vadd.scan.msk.s32 $0xffff, v13;
	_ =	sdelay $0x1  }
0x95: {  	v13 =	vimm.s32 $0x0;
	v14, _, _ =	vpop (xrf0)  }
0x96: {  	v17 =	vadd.s32 v14, v13;
	_ =	sdelay $0x1  }
0x97: {  	v14 =	vperm.xlane v14, v3  }
0x98: {  	v16 =	vld [tilespmem:s31+$0x0];
	v18 =	vadd.s32 $0xFFFFFFFF, v17;
	v17, _, _ =	vpop (xrf0)  }
0x99: {  	v14 =	vxor.u32 $0x80000000, v14;
	v19 =	vperm.xlane v17, v3;
	v17 =	vadd.s32 v17, v13  }
0x9a: {  	(xrf0) =	vmax.scan.msk.u32 $0xffff, v14;
	v17 =	vadd.s32 $0xFFFFFFFF, v17  }
0x9b: {  	v14 =	vxor.u32 $0x80000000, v19  }
0x9c: {  	(xrf0) =	vmax.scan.msk.u32 $0xffff, v14  }
0x9d: {  	[tilespmem:v18+s2+$0x0] =	vst.idx.msk vm1, v16  }
0x9e: {  	s19 =	simm.s32 $0x80;
	s0 =	simm.s32 $0x40;
	[tilespmem:v18+s26+$0x0] =	vst.idx.msk vm1, v15;
	v14 =	vimm.s32 $0x0  }
.LBB2_4:
0x9f: {  	p2 =	sne.s32 s19, $0x9FC0;
	[tilespmem:v17+s28+$0x0] =	vst.idx.msk vm0, v16;
	v15 =	vadd.s32 $0xFFFFEC00, v15  }
0xa0: {  	s3 =	sshra.s32 s0, $0x2;
	s0 =	smov.u32 s19;
	[tilespmem:v17+s29+$0x0] =	vst.idx.msk vm0, v15;
	v16, _, _ =	vpop (xrf0)  }
0xa1: {  	v15 =	vld [tilespmem:s3+$0x2800];
	v18 =	vxor.u32 $0x80000000, v16  }
0xa2: {  	v16 =	vld [tilespmem:s3+$0x0];
	v13 =	vadd.s32 v13, v18;
	v17, _, _ =	vpop (xrf0)  }
0xa3: {  	v17 =	vxor.u32 $0x80000000, v17  }
0xa4: {  	v14 =	vadd.s32 v14, v17;
	_ =	sdelay $0x1  }
0xa5: {  	vm1 =	vlt.s32 v15, $0x1400  }
0xa6: {  	v17 =	vsel vm1, $0x1, v2  }
0xa7: {  	vm0 =	vge.s32 v15, $0x1400;
	(xrf0) =	vadd.scan.msk.s32 $0xffff, v17  }
0xa8: {  	v17 =	vsel vm0, $0x1, v2  }
0xa9: {  	(xrf0) =	vadd.scan.msk.s32 $0xffff, v17;
	_ =	sdelay $0x3  }
0xaa: {  	v17, _, _ =	vpop (xrf0)  }
0xab: {  	v18 =	vadd.s32 v17, v13;
	v17 =	vperm.xlane v17, v3  }
0xac: {  	v18 =	vadd.s32 $0xFFFFFFFF, v18;
	v19, _, _ =	vpop (xrf0)  }
0xad: {  	v20 =	vadd.s32 v19, v14;
	v21 =	vxor.u32 $0x80000000, v17;
	v19 =	vperm.xlane v19, v3  }
.Ltmp3:
0xae: {  	v17 =	vadd.s32 $0xFFFFFFFF, v20;
	(xrf0) =	vmax.scan.msk.u32 $0xffff, v21;
	(pc) =	sbr.rel @p2 .LBB2_4-.Ltmp3, $4  }
0xaf: {  	v19 =	vxor.u32 $0x80000000, v19  }
0xb0: {  	(xrf0) =	vmax.scan.msk.u32 $0xffff, v19  }
0xb1: {  	[tilespmem:v18+s2+$0x0] =	vst.idx.msk vm1, v16  }
0xb2: {  	s19 =	sadd.s32 $0x40, s19;
	[tilespmem:v18+s26+$0x0] =	vst.idx.msk vm1, v15  }
0xb3: {  	_ =	sdelay $0x4  }
0xb4: {  	[tilespmem:v17+s28+$0x0] =	vst.idx.msk vm0, v16;
	v15 =	vadd.s32 $0xFFFFEC00, v15  }
0xb5: {  	s0 =	sshra.s32 s0, $0x2;
	[tilespmem:v17+s29+$0x0] =	vst.idx.msk vm0, v15  }
0xb6: {  	v15 =	vld [tilespmem:s0+$0x2800];
	_ =	sdelay $0x4  }
0xb7: {  	vm1 =	vlt.s32 v15, $0x1400  }
0xb8: {  	v40 =	vsel vm1, $0x1, v2  }
0xb9: {  	vm0 =	vge.s32 v15, $0x1400;
	(xrf0) =	vadd.scan.msk.s32 $0xffff, v40  }
0xba: {  	v41 =	vsel vm0, $0x1, v2  }
0xbb: {  	v42, _, _ =	vpop (xrf0);
	(xrf0) =	vadd.scan.msk.s32 $0xffff, v41;
	_ =	sdelay $0x2  }
0xbc: {  	v43, _, _ =	vpop (xrf0)  }
0xbd: {  	v18, _, _ =	vpop (xrf0)  }
0xbe: {  	v19 =	vperm.xlane v18, v3  }
0xbf: {  	v20, _, _ =	vpop (xrf0)  }
0xc0: {  	v44 =	vperm.xlane v20, v3;
	v19 =	vxor.u32 $0x80000000, v19  }
0xc1: {  	(xrf0) =	vmax.scan.msk.u32 $0xffff, v19  }
0xc2: {  	v17 =	vxor.u32 $0x80000000, v42;
	v19 =	vxor.u32 $0x80000000, v44  }
0xc3: {  	v13 =	vadd.s32 v13, v17;
	(xrf0) =	vmax.scan.msk.u32 $0xffff, v19  }
0xc4: {  	v16 =	vxor.u32 $0x80000000, v43;
	v46 =	vadd.s32 v18, v13  }
0xc5: {  	v48 =	vld [tilespmem:s0+$0x0];
	v14 =	vadd.s32 v14, v16;
	v16 =	vadd.s32 $0xFFFFFFFF, v46;
	_ =	sdelay $0x1  }
0xc6: {  	v45, _, _ =	vpop (xrf0)  }
0xc7: {  	v47 =	vadd.s32 v20, v14;
	v17 =	vxor.u32 $0x80000000, v45  }
0xc8: {  	v21 =	vadd.s32 $0xFFFFEC00, v15;
	v18 =	vadd.s32 $0xFFFFFFFF, v47;
	v22, _, _ =	vpop (xrf0);
	v13 =	vadd.s32 v13, v17  }
0xc9: {  	[tilespmem:v16+s2+$0x0] =	vst.idx.msk vm1, v48;
	v22 =	vxor.u32 $0x80000000, v22;
	v49 =	vand.u32 $0xFFFFFFF0, v13;
	v50 =	vadd.s32 $0x7F, v13  }
0xca: {  	[tilespmem:v16+s26+$0x0] =	vst.idx.msk vm1, v15;
	v24 =	vand.u32 $0xFFFFFF80, v13;
	v14 =	vadd.s32 v14, v22;
	v20 =	vand.u32 $0xFFFFFF80, v50  }
0xcb: {  	v23 =	vor.u32 v0, v49;
	v25 =	vadd.s32 v5, v49;
	v51 =	vadd.s32 v6, v49  }
0xcc: {  	v26 =	vadd.s32 v7, v49;
	v15 =	vadd.s32 v8, v49;
	v52 =	vadd.s32 v9, v49  }
0xcd: {  	v53 =	vadd.s32 v10, v49;
	v54 =	vadd.s32 v11, v49;
	v19 =	vadd.s32 v12, v49  }
0xce: {  	v55 =	vand.u32 $0xFFFFFFF0, v14;
	v22 =	vadd.s32 $0x7F, v14;
	vm2 =	vge.s32 v23, v13  }
0xcf: {  	vm3 =	vlt.s32 v23, v20;
	v23 =	vand.u32 $0x7F, v23;
	vm12 =	vge.s32 v25, v13  }
0xd0: {  	vm4 =	vlt.s32 v25, v20;
	vm13 =	vge.s32 v51, v13;
	vm2 =	vmand vm2, vm3  }
0xd1: {  	vm5 =	vlt.s32 v51, v20;
	v23 =	vor.u32 v24, v23;
	vm3 =	vmand vm12, vm4  }
0xd2: {  	vm15 =	vge.s32 v26, v13;
	vm9 =	vlt.s32 v26, v20;
	vm14 =	vmand vm13, vm5  }
0xd3: {  	vm6 =	vge.s32 v15, v13;
	vm7 =	vlt.s32 v15, v20;
	vm4 =	vmand vm15, vm9  }
0xd4: {  	[tilespmem:v18+s28+$0x0] =	vst.idx.msk vm0, v48;
	vm10 =	vge.s32 v52, v13;
	vm11 =	vlt.s32 v52, v20;
	vm5 =	vmand vm6, vm7  }
0xd5: {  	[tilespmem:v18+s29+$0x0] =	vst.idx.msk vm0, v21;
	vm8 =	vge.s32 v54, v13;
	v56 =	vand.u32 $0xFFFFFF80, v22;
	v57 =	vor.u32 v0, v55  }
0xd6: {  	vm0 =	vmand vm10, vm11;
	vm12 =	vge.s32 v53, v13;
	vm13 =	vlt.s32 v53, v20;
	[tilespmem:v23+s26+$0x0] =	vst.idx.msk vm2, v4  }
0xd7: {  	v58 =	vadd.s32 v5, v55;
	vm9 =	vlt.s32 v54, v20;
	vm2 =	vmand vm12, vm13;
	[tilespmem:v25+s26+$0x0] =	vst.idx.msk vm3, v4  }
0xd8: {  	vm15 =	vge.s32 v19, v13;
	vm6 =	vmand vm8, vm9;
	[tilespmem:v51+s26+$0x0] =	vst.idx.msk vm14, v4;
	vm14 =	vlt.s32 v19, v20  }
0xd9: {  	vm12 =	vge.s32 v57, v14;
	vm13 =	vlt.s32 v57, v56;
	[tilespmem:v26+s26+$0x0] =	vst.idx.msk vm4, v4;
	vm1 =	vmand vm15, vm14  }
0xda: {  	v22 =	vand.u32 $0x7F, v57;
	vm14 =	vmand vm12, vm13;
	[tilespmem:v15+s26+$0x0] =	vst.idx.msk vm5, v4;
	v15 =	vand.u32 $0xFFFFFF80, v14  }
0xdb: {  	vm8 =	vlt.s32 v58, v56;
	vm15 =	vge.s32 v58, v14;
	v15 =	vor.u32 v15, v22  }
0xdc: {  	v59 =	vadd.s32 v6, v55;
	vm9 =	vmand vm15, vm8;
	[tilespmem:v52+s26+$0x0] =	vst.idx.msk vm0, v4  }
0xdd: {  	vm10 =	vge.s32 v59, v14;
	vm11 =	vlt.s32 v59, v56;
	[tilespmem:v53+s26+$0x0] =	vst.idx.msk vm2, v4  }
0xde: {  	v60 =	vadd.s32 v7, v55;
	vm2 =	vmand vm10, vm11;
	[tilespmem:v54+s26+$0x0] =	vst.idx.msk vm6, v4  }
0xdf: {  	vm12 =	vge.s32 v60, v14;
	vm13 =	vlt.s32 v60, v56;
	[tilespmem:v19+s26+$0x0] =	vst.idx.msk vm1, v4  }
0xe0: {  	(v2sf) =	vpush v13, $0x0;
	v13 =	vadd.s32 v8, v55;
	vm1 =	vmand vm12, vm13;
	[tilespmem:v15+s29+$0x0] =	vst.idx.msk vm14, v4  }
0xe1: {  	vm15 =	vlt.s32 v13, v56;
	[tilespmem:v15+s28+$0x0] =	vst.idx.msk vm14, v2;
	vm14 =	vge.s32 v13, v14  }
0xe2: {  	(v2sf) =	vpush v14, $0x0;
	v15 =	vadd.s32 v9, v55;
	[tilespmem:v58+s29+$0x0] =	vst.idx.msk vm9, v4;
	vm3 =	vmand vm14, vm15  }
0xe3: {  	vm8 =	vge.s32 v15, v14;
	[tilespmem:v58+s28+$0x0] =	vst.idx.msk vm9, v2;
	vm9 =	vlt.s32 v15, v56  }
0xe4: {  	v61 =	vadd.s32 v10, v55;
	[tilespmem:v59+s29+$0x0] =	vst.idx.msk vm2, v4;
	vm0 =	vmand vm8, vm9  }
0xe5: {  	vm10 =	vge.s32 v61, v14;
	vm11 =	vlt.s32 v61, v56;
	[tilespmem:v59+s28+$0x0] =	vst.idx.msk vm2, v2  }
0xe6: {  	v62 =	vadd.s32 v11, v55;
	vm2 =	vmand vm10, vm11;
	[tilespmem:v60+s29+$0x0] =	vst.idx.msk vm1, v4  }
0xe7: {  	vm12 =	vge.s32 v62, v14;
	vm13 =	vlt.s32 v62, v56;
	[tilespmem:v60+s28+$0x0] =	vst.idx.msk vm1, v2  }
0xe8: {  	v63 =	vadd.s32 v12, v55;
	vm1 =	vmand vm12, vm13;
	[tilespmem:v13+s29+$0x0] =	vst.idx.msk vm3, v4  }
0xe9: {  	vm14 =	vge.s32 v63, v14;
	vm15 =	vlt.s32 v63, v56;
	[tilespmem:v13+s28+$0x0] =	vst.idx.msk vm3, v2  }
0xea: {  	vm3 =	vmand vm14, vm15;
	[tilespmem:v15+s29+$0x0] =	vst.idx.msk vm0, v4  }
0xeb: {  	[tilespmem:v15+s28+$0x0] =	vst.idx.msk vm0, v2  }
0xec: {  	[tilespmem:v61+s29+$0x0] =	vst.idx.msk vm2, v4  }
0xed: {  	[tilespmem:v61+s28+$0x0] =	vst.idx.msk vm2, v2  }
0xee: {  	[tilespmem:v62+s29+$0x0] =	vst.idx.msk vm1, v4  }
.Ltmp4:
0xef: {  	s31 =	spop (v2sf);
	[tilespmem:v62+s28+$0x0] =	vst.idx.msk vm1, v2;
	(pc) =	sbr.rel @p1 .LBB2_9-.Ltmp4, $4  }
0xf0: {  	s0 =	sadd.s32 $0x7F, s31;
	[tilespmem:v63+s29+$0x0] =	vst.idx.msk vm3, v4  }
0xf1: {  	s19 =	spop (v2sf);
	s0 =	sshrl.u32 s0, $0x7;
	[tilespmem:v63+s28+$0x0] =	vst.idx.msk vm3, v2  }
0xf2: {  	p2 =	seq.s32 s0, $0x0;
	[bflag:$0x0] =	sbarrier.arrive $0xFFFF  }
0xf3: {  	p3 =	seq.s32 @!p2 s0, $0x1  }
0xf4: {  	s3 =	simm.s32 @!p2 $0x80  }
0xf5: {  	s7 =	simm.s32 @!p2 $0x0;
	s17 =	simm.s32 @!p2 $0xA000;
	p3 =	por p3, p2  }
0xf6: {  	[tilespmem:s17], [sflag:$0x1] =	stream.indirect.gather @!p2 [hbm4b:s4+s3], $0x80, s7, s3, $0xb8;
	[tilespmem:$0x1D2C0] =	vst v63  }
0xf7: {  	s7 =	simm.s32 @!p3 $0x80;
	s18 =	simm.s32 @!p3 $0xE000  }
0xf8: {  	[tilespmem:s18], [sflag:$0x2] =	stream.indirect.gather @!p3 [hbm4b:s4+s7], $0x80, s7, s7, $0xb8;
	[tilespmem:$0x1D2C0] =	vst v63  }
0xf9: {  	s7 =	simm.s32 @!p2 $0x1  }
0xfa: {  	_ =	swait.ge @!p2 [sflag:s7], $0x4000  }
0xfb: {  	[sflag:s7] =	ssyncset.done @!p2 $0x0  }
0xfc: {  	[sflag:s7] =	ssyncadd.s32 @!p2 $0xFFFFC000;
	s7 =	simm.s32 @!p2 $0x2800  }
0xfd: {  	[spmem:s1] =	stream.indirect.scatter.add.f32 @!p2 [tilespmem:s17], [sflag:$0x3], $0x80, s7, s3, $0xb8;
	[tilespmem:$0x1D2C0] =	vst v63  }
0xfe: {  	s20 =	simm.s32 $0x2880;
	p3 =	sgt.u32 s0, $0x1;
	s7 =	simm.s32 $0x1  }
0xff: {  	s31 =	simm.s32 $0x3;
	p4 =	sle.u32 @p3 s0, $0x2;
	s7 =	sand.u32 @p3 $0x1, s7  }
0x100: {  	s22 =	simm.s32 @p3 $0x2;
	p4 =	por p4, !p3;
	s17 =	sxor.u32 @p3 $0x1, s7  }
0x101: {  	s3 =	simm.s32 $0x100;
	s18 =	sshll.u32 @p3 s7, $0xE;
	s21 =	sadd.s32 @p3 $0x3, s17  }
0x102: {  	s9 =	sadd.s32 @p3 $0x1, s7;
	s23 =	sshll.u32 @!p4 s17, $0xE;
	_ =	swait.ge @p3 [sflag:s21], $0x4000  }
0x103: {  	s8 =	sadd.s32 @!p4 $0x1, s17;
	s17 =	sor.u32 @p3 $0xA000, s18;
	[sflag:s21] =	ssyncset.done @p3 $0x0  }
0x104: {  	s18 =	simm.s32 @!p4 $0x80;
	s23 =	sor.u32 @!p4 $0xA000, s23;
	[sflag:s21] =	ssyncadd.s32 @p3 $0xFFFFC000  }
0x105: {  	[tilespmem:s23], [sflag:s8] =	stream.indirect.gather @!p4 [hbm4b:s4+s18], $0x80, s3, s18, $0xb8;
	[tilespmem:$0x1D2C0] =	vst v63  }
0x106: {  	s21 =	simm.s32 @!p3 $0x2;
	s18 =	sadd.s32 @p3 $0x3, s7;
	_ =	swait.ge @p3 [sflag:s9], $0x4000  }
0x107: {  	s21 =	smov.u32 @p3 s22;
	s22 =	simm.s32 $0x2900;
	[sflag:s9] =	ssyncset.done @p3 $0x0  }
0x108: {  	s23 =	simm.s32 @p3 $0x80;
	s3 =	simm.s32 $0x180;
	[sflag:s9] =	ssyncadd.s32 @p3 $0xFFFFC000  }
.LBB2_7:
0x109: {  	[spmem:s1] =	stream.indirect.scatter.add.f32 @p3 [tilespmem:s17], [sflag:s18], $0x80, s20, s23, $0xb8;
	[tilespmem:$0x1D2C0] =	vst v63  }
0x10a: {  	s7 =	sadd.s32 $0xFFFFFFFF, s31;
	s8 =	smov.u32 s31;
	s31 =	sadd.s32 $0x1, s31  }
0x10b: {  	s20 =	smov.u32 s22;
	p3 =	slt.u32 s7, s0;
	p4 =	sne.s32 s31, $0x51  }
0x10c: {  	s7 =	sand.u32 @p3 $0x1, s7;
	s9 =	sadd.s32 @p3 $0x1, s21;
	p5 =	sge.u32 @p3 s8, s0  }
0x10d: {  	s8 =	sxor.u32 @p3 $0x1, s7;
	p5 =	por p5, !p3;
	s17 =	sshll.u32 @p3 s7, $0xE  }
0x10e: {  	s23 =	sadd.s32 @p3 $0x3, s8;
	s18 =	sshll.u32 @!p5 s8, $0xE;
	s8 =	sadd.s32 @!p5 $0x1, s8  }
0x10f: {  	s17 =	sor.u32 @p3 $0xA000, s17;
	s10 =	sor.u32 @!p5 $0xA000, s18;
	_ =	swait.ge @p3 [sflag:s23], $0x4000  }
0x110: {  	s11 =	sadd.s32 @p3 $0x1, s7;
	s18 =	sadd.s32 @p3 $0x3, s7;
	[sflag:s23] =	ssyncset.done @p3 $0x0  }
.Ltmp5:
0x111: {  	s7 =	simm.s32 @!p5 $0x80;
	[sflag:s23] =	ssyncadd.s32 @p3 $0xFFFFC000;
	(pc) =	sbr.rel @p4 .LBB2_7-.Ltmp5, $4  }
0x112: {  	[tilespmem:s10], [sflag:s8] =	stream.indirect.gather @!p5 [hbm4b:s4+s7], $0x80, s3, s7, $0xb8;
	[tilespmem:$0x1D2C0] =	vst v63  }
0x113: {  	s21 =	sadd.s32 @!p3 $0x1, s21;
	_ =	swait.ge @p3 [sflag:s11], $0x4000  }
0x114: {  	s22 =	sadd.s32 $0x80, s22;
	s21 =	smov.u32 @p3 s9;
	[sflag:s11] =	ssyncset.done @p3 $0x0  }
0x115: {  	s23 =	simm.s32 @p3 $0x80;
	s3 =	sadd.s32 $0x80, s3;
	[sflag:s11] =	ssyncadd.s32 @p3 $0xFFFFC000  }
.Ltmp6:
0x116: {  	(pc) =	sbr.rel @p2 .LBB2_13-.Ltmp6, $3  }
0x117: {  	_ =	sdelay $0x1  }
0x118: {  	[spmem:s1] =	stream.indirect.scatter.add.f32 @p3 [tilespmem:s17], [sflag:s18], $0x80, s20, s23, $0xb8;
	[tilespmem:$0x1D2C0] =	vst v63  }
0x119: {  	s3 =	rddreg [dreg:$0xc]  }
.LBB2_12:
0x11a: {  	s0 =	sxor.u32 $0xFFFFFFFF, s0  }
0x11b: {  	s0 =	sand.u32 $0x1, s0  }
0x11c: {  	s0 =	sadd.s32 $0x3, s0  }
0x11d: {  	_ =	swait.ge [sflag:s0], $0x4000  }
0x11e: {  	[sflag:s0] =	ssyncset.done $0x0  }
0x11f: {  	[sflag:s0] =	ssyncadd.s32 $0xFFFFC000  }
.LBB2_13:
0x120: {  	s0 =	stileid.u32  }
0x121: {  	s0 =	sshll.u32 s0, $0x6  }
0x122: {  	[bflag:$0x0] =	sbarrier.arrive $0xFFFF;
	s31 =	sor.u32 $0x1C05, s0;
	s0 =	sshrl.u32 s6, $0x3  }
0x123: {  	[hbm:s3], [sflag:s31] =	dma.local [spmem:s0], $0x1400  }
0x124: {  	_ =	swait.ge [sflag:s25], $0x1400  }
0x125: {  	[sflag:s25] =	ssyncset.done $0x0  }
0x126: {  	[sflag:s25] =	ssyncadd.s32 $0xFFFFEC00  }
0x127: {  	[bflag:$0x0] =	sbarrier.arrive $0xFFFF  }
0x128: {  	[spmem:s6] =	stream.linear.scatter [tilespmem:s24], [sflag:$0x5], $0x1000, $0x38;
	[tilespmem:$0x1D2C0] =	vst v63  }
0x129: {  	_ =	swait.ge [sflag:s25], $0x1000  }
0x12a: {  	[sflag:s25] =	ssyncset.done $0x0  }
0x12b: {  	[sflag:s25] =	ssyncadd.s32 $0xFFFFF000  }
0x12c: {  	[spmem:s12] =	stream.linear.scatter [tilespmem:s24], [sflag:$0x5], $0x1000, $0x38;
	[tilespmem:$0x1D2C0] =	vst v63  }
0x12d: {  	_ =	swait.ge [sflag:s25], $0x1000  }
0x12e: {  	[sflag:s25] =	ssyncset.done $0x0  }
0x12f: {  	s17 =	rddreg [dreg:$0x3];
	[sflag:s25] =	ssyncadd.s32 $0xFFFFF000  }
0x130: {  	[spmem:s17] =	stream.linear.scatter [tilespmem:s24], [sflag:$0x5], $0x1000, $0x38;
	[tilespmem:$0x1D2C0] =	vst v63  }
0x131: {  	_ =	swait.ge [sflag:s25], $0x1000  }
0x132: {  	[sflag:s25] =	ssyncset.done $0x0  }
0x133: {  	s18 =	rddreg [dreg:$0x4];
	[sflag:s25] =	ssyncadd.s32 $0xFFFFF000  }
0x134: {  	[spmem:s18] =	stream.linear.scatter [tilespmem:s24], [sflag:$0x5], $0x1000, $0x38;
	[tilespmem:$0x1D2C0] =	vst v63  }
0x135: {  	_ =	swait.ge [sflag:s25], $0x1000  }
0x136: {  	[sflag:s25] =	ssyncset.done $0x0  }
0x137: {  	s20 =	rddreg [dreg:$0x5];
	[sflag:s25] =	ssyncadd.s32 $0xFFFFF000  }
0x138: {  	[spmem:s20] =	stream.linear.scatter [tilespmem:s24], [sflag:$0x5], $0x1000, $0x38;
	[tilespmem:$0x1D2C0] =	vst v63  }
0x139: {  	_ =	swait.ge [sflag:s25], $0x1000  }
0x13a: {  	[sflag:s25] =	ssyncset.done $0x0  }
0x13b: {  	s21 =	rddreg [dreg:$0x6];
	[sflag:s25] =	ssyncadd.s32 $0xFFFFF000  }
0x13c: {  	[spmem:s21] =	stream.linear.scatter [tilespmem:s24], [sflag:$0x5], $0x1000, $0x38;
	[tilespmem:$0x1D2C0] =	vst v63  }
0x13d: {  	_ =	swait.ge [sflag:s25], $0x1000  }
0x13e: {  	[sflag:s25] =	ssyncset.done $0x0  }
0x13f: {  	s22 =	rddreg [dreg:$0x7];
	[sflag:s25] =	ssyncadd.s32 $0xFFFFF000  }
0x140: {  	[spmem:s22] =	stream.linear.scatter [tilespmem:s24], [sflag:$0x5], $0x1000, $0x38;
	[tilespmem:$0x1D2C0] =	vst v63  }
0x141: {  	_ =	swait.ge [sflag:s25], $0x1000  }
0x142: {  	[sflag:s25] =	ssyncset.done $0x0  }
0x143: {  	s23 =	rddreg [dreg:$0x8];
	[sflag:s25] =	ssyncadd.s32 $0xFFFFF000  }
0x144: {  	[spmem:s23] =	stream.linear.scatter [tilespmem:s24], [sflag:$0x5], $0x1000, $0x38;
	[tilespmem:$0x1D2C0] =	vst v63  }
0x145: {  	_ =	swait.ge [sflag:s25], $0x1000  }
0x146: {  	[sflag:s25] =	ssyncset.done $0x0  }
0x147: {  	[sflag:s25] =	ssyncadd.s32 $0xFFFFF000  }
0x148: {  	[spmem:s14] =	stream.linear.scatter [tilespmem:s24], [sflag:$0x5], $0x1000, $0x38;
	[tilespmem:$0x1D2C0] =	vst v63  }
0x149: {  	_ =	swait.ge [sflag:s25], $0x1000  }
0x14a: {  	[sflag:s25] =	ssyncset.done $0x0  }
0x14b: {  	[sflag:s25] =	ssyncadd.s32 $0xFFFFF000  }
0x14c: {  	[spmem:s15] =	stream.linear.scatter [tilespmem:s24], [sflag:$0x5], $0x1000, $0x38;
	[tilespmem:$0x1D2C0] =	vst v63  }
0x14d: {  	_ =	swait.ge [sflag:s25], $0x1000  }
0x14e: {  	[sflag:s25] =	ssyncset.done $0x0  }
0x14f: {  	s3 =	simm.s32 @!p0 $0x12000;
	[sflag:s25] =	ssyncadd.s32 $0xFFFFF000  }
0x150: {  	[spmem:s16] =	stream.linear.scatter @!p0 [tilespmem:s3], [sflag:$0x5], $0x400, $0x38;
	[tilespmem:$0x1D2C0] =	vst v63  }
0x151: {  	s3 =	simm.s32 @!p0 $0x5  }
.Ltmp7:
0x152: {  	_ =	swait.ge @!p0 [sflag:s3], $0x400;
	(pc) =	sbr.rel @p1 .LBB2_17-.Ltmp7, $4  }
0x153: {  	s7 =	sadd.s32 $0x7F, s19;
	[sflag:s3] =	ssyncset.done @!p0 $0x0  }
0x154: {  	s19 =	sshrl.u32 s7, $0x7;
	[sflag:s3] =	ssyncadd.s32 @!p0 $0xFFFFFC00  }
0x155: {  	p2 =	seq.s32 s19, $0x0;
	[bflag:$0x0] =	sbarrier.arrive $0xFFFF  }
0x156: {  	s13 =	smov.u32 s12;
	p3 =	seq.s32 @!p2 s19, $0x1  }
0x157: {  	s3 =	simm.s32 @!p2 $0x80  }
0x158: {  	s7 =	simm.s32 @!p2 $0x5000;
	s8 =	simm.s32 @!p2 $0xA000;
	p3 =	por p3, p2  }
0x159: {  	[tilespmem:s8], [sflag:$0x1] =	stream.indirect.gather @!p2 [hbm4b:s4+s3], $0x80, s7, s3, $0xb8;
	[tilespmem:$0x1D2C0] =	vst v63  }
0x15a: {  	s7 =	simm.s32 @!p3 $0x80;
	s9 =	simm.s32 @!p3 $0x5080;
	s10 =	simm.s32 @!p3 $0xE000  }
0x15b: {  	[tilespmem:s10], [sflag:$0x2] =	stream.indirect.gather @!p3 [hbm4b:s4+s7], $0x80, s9, s7, $0xb8;
	[tilespmem:$0x1D2C0] =	vst v63  }
0x15c: {  	s7 =	simm.s32 @!p2 $0x1  }
0x15d: {  	_ =	swait.ge @!p2 [sflag:s7], $0x4000  }
0x15e: {  	[sflag:s7] =	ssyncset.done @!p2 $0x0  }
0x15f: {  	[sflag:s7] =	ssyncadd.s32 @!p2 $0xFFFFC000;
	s7 =	simm.s32 @!p2 $0x7800  }
0x160: {  	[spmem:s1] =	stream.indirect.scatter.add.f32 @!p2 [tilespmem:s8], [sflag:$0x3], $0x80, s7, s3, $0xb8;
	[tilespmem:$0x1D2C0] =	vst v63  }
0x161: {  	s21 =	simm.s32 $0x7880;
	p3 =	sgt.u32 s19, $0x1;
	s7 =	simm.s32 $0x1  }
0x162: {  	p4 =	sle.u32 @p3 s19, $0x2;
	s22 =	simm.s32 @!p3 $0x2;
	s7 =	sand.u32 @p3 $0x1, s7  }
0x163: {  	p4 =	por p4, !p3;
	s3 =	simm.s32 $0x5100;
	s9 =	sxor.u32 @p3 $0x1, s7  }
0x164: {  	s8 =	simm.s32 @p3 $0x2;
	s10 =	sshll.u32 @p3 s7, $0xE;
	s11 =	sadd.s32 @p3 $0x3, s9  }
0x165: {  	s17 =	sshll.u32 @!p4 s9, $0xE;
	s9 =	sadd.s32 @!p4 $0x1, s9;
	_ =	swait.ge @p3 [sflag:s11], $0x4000  }
0x166: {  	s18 =	sor.u32 @p3 $0xA000, s10;
	s10 =	sadd.s32 @p3 $0x1, s7;
	[sflag:s11] =	ssyncset.done @p3 $0x0  }
0x167: {  	s17 =	sor.u32 @!p4 $0xA000, s17;
	[sflag:s11] =	ssyncadd.s32 @p3 $0xFFFFC000;
	s11 =	simm.s32 @!p4 $0x80  }
0x168: {  	[tilespmem:s17], [sflag:s9] =	stream.indirect.gather @!p4 [hbm4b:s4+s11], $0x80, s3, s11, $0xb8;
	[tilespmem:$0x1D2C0] =	vst v63  }
0x169: {  	s20 =	simm.s32 $0x3;
	s22 =	smov.u32 @p3 s8;
	_ =	swait.ge @p3 [sflag:s10], $0x4000  }
0x16a: {  	s23 =	sadd.s32 @p3 $0x3, s7;
	s7 =	simm.s32 @p3 $0x80;
	[sflag:s10] =	ssyncset.done @p3 $0x0  }
0x16b: {  	s3 =	simm.s32 $0x7900;
	s17 =	simm.s32 $0x5180;
	[sflag:s10] =	ssyncadd.s32 @p3 $0xFFFFC000  }
.LBB2_15:
0x16c: {  	[spmem:s1] =	stream.indirect.scatter.add.f32 @p3 [tilespmem:s18], [sflag:s23], $0x80, s21, s7, $0xb8;
	[tilespmem:$0x1D2C0] =	vst v63  }
0x16d: {  	s7 =	sadd.s32 $0xFFFFFFFF, s20;
	s8 =	smov.u32 s20;
	s20 =	sadd.s32 $0x1, s20  }
0x16e: {  	s21 =	smov.u32 s3;
	p3 =	slt.u32 s7, s19;
	p4 =	sne.s32 s20, $0x51  }
0x16f: {  	s7 =	sand.u32 @p3 $0x1, s7;
	s9 =	sadd.s32 @p3 $0x1, s22;
	p5 =	sge.u32 @p3 s8, s19  }
0x170: {  	s8 =	sxor.u32 @p3 $0x1, s7;
	p5 =	por p5, !p3;
	s10 =	sshll.u32 @p3 s7, $0xE  }
0x171: {  	s11 =	sadd.s32 @p3 $0x3, s8;
	s18 =	sshll.u32 @!p5 s8, $0xE;
	s8 =	sadd.s32 @!p5 $0x1, s8  }
0x172: {  	s12 =	sor.u32 @!p5 $0xA000, s18;
	s18 =	sor.u32 @p3 $0xA000, s10;
	_ =	swait.ge @p3 [sflag:s11], $0x4000  }
0x173: {  	s23 =	sadd.s32 @p3 $0x3, s7;
	s10 =	sadd.s32 @p3 $0x1, s7;
	[sflag:s11] =	ssyncset.done @p3 $0x0  }
.Ltmp8:
0x174: {  	s7 =	simm.s32 @!p5 $0x80;
	[sflag:s11] =	ssyncadd.s32 @p3 $0xFFFFC000;
	(pc) =	sbr.rel @p4 .LBB2_15-.Ltmp8, $4  }
0x175: {  	[tilespmem:s12], [sflag:s8] =	stream.indirect.gather @!p5 [hbm4b:s4+s7], $0x80, s17, s7, $0xb8;
	[tilespmem:$0x1D2C0] =	vst v63  }
0x176: {  	s22 =	sadd.s32 @!p3 $0x1, s22;
	_ =	swait.ge @p3 [sflag:s10], $0x4000  }
0x177: {  	s3 =	sadd.s32 $0x80, s3;
	s22 =	smov.u32 @p3 s9;
	[sflag:s10] =	ssyncset.done @p3 $0x0  }
0x178: {  	s7 =	simm.s32 @p3 $0x80;
	s17 =	sadd.s32 $0x80, s17;
	[sflag:s10] =	ssyncadd.s32 @p3 $0xFFFFC000  }
.Ltmp9:
0x179: {  	(pc) =	sbr.rel @!p2 .LBB2_20-.Ltmp9, $4  }
.Ltmp10:
0x17a: {  	(pc) =	sbr.rel @p2 .LBB2_21-.Ltmp10, $4  }
0x17b: {  	_ = 	snop  }
0x17c: {  	[spmem:s1] =	stream.indirect.scatter.add.f32 @p3 [tilespmem:s18], [sflag:s23], $0x80, s21, s7, $0xb8;
	[tilespmem:$0x1D2C0] =	vst v63  }
0x17d: {  	s3 =	rddreg [dreg:$0xe];
	s12 =	smov.u32 s13  }
0x17e: {  	_ = 	snop  }
.LBB2_9:
0x17f: {  	s3 =	simm.s32 @!p2 $0x80  }
0x180: {  	s7 =	simm.s32 @!p2 $0x0;
	s8 =	simm.s32 @!p2 $0xA000;
	p3 =	por p3, p2  }
0x181: {  	[tilespmem:s8], [sflag:$0x1] =	stream.indirect.gather @!p2 [hbm4b:s5+s3], $0x80, s7, s3, $0xb8;
	[tilespmem:$0x1D2C0] =	vst v63  }
0x182: {  	s7 =	simm.s32 @!p3 $0x80;
	s9 =	simm.s32 @!p3 $0xE000  }
0x183: {  	[tilespmem:s9], [sflag:$0x2] =	stream.indirect.gather @!p3 [hbm4b:s5+s7], $0x80, s7, s7, $0xb8;
	[tilespmem:$0x1D2C0] =	vst v63  }
0x184: {  	s7 =	simm.s32 @!p2 $0x1  }
0x185: {  	_ =	swait.ge @!p2 [sflag:s7], $0x4000  }
0x186: {  	[sflag:s7] =	ssyncset.done @!p2 $0x0  }
0x187: {  	[sflag:s7] =	ssyncadd.s32 @!p2 $0xFFFFC000;
	s7 =	simm.s32 @!p2 $0x2800  }
0x188: {  	[spmem:s1] =	stream.indirect.scatter.add.f32 @!p2 [tilespmem:s8], [sflag:$0x3], $0x80, s7, s3, $0xb8;
	[tilespmem:$0x1D2C0] =	vst v63  }
0x189: {  	s20 =	simm.s32 $0x2880;
	p3 =	sgt.u32 s0, $0x1;
	s7 =	simm.s32 $0x1  }
0x18a: {  	s31 =	simm.s32 $0x3;
	p4 =	sle.u32 @p3 s0, $0x2;
	s7 =	sand.u32 @p3 $0x1, s7  }
0x18b: {  	s22 =	simm.s32 $0x2900;
	p4 =	por p4, !p3;
	s9 =	sxor.u32 @p3 $0x1, s7  }
0x18c: {  	s3 =	simm.s32 $0x100;
	s10 =	sshll.u32 @p3 s7, $0xE;
	s11 =	sadd.s32 @p3 $0x3, s9  }
0x18d: {  	s17 =	sshll.u32 @!p4 s9, $0xE;
	s9 =	sadd.s32 @!p4 $0x1, s9;
	_ =	swait.ge @p3 [sflag:s11], $0x4000  }
0x18e: {  	s18 =	sor.u32 @!p4 $0xA000, s17;
	s17 =	sor.u32 @p3 $0xA000, s10;
	[sflag:s11] =	ssyncset.done @p3 $0x0  }
0x18f: {  	s10 =	sadd.s32 @p3 $0x1, s7;
	[sflag:s11] =	ssyncadd.s32 @p3 $0xFFFFC000;
	s11 =	simm.s32 @!p4 $0x80  }
0x190: {  	[tilespmem:s18], [sflag:s9] =	stream.indirect.gather @!p4 [hbm4b:s5+s11], $0x80, s3, s11, $0xb8;
	[tilespmem:$0x1D2C0] =	vst v63  }
0x191: {  	s21 =	simm.s32 @!p3 $0x2;
	s8 =	simm.s32 @p3 $0x2;
	_ =	swait.ge @p3 [sflag:s10], $0x4000  }
0x192: {  	s23 =	simm.s32 @p3 $0x80;
	s21 =	smov.u32 @p3 s8;
	[sflag:s10] =	ssyncset.done @p3 $0x0  }
0x193: {  	s18 =	sadd.s32 @p3 $0x3, s7;
	s3 =	simm.s32 $0x180;
	[sflag:s10] =	ssyncadd.s32 @p3 $0xFFFFC000  }
.LBB2_10:
0x194: {  	[spmem:s1] =	stream.indirect.scatter.add.f32 @p3 [tilespmem:s17], [sflag:s18], $0x80, s20, s23, $0xb8;
	[tilespmem:$0x1D2C0] =	vst v63  }
0x195: {  	s7 =	sadd.s32 $0xFFFFFFFF, s31;
	s8 =	smov.u32 s31;
	s31 =	sadd.s32 $0x1, s31  }
0x196: {  	s20 =	smov.u32 s22;
	p3 =	slt.u32 s7, s0;
	p4 =	sne.s32 s31, $0x51  }
0x197: {  	s7 =	sand.u32 @p3 $0x1, s7;
	s9 =	sadd.s32 @p3 $0x1, s21;
	p5 =	sge.u32 @p3 s8, s0  }
0x198: {  	s8 =	sxor.u32 @p3 $0x1, s7;
	p5 =	por p5, !p3;
	s10 =	sshll.u32 @p3 s7, $0xE  }
0x199: {  	s11 =	sadd.s32 @p3 $0x3, s8;
	s17 =	sshll.u32 @!p5 s8, $0xE;
	s8 =	sadd.s32 @!p5 $0x1, s8  }
0x19a: {  	s23 =	sor.u32 @!p5 $0xA000, s17;
	s17 =	sor.u32 @p3 $0xA000, s10;
	_ =	swait.ge @p3 [sflag:s11], $0x4000  }
0x19b: {  	s18 =	sadd.s32 @p3 $0x3, s7;
	s10 =	sadd.s32 @p3 $0x1, s7;
	[sflag:s11] =	ssyncset.done @p3 $0x0  }
.Ltmp11:
0x19c: {  	s7 =	simm.s32 @!p5 $0x80;
	[sflag:s11] =	ssyncadd.s32 @p3 $0xFFFFC000;
	(pc) =	sbr.rel @p4 .LBB2_10-.Ltmp11, $4  }
0x19d: {  	[tilespmem:s23], [sflag:s8] =	stream.indirect.gather @!p5 [hbm4b:s5+s7], $0x80, s3, s7, $0xb8;
	[tilespmem:$0x1D2C0] =	vst v63  }
0x19e: {  	s21 =	sadd.s32 @!p3 $0x1, s21;
	_ =	swait.ge @p3 [sflag:s10], $0x4000  }
0x19f: {  	s22 =	sadd.s32 $0x80, s22;
	s21 =	smov.u32 @p3 s9;
	[sflag:s10] =	ssyncset.done @p3 $0x0  }
0x1a0: {  	s23 =	simm.s32 @p3 $0x80;
	s3 =	sadd.s32 $0x80, s3;
	[sflag:s10] =	ssyncadd.s32 @p3 $0xFFFFC000  }
.Ltmp12:
0x1a1: {  	(pc) =	sbr.rel @!p2 .LBB2_12-.Ltmp12, $4  }
.Ltmp13:
0x1a2: {  	(pc) =	sbr.rel @p2 .LBB2_13-.Ltmp13, $4  }
0x1a3: {  	_ = 	snop  }
0x1a4: {  	[spmem:s1] =	stream.indirect.scatter.add.f32 @p3 [tilespmem:s17], [sflag:s18], $0x80, s20, s23, $0xb8;
	[tilespmem:$0x1D2C0] =	vst v63  }
0x1a5: {  	s3 =	rddreg [dreg:$0xb]  }
0x1a6: {  	_ = 	snop  }
.LBB2_17:
0x1a7: {  	s3 =	simm.s32 @!p2 $0x80  }
0x1a8: {  	s7 =	simm.s32 @!p2 $0x5000;
	s8 =	simm.s32 @!p2 $0xA000;
	p3 =	por p3, p2  }
0x1a9: {  	[tilespmem:s8], [sflag:$0x1] =	stream.indirect.gather @!p2 [hbm4b:s5+s3], $0x80, s7, s3, $0xb8;
	[tilespmem:$0x1D2C0] =	vst v63  }
0x1aa: {  	s7 =	simm.s32 @!p3 $0x80;
	s9 =	simm.s32 @!p3 $0x5080;
	s10 =	simm.s32 @!p3 $0xE000  }
0x1ab: {  	[tilespmem:s10], [sflag:$0x2] =	stream.indirect.gather @!p3 [hbm4b:s5+s7], $0x80, s9, s7, $0xb8;
	[tilespmem:$0x1D2C0] =	vst v63  }
0x1ac: {  	s7 =	simm.s32 @!p2 $0x1  }
0x1ad: {  	_ =	swait.ge @!p2 [sflag:s7], $0x4000  }
0x1ae: {  	[sflag:s7] =	ssyncset.done @!p2 $0x0  }
0x1af: {  	[sflag:s7] =	ssyncadd.s32 @!p2 $0xFFFFC000;
	s7 =	simm.s32 @!p2 $0x7800  }
0x1b0: {  	[spmem:s1] =	stream.indirect.scatter.add.f32 @!p2 [tilespmem:s8], [sflag:$0x3], $0x80, s7, s3, $0xb8;
	[tilespmem:$0x1D2C0] =	vst v63  }
0x1b1: {  	s21 =	simm.s32 $0x7880;
	p3 =	sgt.u32 s19, $0x1;
	s7 =	simm.s32 $0x1  }
0x1b2: {  	s20 =	simm.s32 $0x3;
	p4 =	sle.u32 @p3 s19, $0x2;
	s7 =	sand.u32 @p3 $0x1, s7  }
0x1b3: {  	s17 =	simm.s32 $0x5180;
	p4 =	por p4, !p3;
	s9 =	sxor.u32 @p3 $0x1, s7  }
0x1b4: {  	s3 =	simm.s32 $0x5100;
	s10 =	sshll.u32 @p3 s7, $0xE;
	s11 =	sadd.s32 @p3 $0x3, s9  }
0x1b5: {  	s12 =	sshll.u32 @!p4 s9, $0xE;
	s9 =	sadd.s32 @!p4 $0x1, s9;
	_ =	swait.ge @p3 [sflag:s11], $0x4000  }
0x1b6: {  	s18 =	sor.u32 @p3 $0xA000, s10;
	s10 =	sadd.s32 @p3 $0x1, s7;
	[sflag:s11] =	ssyncset.done @p3 $0x0  }
0x1b7: {  	s12 =	sor.u32 @!p4 $0xA000, s12;
	[sflag:s11] =	ssyncadd.s32 @p3 $0xFFFFC000;
	s11 =	simm.s32 @!p4 $0x80  }
0x1b8: {  	[tilespmem:s12], [sflag:s9] =	stream.indirect.gather @!p4 [hbm4b:s5+s11], $0x80, s3, s11, $0xb8;
	[tilespmem:$0x1D2C0] =	vst v63  }
0x1b9: {  	s22 =	simm.s32 @!p3 $0x2;
	s8 =	simm.s32 @p3 $0x2;
	_ =	swait.ge @p3 [sflag:s10], $0x4000  }
0x1ba: {  	s22 =	smov.u32 @p3 s8;
	s23 =	sadd.s32 @p3 $0x3, s7;
	[sflag:s10] =	ssyncset.done @p3 $0x0  }
0x1bb: {  	s7 =	simm.s32 @p3 $0x80;
	s3 =	simm.s32 $0x7900;
	[sflag:s10] =	ssyncadd.s32 @p3 $0xFFFFC000  }
.LBB2_18:
0x1bc: {  	[spmem:s1] =	stream.indirect.scatter.add.f32 @p3 [tilespmem:s18], [sflag:s23], $0x80, s21, s7, $0xb8;
	[tilespmem:$0x1D2C0] =	vst v63  }
0x1bd: {  	s7 =	sadd.s32 $0xFFFFFFFF, s20;
	s8 =	smov.u32 s20;
	s20 =	sadd.s32 $0x1, s20  }
0x1be: {  	s21 =	smov.u32 s3;
	p3 =	slt.u32 s7, s19;
	p4 =	sne.s32 s20, $0x51  }
0x1bf: {  	s7 =	sand.u32 @p3 $0x1, s7;
	s9 =	sadd.s32 @p3 $0x1, s22;
	p5 =	sge.u32 @p3 s8, s19  }
0x1c0: {  	s8 =	sxor.u32 @p3 $0x1, s7;
	p5 =	por p5, !p3;
	s10 =	sshll.u32 @p3 s7, $0xE  }
0x1c1: {  	s11 =	sadd.s32 @p3 $0x3, s8;
	s12 =	sshll.u32 @!p5 s8, $0xE;
	s8 =	sadd.s32 @!p5 $0x1, s8  }
0x1c2: {  	s18 =	sor.u32 @p3 $0xA000, s10;
	s12 =	sor.u32 @!p5 $0xA000, s12;
	_ =	swait.ge @p3 [sflag:s11], $0x4000  }
0x1c3: {  	s23 =	sadd.s32 @p3 $0x3, s7;
	s10 =	sadd.s32 @p3 $0x1, s7;
	[sflag:s11] =	ssyncset.done @p3 $0x0  }
.Ltmp14:
0x1c4: {  	s7 =	simm.s32 @!p5 $0x80;
	[sflag:s11] =	ssyncadd.s32 @p3 $0xFFFFC000;
	(pc) =	sbr.rel @p4 .LBB2_18-.Ltmp14, $4  }
0x1c5: {  	[tilespmem:s12], [sflag:s8] =	stream.indirect.gather @!p5 [hbm4b:s5+s7], $0x80, s17, s7, $0xb8;
	[tilespmem:$0x1D2C0] =	vst v63  }
0x1c6: {  	s22 =	sadd.s32 @!p3 $0x1, s22;
	_ =	swait.ge @p3 [sflag:s10], $0x4000  }
0x1c7: {  	s3 =	sadd.s32 $0x80, s3;
	s22 =	smov.u32 @p3 s9;
	[sflag:s10] =	ssyncset.done @p3 $0x0  }
0x1c8: {  	s7 =	simm.s32 @p3 $0x80;
	s17 =	sadd.s32 $0x80, s17;
	[sflag:s10] =	ssyncadd.s32 @p3 $0xFFFFC000  }
.Ltmp15:
0x1c9: {  	(pc) =	sbr.rel @!p2 .LBB2_20-.Ltmp15, $4  }
.Ltmp16:
0x1ca: {  	(pc) =	sbr.rel @p2 .LBB2_21-.Ltmp16, $4  }
0x1cb: {  	_ = 	snop  }
0x1cc: {  	[spmem:s1] =	stream.indirect.scatter.add.f32 @p3 [tilespmem:s18], [sflag:s23], $0x80, s21, s7, $0xb8;
	[tilespmem:$0x1D2C0] =	vst v63  }
0x1cd: {  	s3 =	rddreg [dreg:$0xd];
	s12 =	smov.u32 s13  }
0x1ce: {  	_ = 	snop  }
.LBB2_22:
0x1cf: {  	_ =	sfence.sel $0x180000  }
0x1d0: {  	[bflag:$0x0] =	sbarrier.arrive $0xFFFF  }
0x1d1: {  	_ =	strace $0x9000004D  }
0x1d2: {  	[bflag:$0x2] =	sbarrier.arrive $0xFFFF  }
0x1d3: {  	s0 =	rddreg [dreg:$0x2]  }
0x1d4: {  	s0 =	sadd.s32 @!p0 $0x100000, s0  }
0x1d5: {  	[sflag:s0] =	ssyncadd.tile.s32 @!p0 $0x1;
	_ =	shalt  }
.Lfunc_end2:
_tile_overlayer_lowered:
.L_overlay_start_2:
0x1d6: {  	(tag) =	ssettag $0x2  }
0x1d7: {  	s0 =	rddreg [dreg:$0x0];
	s2 =	stileid.u32  }
0x1d8: {  	s1 =	rddreg [dreg:$0x1];
	p0 =	sne.s32 s2, $0x0  }
0x1d9: {  	s3 =	rddreg [dreg:$0x2];
	[bflag:$0x3] =	sbarrier.arrive $0xFFFF;
	s2 =	simm.s32 @!p0 $0x1C05  }
0x1da: {  	[timem:s3], [sflag:s2] =	dma.local @!p0 [hbm:s0], s1  }
0x1db: {  	s0 =	simm.s32 @!p0 $0x5  }
0x1dc: {  	_ =	swait.ge @!p0 [sflag:s0], s1  }
0x1dd: {  	s1 =	ssub.s32 @!p0 $0x0, s1;
	[sflag:s0] =	ssyncset.done @!p0 $0x0  }
0x1de: {  	[sflag:s0] =	ssyncadd.s32 @!p0 s1  }
0x1df: {  	[bflag:$0x3] =	sbarrier.arrive $0xFFFF  }
0x1e0: {  	_ =	shalt  }

// kernel: kernel.7.cloned.1.call-start
scs
__scs_entry_jumppad:
0x0: {  	(pc) =	sbr.rel $0x88, $3  }
0x1: {  	(tag) =	ssettag $0x0;
	lr =	simm.s32 $0x1  }
0x2: {  	[smem:$0x3F99] =	sst lr;
	_ =	strace $0xD0000000  }
0x3: {  	_ = 	snop  }
0x4: {  	_ = 	snop  }
0x5: {  	_ = 	snop  }
0x6: {  	_ = 	snop  }
0x7: {  	_ = 	snop  }
__scs_overlays_trampoline_lowered:
0x8: {  	[smem:$0x3FA8] =	sst s0  }
0x9: {  	[smem:$0x3FA9] =	sst s1  }
0xa: {  	[smem:$0x3FAA] =	sst s2  }
0xb: {  	[smem:$0x3FAB] =	sst s3  }
0xc: {  	[smem:$0x3FAC] =	sst s4  }
0xd: {  	[smem:$0x3FAD] =	sst s5  }
0xe: {  	[smem:$0x3FAE] =	sst s6  }
0xf: {  	[smem:$0x3FAF] =	sst s7  }
0x10: {  	[smem:$0x3FB0] =	sst s8  }
0x11: {  	[smem:$0x3FB1] =	sst s9;
	s0 =	simm.s32 @!p0 $0x0  }
0x12: {  	s1 =	sld [smem:$0x3F97];
	s0 =	simm.s32 @p0 $0x1  }
0x13: {  	[smem:$0x3FB2] =	sst s0;
	s0 =	simm.s32 @!p1 $0x0  }
0x14: {  	s2 =	sld [smem:$0x3F96];
	s0 =	simm.s32 @p1 $0x1  }
0x15: {  	[smem:$0x3FB3] =	sst s0;
	s0 =	simm.s32 @!p2 $0x0  }
0x16: {  	s3 =	sld [smem:$0x3FDB];
	s0 =	simm.s32 @p2 $0x1  }
0x17: {  	s4 =	simm.s32 $0x1BF5;
	[smem:$0x3FB5] =	sst s0  }
0x18: {  	s0 =	sld [smem:$0x3F98];
	_ =	swait.ge [sflag:s4], $0x0  }
0x19: {  	s7 =	sld [smem:$0x3F99]  }
0x1a: {  	s8 =	sadd.s32 $0xFFFFE003, lr  }
0x1b: {  	s9 =	sadd.s32 $0xFFFFFEF7, lr;
	s5 =	simm.s32 $0xFFFFFFFF;
	p2 =	slt.u32 s8, $0xFFFFF086  }
0x1c: {  	p1 =	slt.u32 s9, $0xF7A;
	s5 =	simm.s32 @!p2 $0x0  }
0x1d: {  	s5 =	simm.s32 @p1 $0x1;
	p0 =	seq.s32 s7, s2  }
0x1e: {  	s7 =	smul.u32 @!p0 $0xF7A, s2;
	p2 =	seq.s32 @!p0 s5, $0x0  }
0x1f: {  	s9 =	smul.u32 $0xF7A, s1;
	s8 =	simm.s32 @!p0 $0x1BF5;
	p2 =	por !p2, p0  }
0x20: {  	[sflag:s8] =	ssyncset.s32 @!p0 $0xFFFFF086;
	s6 =	sadd.s32 @!p0 s3, s7;
	s7 =	simm.s32 @!p0 $0x108  }
0x21: {  	s3 =	sadd.s32 s3, s9;
	s6 =	sadd.s32 @!p0 $0x88, s6;
	s7 =	simm.s32 @p2 $0x1082  }
0x22: {  	[simem:s7], [sflag:s8] =	dma.local @!p0 [hbm:s6], $0xF7A  }
0x23: {  	s9 =	sor.u32 $0xD0000000, s2;
	s6 =	simm.s32 $0x108;
	_ =	swait.ge @!p0 [sflag:s8], $0x0  }
0x24: {  	s3 =	sadd.s32 $0x88, s3;
	s6 =	simm.s32 @!p1 $0x1082;
	[sflag:s4] =	ssyncset.s32 $0xFFFFF086  }
0x25: {  	[simem:s6], [sflag:s4] =	dma.local [hbm:s3], $0xF7A  }
0x26: {  	[smem:$0x3F99] =	sst s1;
	(tag) =	ssettag s2;
	_ =	strace s9  }
0x27: {  	s1 =	sld [smem:$0x3FA9]  }
0x28: {  	s2 =	sld [smem:$0x3FAA]  }
0x29: {  	s4 =	sld [smem:$0x3FAC]  }
0x2a: {  	p0 =	seq.s32 s5, $0x0;
	s5 =	sld [smem:$0x3FAD]  }
0x2b: {  	s6 =	sld [smem:$0x3FAE]  }
0x2c: {  	s7 =	sld [smem:$0x3FAF]  }
0x2d: {  	s3 =	simm.s32 $0x108;
	s8 =	sld [smem:$0x3FB0]  }
0x2e: {  	s3 =	simm.s32 @!p0 $0x1082;
	s9 =	sld [smem:$0x3FB1]  }
0x2f: {  	lr =	sadd.s32 s0, s3;
	s0 =	sld [smem:$0x3FA8]  }
0x30: {  	s3 =	sld [smem:$0x3FAB]  }
0x31: {  	[smem:$0x3FB4] =	sst s10  }
0x32: {  	s10 =	sld [smem:$0x3FB2];
	_ =	sdelay $0x3  }
0x33: {  	p0 =	seq.s32 s10, $0x1;
	s10 =	sld [smem:$0x3FB4];
	_ =	sdelay $0x3  }
0x34: {  	[smem:$0x3FB4] =	sst s10  }
0x35: {  	s10 =	sld [smem:$0x3FB3];
	_ =	sdelay $0x3  }
0x36: {  	p1 =	seq.s32 s10, $0x1;
	s10 =	sld [smem:$0x3FB4];
	_ =	sdelay $0x3  }
0x37: {  	[smem:$0x3FB4] =	sst s10  }
0x38: {  	s10 =	sld [smem:$0x3FB5]  }
0x39: {  	_ = 	snop;
	(pc) =	sbr.ind lr, $3  }
0x3a: {  	_ = 	snop  }
0x3b: {  	_ = 	snop  }
0x3c: {  	p2 =	seq.s32 s10, $0x1;
	s10 =	sld [smem:$0x3FB4]  }
0x3d: {  	_ =	shalt  }
0x3e: {  	_ =	shalt  }
0x3f: {  	_ =	shalt  }
0x40: {  	_ =	shalt  }
0x41: {  	_ =	shalt  }
0x42: {  	_ =	shalt  }
0x43: {  	_ =	shalt  }
0x44: {  	_ =	shalt  }
0x45: {  	_ =	shalt  }
0x46: {  	_ =	shalt  }
0x47: {  	_ =	shalt  }
0x48: {  	_ =	shalt  }
0x49: {  	_ =	shalt  }
0x4a: {  	_ =	shalt  }
0x4b: {  	_ =	shalt  }
0x4c: {  	_ =	shalt  }
0x4d: {  	_ =	shalt  }
0x4e: {  	_ =	shalt  }
0x4f: {  	_ =	shalt  }
0x50: {  	_ =	shalt  }
0x51: {  	_ =	shalt  }
0x52: {  	_ =	shalt  }
0x53: {  	_ =	shalt  }
0x54: {  	_ =	shalt  }
0x55: {  	_ =	shalt  }
0x56: {  	_ =	shalt  }
0x57: {  	_ =	shalt  }
0x58: {  	_ =	shalt  }
0x59: {  	_ =	shalt  }
0x5a: {  	_ =	shalt  }
0x5b: {  	_ =	shalt  }
0x5c: {  	_ =	shalt  }
0x5d: {  	_ =	shalt  }
0x5e: {  	_ =	shalt  }
0x5f: {  	_ =	shalt  }
0x60: {  	_ =	shalt  }
0x61: {  	_ =	shalt  }
0x62: {  	_ =	shalt  }
0x63: {  	_ =	shalt  }
0x64: {  	_ =	shalt  }
0x65: {  	_ =	shalt  }
0x66: {  	_ =	shalt  }
0x67: {  	_ =	shalt  }
0x68: {  	_ =	shalt  }
0x69: {  	_ =	shalt  }
0x6a: {  	_ =	shalt  }
0x6b: {  	_ =	shalt  }
0x6c: {  	_ =	shalt  }
0x6d: {  	_ =	shalt  }
0x6e: {  	_ =	shalt  }
0x6f: {  	_ =	shalt  }
0x70: {  	_ =	shalt  }
0x71: {  	_ =	shalt  }
0x72: {  	_ =	shalt  }
0x73: {  	_ =	shalt  }
0x74: {  	_ =	shalt  }
0x75: {  	_ =	shalt  }
0x76: {  	_ =	shalt  }
0x77: {  	_ =	shalt  }
0x78: {  	_ =	shalt  }
0x79: {  	_ =	shalt  }
0x7a: {  	_ =	shalt  }
0x7b: {  	_ =	shalt  }
0x7c: {  	_ =	shalt  }
0x7d: {  	_ =	shalt  }
0x7e: {  	_ =	shalt  }
0x7f: {  	_ =	shalt  }
0x80: {  	_ =	shalt  }
0x81: {  	_ =	shalt  }
0x82: {  	_ =	shalt  }
0x83: {  	_ =	shalt  }
0x84: {  	_ =	shalt  }
0x85: {  	_ =	shalt  }
0x86: {  	_ =	shalt  }
0x87: {  	_ =	shalt  }
.Lfunc_end0:
.L_simem_size_0:
called_computation_lowered:
.L_overlay_start_0:
0x88: {  	s2 =	sld [smem:$0x3FD9]  }
0x89: {  	s3 =	sld [smem:$0x3FFE];
	_ =	sdelay $0x1  }
0x8a: {  	s1 =	srdreg.scid  }
0x8b: {  	s0 =	sand.u32 $0x1, s1  }
0x8c: {  	s16 =	sshll.u32 s0, $0xA;
	s2 =	sadd.s32 s3, s2  }
0x8d: {  	s2 =	sadd.s32 s2, s16  }
0x8e: {  	[smem:$0x3FC0] =	sst s2  }
0x8f: {  	_ = 	snop  }
0x90: {  	(tm) =	ssettm $0x1  }
0x91: {  	s17 =	sld [smem:$0x3FFB];
	_ =	sdelay $0x3  }
0x92: {  	_ =	strace s17  }
0x93: {  	s2 =	sld [smem:$0x3FFC];
	_ =	sdelay $0x3  }
0x94: {  	_ =	strace s2  }
0x95: {  	s2 =	sld [smem:$0x3FFD];
	_ =	sdelay $0x3  }
0x96: {  	_ =	strace s2  }
0x97: {  	_ =	strace $0x8FFFFFFF  }
0x98: {  	s18 =	sld [smem:$0x3FDB];
	_ =	sdelay $0x1  }
0x99: {  	s19 =	simm.s32 $_scs_section_size  }
0x9a: {  	s4 =	simm.s32 $_size__tile_overlayer_lowered;
	s5 =	simm.s32 $_tile_overlayer_lowered  }
0x9b: {  	s22 =	simm.s32 $0x1BFF;
	s21 =	sshll.u32 s5, $0x1;
	s2 =	sadd.s32 s19, s18  }
0x9c: {  	s6 =	simm.s32 $0x0;
	s20 =	sshll.u32 s4, $0x1;
	s4 =	sadd.s32 s21, s2  }
0x9d: {  	[timem:s6], [sflag:s22] =	dma.local [hbm:s4], s20  }
0x9e: {  	_ =	swait.ge [sflag:s22], s20  }
0x9f: {  	s3 =	ssub.s32 $0x0, s20;
	[sflag:s22] =	ssyncset.done $0x0  }
0xa0: {  	[sflag:s22] =	ssyncadd.s32 s3;
	_ =	sdelay $0x1  }
0xa1: {  	s23 =	simm.s32 $0x1B8B  }
0xa2: {  	_ =	swait.ge [sflag:s23], $0x1  }
0xa3: {  	[sflag:s23] =	ssyncset.done $0x0  }
0xa4: {  	s25 =	simm.s32 $0x1B8E;
	s24 =	sld [smem:$0x3FFE];
	[sflag:s23] =	ssyncadd.s32 $0xFFFFFFFF  }
0xa5: {  	s26 =	simm.s32 $execute0_lowered;
	[smem:$0x3FD2] =	sst s25  }
0xa6: {  	s4 =	sshll.u32 s26, $0x1;
	_ =	strace $0x80000046;
	[dreg:$0x1] =	wrdreg $0xFFFFFFFF  }
0xa7: {  	s28 =	simm.s32 $_size_execute0_lowered;
	s2 =	sadd.s32 s2, s4;
	[dreg:$0x0] =	wrdreg $0x0  }
0xa8: {  	s4 =	sshll.u32 s28, $0x1;
	[dreg:$0x2] =	wrdreg s2  }
0xa9: {  	[dreg:$0x3] =	wrdreg s4  }
0xaa: {  	[dreg:$0x4] =	wrdreg $0xC0  }
0xab: {  	_ =	task [dreg:s6], $0x5FFFF  }
0xac: {  	[dreg:$0x1] =	wrdreg $0xFFFFFFFF  }
0xad: {  	[dreg:$0x0] =	wrdreg $0x60  }
0xae: {  	[dreg:$0x2] =	wrdreg s24  }
0xaf: {  	[dreg:$0x3] =	wrdreg $0x17000  }
0xb0: {  	[dreg:$0x4] =	wrdreg $0x9  }
0xb1: {  	_ =	task.clear_ibuf [dreg:s6], $0x5FFFF;
	_ =	strace $0x90000046  }
0xb2: {  	s29 =	simm.s32 $0x9;
	_ =	strace $0x80000048  }
0xb3: {  	_ =	swait.ge [sflag:s29], $0x1  }
0xb4: {  	[sflag:s29] =	ssyncadd.s32 $0xFFFFFFFF  }
0xb5: {  	_ =	strace $0x90000048  }
0xb6: {  	_ =	sfence  }
0xb7: {  	s30 =	sld [smem:$0x0];
	_ =	sdelay $0x2  }
0xb8: {  	s31 =	sshll.u32 s1, $0xD;
	s1 =	sshrl.u32 s1, $0x2  }
0xb9: {  	s3 =	sand.u32 $0x4000, s31;
	s1 =	sadd.s32 s1, s30  }
0xba: {  	s0 =	sor.u32 s3, s0;
	s1 =	sshll.u32 s1, $0x11  }
0xbb: {  	s0 =	sor.u32 s1, s0  }
0xbc: {  	s0 =	sadd.s32 $0x8F2B, s0  }
0xbd: {  	[sflag:s0] =	ssyncadd.remote.s32 $0x1  }
0xbe: {  	_ =	sfence.sel $0xFFFF  }
0xbf: {  	[dreg:$0x0] =	wrdreg $0xFFFFFFFF;
	(pc) =	sbr.abs _section_cstart, $3  }
0xc0: {  	[dreg:$0x1] =	wrdreg $0xFFFFFFFF  }
0xc1: {  	_ =	task.clear_ibuf [dreg:s6], $0x2FFFF;
	_ =	strace $0x9FFFFFFF  }
0xc2: {  	(tm) =	ssettm $0x7FFFFFFF  }
0xc3: {  	_ =	shalt  }
tec
execute0_lowered:
.L_overlay_start_1:
0x0: {  	(tag) =	ssettag $0x1  }
0x1: {  	s0 =	srdreg.scid;
	s7 =	rddreg [dreg:$0x0]  }
0x2: {  	s2 =	rddreg [dreg:$0x1];
	s1 =	stileid.u32  }
0x3: {  	s3 =	simm.s32 $0x0;
	s10 =	simm.s32 $0x80;
	s11 =	simm.s32 $0x1400  }
0x4: {  	s14 =	simm.s32 $0x0;
	s4 =	sand.u32 $0x1, s0;
	s0 =	rddreg [dreg:$0x2]  }
0x5: {  	[smem:$0x7FF] =	sst s3;
	s9 =	smul.u32 $0x280, s1;
	s12 =	sshll.u32 s1, $0x6  }
0x6: {  	s5 =	sshll.u32 s4, $0x4;
	_ =	strace $0x80000047;
	s6 =	ssub.s32 $0x2, s4  }
0x7: {  	p0 =	seq.s32 s4, $0x1;
	s12 =	sor.u32 $0x1C01, s12;
	s5 =	sor.u32 s1, s5  }
0x8: {  	s8 =	sshrl.u32 s6, $0x1;
	s4 =	sadd.s32 s9, s2;
	s9 =	sshrl.u32 s9, $0x3  }
0x9: {  	s5 =	smul.u32 $0x280, s5;
	s6 =	ssub.s32 s6, s8;
	s8 =	simm.s32 $0xCC00  }
0xa: {  	s13 =	sshrl.u32 s4, $0x3;
	s8 =	simm.s32 @!p0 $0xC600;
	s6 =	smax.u32 s6, $0x1  }
0xb: {  	s5 =	sadd.s32 s5, s7;
	s7 =	sadd.s32 s8, s7;
	s8 =	simm.s32 $0x1480  }
0xc: {  	v0 =	vimm.f32 $0.0e+00;
	v1 =	vimm.f32 $1.000000000e+00;
	s5 =	sadd.s32 $0x2600, s5;
	s7 =	sadd.s32 s7, s9;
	s9 =	simm.s32 $0x1  }
.LBB2_1:
0xd: {  	[tilespmem:$0x1480] =	vst v0  }
0xe: {  	[tilespmem:$0x1490] =	vst v0  }
0xf: {  	[tilespmem:$0x14A0] =	vst v0  }
0x10: {  	[tilespmem:$0x14B0] =	vst v0  }
0x11: {  	[tilespmem:$0x14C0] =	vst v0  }
0x12: {  	[tilespmem:$0x14D0] =	vst v0  }
0x13: {  	[tilespmem:$0x14E0] =	vst v0  }
0x14: {  	[tilespmem:$0x14F0] =	vst v0  }
0x15: {  	[tilespmem:$0x1500] =	vst v0  }
0x16: {  	[tilespmem:$0x1510] =	vst v0  }
0x17: {  	[tilespmem:$0x1520] =	vst v0  }
0x18: {  	[tilespmem:$0x1530] =	vst v0  }
0x19: {  	[tilespmem:$0x1540] =	vst v0  }
0x1a: {  	[tilespmem:$0x1550] =	vst v0  }
0x1b: {  	[tilespmem:$0x1560] =	vst v0  }
0x1c: {  	[tilespmem:$0x1570] =	vst v0  }
0x1d: {  	[tilespmem:$0x1580] =	vst v0  }
0x1e: {  	[tilespmem:$0x1590] =	vst v0  }
0x1f: {  	[tilespmem:$0x15A0] =	vst v0  }
0x20: {  	[tilespmem:$0x15B0] =	vst v0  }
0x21: {  	[tilespmem:$0x15C0] =	vst v0  }
0x22: {  	[tilespmem:$0x15D0] =	vst v0  }
0x23: {  	[tilespmem:$0x15E0] =	vst v0  }
0x24: {  	[tilespmem:$0x15F0] =	vst v0  }
0x25: {  	[tilespmem:$0x1600] =	vst v0  }
0x26: {  	[tilespmem:$0x1610] =	vst v0  }
0x27: {  	[tilespmem:$0x1620] =	vst v0  }
0x28: {  	[tilespmem:$0x1630] =	vst v0  }
0x29: {  	[tilespmem:$0x1640] =	vst v0  }
0x2a: {  	[tilespmem:$0x1650] =	vst v0  }
0x2b: {  	[tilespmem:$0x1660] =	vst v0  }
0x2c: {  	[tilespmem:$0x1670] =	vst v0  }
0x2d: {  	[tilespmem:$0x1680] =	vst v0  }
0x2e: {  	[tilespmem:$0x1690] =	vst v0  }
0x2f: {  	[tilespmem:$0x16A0] =	vst v0  }
0x30: {  	[tilespmem:$0x16B0] =	vst v0  }
0x31: {  	[tilespmem:$0x16C0] =	vst v0  }
0x32: {  	[tilespmem:$0x16D0] =	vst v0  }
0x33: {  	[tilespmem:$0x16E0] =	vst v0  }
0x34: {  	[tilespmem:$0x16F0] =	vst v0  }
0x35: {  	[tilespmem:$0x1400] =	vst v1  }
0x36: {  	[tilespmem:$0x1410] =	vst v1  }
0x37: {  	[tilespmem:$0x1420] =	vst v1  }
0x38: {  	[tilespmem:$0x1430] =	vst v1  }
0x39: {  	[tilespmem:$0x1440] =	vst v1  }
0x3a: {  	[tilespmem:$0x1450] =	vst v1  }
0x3b: {  	[tilespmem:$0x1460] =	vst v1  }
0x3c: {  	[tilespmem:$0x1470] =	vst v1  }
0x3d: {  	[spmem:s4] =	stream.linear.scatter [tilespmem:s8], [sflag:$0x1], $0x280, $0x38;
	[tilespmem:$0x1980] =	vst v63  }
0x3e: {  	_ =	swait.ge [sflag:s9], $0x280  }
0x3f: {  	[sflag:s9] =	ssyncset.done $0x0  }
0x40: {  	[sflag:s9] =	ssyncadd.s32 $0xFFFFFD80  }
0x41: {  	[tilespmem:s3], [sflag:$0x1] =	stream.linear.gather [hbm4b:s5+s3], $0x1400, $0x38;
	[tilespmem:$0x1980] =	vst v63  }
0x42: {  	_ =	swait.ge [sflag:s9], $0x1400  }
0x43: {  	[sflag:s9] =	ssyncset.done $0x0  }
0x44: {  	[sflag:s9] =	ssyncadd.s32 $0xFFFFEC00  }
0x45: {  	s15 =	simm.s32 $0x0;
	[bflag:$0x0] =	sbarrier.arrive $0xFFFF  }
0x46: {  	[spmem:s2] =	stream.indirect.scatter.add.f32 [tilespmem:s11], [sflag:$0x1], $0x1, s15, s10, $0xb8;
	[tilespmem:$0x1980] =	vst v63  }
0x47: {  	_ =	swait.ge [sflag:s9], $0x80  }
0x48: {  	s15 =	simm.s32 $0x200;
	[sflag:s9] =	ssyncset.done $0x0  }
.LBB2_2:
0x49: {  	s16 =	sshra.s32 s15, $0x2;
	[sflag:s9] =	ssyncadd.s32 $0xFFFFFF80;
	p0 =	sne.s32 s15, $0x4E00  }
0x4a: {  	[spmem:s2] =	stream.indirect.scatter.add.f32 [tilespmem:s11], [sflag:$0x1], $0x1, s16, s10, $0xb8;
	[tilespmem:$0x1980] =	vst v63  }
.Ltmp0:
0x4b: {  	_ = 	snop;
	(pc) =	sbr.rel @p0 .LBB2_2-.Ltmp0, $4  }
0x4c: {  	_ = 	snop  }
0x4d: {  	s15 =	sadd.s32 $0x200, s15  }
0x4e: {  	_ =	swait.ge [sflag:s9], $0x80  }
0x4f: {  	[sflag:s9] =	ssyncset.done $0x0  }
0x50: {  	s14 =	sadd.s32 $0x1, s14  }
0x51: {  	[sflag:s9] =	ssyncadd.s32 $0xFFFFFF80;
	p0 =	sne.s32 s14, s6  }
.Ltmp1:
0x52: {  	[bflag:$0x0] =	sbarrier.arrive $0xFFFF;
	(pc) =	sbr.rel @p0 .LBB2_1-.Ltmp1, $4  }
0x53: {  	[hbm:s7], [sflag:s12] =	dma.local [spmem:s13], $0x50  }
0x54: {  	_ =	swait.ge [sflag:s9], $0x50  }
0x55: {  	[sflag:s9] =	ssyncset.done $0x0  }
0x56: {  	[sflag:s9] =	ssyncadd.s32 $0xFFFFFFB0  }
0x57: {  	_ =	sfence.sel $0x180000  }
0x58: {  	[bflag:$0x0] =	sbarrier.arrive $0xFFFF  }
0x59: {  	p0 =	sne.s32 s1, $0x0;
	_ =	strace $0x90000047  }
0x5a: {  	s0 =	sadd.s32 @!p0 $0x100000, s0;
	[bflag:$0x2] =	sbarrier.arrive $0xFFFF  }
0x5b: {  	[sflag:s0] =	ssyncadd.tile.s32 @!p0 $0x1;
	_ =	shalt  }
.Lfunc_end2:
_tile_overlayer_lowered:
.L_overlay_start_2:
0x5c: {  	(tag) =	ssettag $0x2  }
0x5d: {  	s0 =	rddreg [dreg:$0x0];
	s2 =	stileid.u32  }
0x5e: {  	s1 =	rddreg [dreg:$0x1];
	p0 =	sne.s32 s2, $0x0  }
0x5f: {  	s3 =	rddreg [dreg:$0x2];
	[bflag:$0x3] =	sbarrier.arrive $0xFFFF;
	s2 =	simm.s32 @!p0 $0x1C01  }
0x60: {  	[timem:s3], [sflag:s2] =	dma.local @!p0 [hbm:s0], s1  }
0x61: {  	s0 =	simm.s32 @!p0 $0x1  }
0x62: {  	_ =	swait.ge @!p0 [sflag:s0], s1  }
0x63: {  	s1 =	ssub.s32 @!p0 $0x0, s1;
	[sflag:s0] =	ssyncset.done @!p0 $0x0  }
0x64: {  	[sflag:s0] =	ssyncadd.s32 @!p0 s1  }
0x65: {  	[bflag:$0x3] =	sbarrier.arrive $0xFFFF  }
0x66: {  	_ =	shalt  }

</sc_bundles>
